<compile_context>
chip_gen: v7x
topology: tpu7x:2x2x1
jax: 0.10.2.dev20260603
libtpu: 0.0.44.dev20260713+nightly
codegen_flags: <defaults>
</compile_context>

<pallas_src>
import functools

import jax
import jax.numpy as jnp
from jax import lax
from jax.experimental import pallas as pl
from jax.experimental.pallas import tpu as pltpu
from jax.experimental.pallas import tpu_sc as plsc

F = 26
B = 16384
FIELD_DIM = 100000
TABLE_N = F * FIELD_DIM
TABLE_PAD = 2600960
L = 16
NC = 2
NS = 16
NW = NC * NS
PER_W = B // NW
E = PER_W * F
NCHUNK = PER_W // L
FQ = 2

_MESH = plsc.VectorSubcoreMesh(
    core_axis_name="c", subcore_axis_name="s", num_cores=NC, num_subcores=NS
)


def _worker_base():
    return (lax.axis_index("s") * NC + lax.axis_index("c")) * PER_W


@functools.partial(
    pl.kernel,
    mesh=_MESH,
    out_type=jax.ShapeDtypeStruct((B * F,), jnp.int32),
    compiler_params=pltpu.CompilerParams(needs_layout_passes=False),
    scratch_types=[
        pltpu.VMEM((E,), jnp.int32),
        pltpu.SemaphoreType.DMA,
    ],
)
def _sc_build(xt_hbm, idx_hbm, idxv, sem):
    base = _worker_base()

    descs = [
        pltpu.async_copy(
            xt_hbm.at[f, pl.ds(base, PER_W)],
            idxv.at[pl.ds(f * PER_W, PER_W)],
            sem,
        )
        for f in range(F)
    ]
    for d in descs:
        d.wait()

    def build(c, carry):
        off = (c // NCHUNK) * FIELD_DIM
        idxv[pl.ds(c * L, L)] = idxv[pl.ds(c * L, L)] + off
        return carry

    lax.fori_loop(0, E // L, build, 0)
    pltpu.sync_copy(idxv, idx_hbm.at[pl.ds(base * F, E)])


@functools.partial(
    pl.kernel,
    mesh=_MESH,
    out_type=jax.ShapeDtypeStruct((B,), jnp.float32),
    compiler_params=pltpu.CompilerParams(needs_layout_passes=False),
    scratch_types=[
        pltpu.VMEM((E,), jnp.int32),
        pltpu.VMEM((E,), jnp.float32),
        pltpu.VMEM((PER_W,), jnp.float32),
        pltpu.VMEM((1, 1), jnp.float32),
        pltpu.SemaphoreType.DMA,
        [pltpu.SemaphoreType.DMA] * (F // FQ),
    ],
)
def _sc_main(idx_hbm, table_hbm, bias_hbm, out_hbm,
             idxv, rowsv, outv, biasv, sem, gsems):
    base = _worker_base()
    NQ = F // FQ
    EQ = FQ * PER_W

    dloads = [
        pltpu.async_copy(
            idx_hbm.at[pl.ds(base * F + q * EQ, EQ)],
            idxv.at[pl.ds(q * EQ, EQ)],
            sem,
        )
        for q in range(NQ)
    ]
    pltpu.sync_copy(bias_hbm, biasv)

    gathers = []
    for q in range(NQ):
        dloads[q].wait()
        gathers.append(
            pltpu.async_copy(
                table_hbm.at[idxv.at[pl.ds(q * EQ, EQ)]],
                rowsv.at[pl.ds(q * EQ, EQ)],
                gsems[q],
            )
        )

    zeros16 = lax.iota(jnp.int32, L) * 0
    bias_vec = plsc.load_gather(biasv, [zeros16, zeros16])

    for q in range(NQ):
        gathers[q].wait()

        def reduce_q(c, carry, q=q):
            if q == 0:
                acc = bias_vec + rowsv[pl.ds(c * L, L)]
                flo = 1
            else:
                acc = outv[pl.ds(c * L, L)]
                flo = q * FQ
            for f in range(flo, (q + 1) * FQ):
                acc = acc + rowsv[pl.ds(f * PER_W + c * L, L)]
            outv[pl.ds(c * L, L)] = acc
            return carry

        lax.fori_loop(0, NCHUNK, reduce_q, 0)

    pltpu.sync_copy(outv, out_hbm.at[pl.ds(base, PER_W)])


@jax.jit
def kernel(x, table, bias):
    xt = x.T
    tf = lax.dynamic_update_slice(
        jnp.zeros((TABLE_PAD, 1), jnp.float32), table, (0, 0)
    ).reshape(-1)
    idx_all = _sc_build(xt)
    out = _sc_main(idx_all, tf, bias)
    return out.reshape(B, 1)

# --- scband reference (transcript-rebuilt; emitter-appended) ---
"""Pipeline reference for scband-features-linear-52553219834067 (READ-ONLY COPY).

The authoritative reference and input builder live on the scoring server;
editing this copy changes nothing except your own understanding.
"""

import jax, jax.numpy as jnp
import numpy as np

FIELD_DIMS = [100000] * 26
OUTPUT_DIM = 1
BATCH = 16384


def _offsets():
    return jnp.asarray(np.array((0, *np.cumsum(FIELD_DIMS)[:-1]), dtype=np.int32))


def setup_inputs(seed: int = 0) -> dict:
    key = jax.random.key(seed)
    k1, k2 = jax.random.split(key, 2)
    # per-field indices, each in [0, field_dim)
    x = jax.random.randint(k1, (BATCH, len(FIELD_DIMS)), 0, FIELD_DIMS[0], dtype=jnp.int32)
    # learned params: embedding table (fc.weight) and bias
    table = jax.random.normal(k2, (int(sum(FIELD_DIMS)), OUTPUT_DIM), dtype=jnp.float32) * 0.01
    bias = jnp.zeros((OUTPUT_DIM, 1), dtype=jnp.float32)
    return {"x": x, "table": table, "bias": bias}


def reference(x, table, bias):
    # x = x + offsets (shift per-field local ids into the concatenated table)
    idx = x + _offsets()[None, :]
    # embedding lookup: [B, F, output_dim]
    emb = jnp.take(table, idx, axis=0)
    # sum over fields + bias; bias is (output_dim, 1) -> broadcasts to (B, output_dim) as in torch
    return jnp.sum(emb, axis=1) + bias

if __name__ == "__main__":
    import jax
    _d = setup_inputs()
    print(jax.jit(kernel)(*tuple(_d.values())))

</pallas_src>

<mosaic_0001>
#map = affine_map<(d0, d1) -> (0, 0)>
#map1 = affine_map<(d0, d1) -> (0)>
module attributes {stable_mosaic.version = 14 : i64} {
  func.func @_sc_build(%arg0: i32, %arg1: i32, %arg2: memref<26x16384xi32, #tpu.memory_space<hbm>>, %arg3: memref<425984xi32, #tpu.memory_space<hbm>>, %arg4: memref<13312xi32, #tpu.memory_space<vmem>>, %arg5: memref<!tpu.dma_semaphore, #tpu.memory_space<semaphore_mem>>) attributes {dimension_semantics = [#tpu.dimension_semantics<core_parallel>, #tpu.dimension_semantics<subcore_parallel>], iteration_bounds = array<i64: 2, 16>, scalar_prefetch = 0 : i64, scratch_operands = 2 : i64, tpu.core_type = #tpu.core_type<sc_vector_subcore>, window_params = [{transform_indices = #map}, {transform_indices = #map1}]} {
    %mul3A = arith.constant 2 : i32
    %mul3A_0 = arith.muli %arg1, %mul3A : i32
    %add3A = arith.addi %mul3A_0, %arg0 : i32
    %mul3A_1 = arith.constant 512 : i32
    %mul3A_2 = arith.muli %add3A, %mul3A_1 : i32
    %dma_start3A = arith.constant 0 : i32
    %dma_start3A_3 = arith.constant 0 : i32
    %dma_start3A_4 = tpu.memref_slice %arg4[%dma_start3A_3] : memref<13312xi32, #tpu.memory_space<vmem>> -> memref<512xi32, #tpu.memory_space<vmem>>
    %dma_start3A_5 = tpu.memref_slice %arg2[%dma_start3A, %mul3A_2] : memref<26x16384xi32, #tpu.memory_space<hbm>> -> memref<1x512xi32, #tpu.memory_space<hbm>>
    %dma_start3A_6 = tpu.memref_squeeze %dma_start3A_5 : memref<1x512xi32, #tpu.memory_space<hbm>> -> memref<512xi32, #tpu.memory_space<hbm>>
    %dma_start3A_7 = arith.constant 0 : i32
    %dma_start3A_8 = tpu.memref_slice %arg4[%dma_start3A_7] : memref<13312xi32, #tpu.memory_space<vmem>> -> memref<512xi32, #tpu.memory_space<vmem>>
    %dma_start3A_9 = tpu.memref_slice %arg2[%dma_start3A, %mul3A_2] : memref<26x16384xi32, #tpu.memory_space<hbm>> -> memref<1x512xi32, #tpu.memory_space<hbm>>
    %dma_start3A_10 = tpu.memref_squeeze %dma_start3A_9 : memref<1x512xi32, #tpu.memory_space<hbm>> -> memref<512xi32, #tpu.memory_space<hbm>>
    tpu.enqueue_dma source(%dma_start3A_10 : memref<512xi32, #tpu.memory_space<hbm>>) target(%dma_start3A_8 : memref<512xi32, #tpu.memory_space<vmem>>) target_semaphore(%arg5 : memref<!tpu.dma_semaphore, #tpu.memory_space<semaphore_mem>>)
    %dma_start3A_11 = arith.constant 1 : i32
    %dma_start3A_12 = arith.constant 512 : i32
    %dma_start3A_13 = tpu.memref_slice %arg4[%dma_start3A_12] : memref<13312xi32, #tpu.memory_space<vmem>> -> memref<512xi32, #tpu.memory_space<vmem>>
    %dma_start3A_14 = tpu.memref_slice %arg2[%dma_start3A_11, %mul3A_2] : memref<26x16384xi32, #tpu.memory_space<hbm>> -> memref<1x512xi32, #tpu.memory_space<hbm>>
    %dma_start3A_15 = tpu.memref_squeeze %dma_start3A_14 : memref<1x512xi32, #tpu.memory_space<hbm>> -> memref<512xi32, #tpu.memory_space<hbm>>
    %dma_start3A_16 = arith.constant 512 : i32
    %dma_start3A_17 = tpu.memref_slice %arg4[%dma_start3A_16] : memref<13312xi32, #tpu.memory_space<vmem>> -> memref<512xi32, #tpu.memory_space<vmem>>
    %dma_start3A_18 = tpu.memref_slice %arg2[%dma_start3A_11, %mul3A_2] : memref<26x16384xi32, #tpu.memory_space<hbm>> -> memref<1x512xi32, #tpu.memory_space<hbm>>
    %dma_start3A_19 = tpu.memref_squeeze %dma_start3A_18 : memref<1x512xi32, #tpu.memory_space<hbm>> -> memref<512xi32, #tpu.memory_space<hbm>>
    tpu.enqueue_dma source(%dma_start3A_19 : memref<512xi32, #tpu.memory_space<hbm>>) target(%dma_start3A_17 : memref<512xi32, #tpu.memory_space<vmem>>) target_semaphore(%arg5 : memref<!tpu.dma_semaphore, #tpu.memory_space<semaphore_mem>>)
    %dma_start3A_20 = arith.constant 2 : i32
    %dma_start3A_21 = arith.constant 1024 : i32
    %dma_start3A_22 = tpu.memref_slice %arg4[%dma_start3A_21] : memref<13312xi32, #tpu.memory_space<vmem>> -> memref<512xi32, #tpu.memory_space<vmem>>
    %dma_start3A_23 = tpu.memref_slice %arg2[%dma_start3A_20, %mul3A_2] : memref<26x16384xi32, #tpu.memory_space<hbm>> -> memref<1x512xi32, #tpu.memory_space<hbm>>
    %dma_start3A_24 = tpu.memref_squeeze %dma_start3A_23 : memref<1x512xi32, #tpu.memory_space<hbm>> -> memref<512xi32, #tpu.memory_space<hbm>>
    %dma_start3A_25 = arith.constant 1024 : i32
    %dma_start3A_26 = tpu.memref_slice %arg4[%dma_start3A_25] : memref<13312xi32, #tpu.memory_space<vmem>> -> memref<512xi32, #tpu.memory_space<vmem>>
    %dma_start3A_27 = tpu.memref_slice %arg2[%dma_start3A_20, %mul3A_2] : memref<26x16384xi32, #tpu.memory_space<hbm>> -> memref<1x512xi32, #tpu.memory_space<hbm>>
    %dma_start3A_28 = tpu.memref_squeeze %dma_start3A_27 : memref<1x512xi32, #tpu.memory_space<hbm>> -> memref<512xi32, #tpu.memory_space<hbm>>
    tpu.enqueue_dma source(%dma_start3A_28 : memref<512xi32, #tpu.memory_space<hbm>>) target(%dma_start3A_26 : memref<512xi32, #tpu.memory_space<vmem>>) target_semaphore(%arg5 : memref<!tpu.dma_semaphore, #tpu.memory_space<semaphore_mem>>)
    %dma_start3A_29 = arith.constant 3 : i32
    %dma_start3A_30 = arith.constant 1536 : i32
    %dma_start3A_31 = tpu.memref_slice %arg4[%dma_start3A_30] : memref<13312xi32, #tpu.memory_space<vmem>> -> memref<512xi32, #tpu.memory_space<vmem>>
    %dma_start3A_32 = tpu.memref_slice %arg2[%dma_start3A_29, %mul3A_2] : memref<26x16384xi32, #tpu.memory_space<hbm>> -> memref<1x512xi32, #tpu.memory_space<hbm>>
    %dma_start3A_33 = tpu.memref_squeeze %dma_start3A_32 : memref<1x512xi32, #tpu.memory_space<hbm>> -> memref<512xi32, #tpu.memory_space<hbm>>
    %dma_start3A_34 = arith.constant 1536 : i32
    %dma_start3A_35 = tpu.memref_slice %arg4[%dma_start3A_34] : memref<13312xi32, #tpu.memory_space<vmem>> -> memref<512xi32, #tpu.memory_space<vmem>>
    %dma_start3A_36 = tpu.memref_slice %arg2[%dma_start3A_29, %mul3A_2] : memref<26x16384xi32, #tpu.memory_space<hbm>> -> memref<1x512xi32, #tpu.memory_space<hbm>>
    %dma_start3A_37 = tpu.memref_squeeze %dma_start3A_36 : memref<1x512xi32, #tpu.memory_space<hbm>> -> memref<512xi32, #tpu.memory_space<hbm>>
    tpu.enqueue_dma source(%dma_start3A_37 : memref<512xi32, #tpu.memory_space<hbm>>) target(%dma_start3A_35 : memref<512xi32, #tpu.memory_space<vmem>>) target_semaphore(%arg5 : memref<!tpu.dma_semaphore, #tpu.memory_space<semaphore_mem>>)
    %dma_start3A_38 = arith.constant 4 : i32
    %dma_start3A_39 = arith.constant 2048 : i32
    %dma_start3A_40 = tpu.memref_slice %arg4[%dma_start3A_39] : memref<13312xi32, #tpu.memory_space<vmem>> -> memref<512xi32, #tpu.memory_space<vmem>>
    %dma_start3A_41 = tpu.memref_slice %arg2[%dma_start3A_38, %mul3A_2] : memref<26x16384xi32, #tpu.memory_space<hbm>> -> memref<1x512xi32, #tpu.memory_space<hbm>>
    %dma_start3A_42 = tpu.memref_squeeze %dma_start3A_41 : memref<1x512xi32, #tpu.memory_space<hbm>> -> memref<512xi32, #tpu.memory_space<hbm>>
    %dma_start3A_43 = arith.constant 2048 : i32
    %dma_start3A_44 = tpu.memref_slice %arg4[%dma_start3A_43] : memref<13312xi32, #tpu.memory_space<vmem>> -> memref<512xi32, #tpu.memory_space<vmem>>
    %dma_start3A_45 = tpu.memref_slice %arg2[%dma_start3A_38, %mul3A_2] : memref<26x16384xi32, #tpu.memory_space<hbm>> -> memref<1x512xi32, #tpu.memory_space<hbm>>
    %dma_start3A_46 = tpu.memref_squeeze %dma_start3A_45 : memref<1x512xi32, #tpu.memory_space<hbm>> -> memref<512xi32, #tpu.memory_space<hbm>>
    tpu.enqueue_dma source(%dma_start3A_46 : memref<512xi32, #tpu.memory_space<hbm>>) target(%dma_start3A_44 : memref<512xi32, #tpu.memory_space<vmem>>) target_semaphore(%arg5 : memref<!tpu.dma_semaphore, #tpu.memory_space<semaphore_mem>>)
    %dma_start3A_47 = arith.constant 5 : i32
    %dma_start3A_48 = arith.constant 2560 : i32
    %dma_start3A_49 = tpu.memref_slice %arg4[%dma_start3A_48] : memref<13312xi32, #tpu.memory_space<vmem>> -> memref<512xi32, #tpu.memory_space<vmem>>
    %dma_start3A_50 = tpu.memref_slice %arg2[%dma_start3A_47, %mul3A_2] : memref<26x16384xi32, #tpu.memory_space<hbm>> -> memref<1x512xi32, #tpu.memory_space<hbm>>
    %dma_start3A_51 = tpu.memref_squeeze %dma_start3A_50 : memref<1x512xi32, #tpu.memory_space<hbm>> -> memref<512xi32, #tpu.memory_space<hbm>>
    %dma_start3A_52 = arith.constant 2560 : i32
    %dma_start3A_53 = tpu.memref_slice %arg4[%dma_start3A_52] : memref<13312xi32, #tpu.memory_space<vmem>> -> memref<512xi32, #tpu.memory_space<vmem>>
    %dma_start3A_54 = tpu.memref_slice %arg2[%dma_start3A_47, %mul3A_2] : memref<26x16384xi32, #tpu.memory_space<hbm>> -> memref<1x512xi32, #tpu.memory_space<hbm>>
    %dma_start3A_55 = tpu.memref_squeeze %dma_start3A_54 : memref<1x512xi32, #tpu.memory_space<hbm>> -> memref<512xi32, #tpu.memory_space<hbm>>
    tpu.enqueue_dma source(%dma_start3A_55 : memref<512xi32, #tpu.memory_space<hbm>>) target(%dma_start3A_53 : memref<512xi32, #tpu.memory_space<vmem>>) target_semaphore(%arg5 : memref<!tpu.dma_semaphore, #tpu.memory_space<semaphore_mem>>)
    %dma_start3A_56 = arith.constant 6 : i32
    %dma_start3A_57 = arith.constant 3072 : i32
    %dma_start3A_58 = tpu.memref_slice %arg4[%dma_start3A_57] : memref<13312xi32, #tpu.memory_space<vmem>> -> memref<512xi32, #tpu.memory_space<vmem>>
    %dma_start3A_59 = tpu.memref_slice %arg2[%dma_start3A_56, %mul3A_2] : memref<26x16384xi32, #tpu.memory_space<hbm>> -> memref<1x512xi32, #tpu.memory_space<hbm>>
    %dma_start3A_60 = tpu.memref_squeeze %dma_start3A_59 : memref<1x512xi32, #tpu.memory_space<hbm>> -> memref<512xi32, #tpu.memory_space<hbm>>
    %dma_start3A_61 = arith.constant 3072 : i32
    %dma_start3A_62 = tpu.memref_slice %arg4[%dma_start3A_61] : memref<13312xi32, #tpu.memory_space<vmem>> -> memref<512xi32, #tpu.memory_space<vmem>>
    %dma_start3A_63 = tpu.memref_slice %arg2[%dma_start3A_56, %mul3A_2] : memref<26x16384xi32, #tpu.memory_space<hbm>> -> memref<1x512xi32, #tpu.memory_space<hbm>>
    %dma_start3A_64 = tpu.memref_squeeze %dma_start3A_63 : memref<1x512xi32, #tpu.memory_space<hbm>> -> memref<512xi32, #tpu.memory_space<hbm>>
    tpu.enqueue_dma source(%dma_start3A_64 : memref<512xi32, #tpu.memory_space<hbm>>) target(%dma_start3A_62 : memref<512xi32, #tpu.memory_space<vmem>>) target_semaphore(%arg5 : memref<!tpu.dma_semaphore, #tpu.memory_space<semaphore_mem>>)
    %dma_start3A_65 = arith.constant 7 : i32
    %dma_start3A_66 = arith.constant 3584 : i32
    %dma_start3A_67 = tpu.memref_slice %arg4[%dma_start3A_66] : memref<13312xi32, #tpu.memory_space<vmem>> -> memref<512xi32, #tpu.memory_space<vmem>>
    %dma_start3A_68 = tpu.memref_slice %arg2[%dma_start3A_65, %mul3A_2] : memref<26x16384xi32, #tpu.memory_space<hbm>> -> memref<1x512xi32, #tpu.memory_space<hbm>>
    %dma_start3A_69 = tpu.memref_squeeze %dma_start3A_68 : memref<1x512xi32, #tpu.memory_space<hbm>> -> memref<512xi32, #tpu.memory_space<hbm>>
    %dma_start3A_70 = arith.constant 3584 : i32
    %dma_start3A_71 = tpu.memref_slice %arg4[%dma_start3A_70] : memref<13312xi32, #tpu.memory_space<vmem>> -> memref<512xi32, #tpu.memory_space<vmem>>
    %dma_start3A_72 = tpu.memref_slice %arg2[%dma_start3A_65, %mul3A_2] : memref<26x16384xi32, #tpu.memory_space<hbm>> -> memref<1x512xi32, #tpu.memory_space<hbm>>
    %dma_start3A_73 = tpu.memref_squeeze %dma_start3A_72 : memref<1x512xi32, #tpu.memory_space<hbm>> -> memref<512xi32, #tpu.memory_space<hbm>>
    tpu.enqueue_dma source(%dma_start3A_73 : memref<512xi32, #tpu.memory_space<hbm>>) target(%dma_start3A_71 : memref<512xi32, #tpu.memory_space<vmem>>) target_semaphore(%arg5 : memref<!tpu.dma_semaphore, #tpu.memory_space<semaphore_mem>>)
    %dma_start3A_74 = arith.constant 8 : i32
    %dma_start3A_75 = arith.constant 4096 : i32
    %dma_start3A_76 = tpu.memref_slice %arg4[%dma_start3A_75] : memref<13312xi32, #tpu.memory_space<vmem>> -> memref<512xi32, #tpu.memory_space<vmem>>
    %dma_start3A_77 = tpu.memref_slice %arg2[%dma_start3A_74, %mul3A_2] : memref<26x16384xi32, #tpu.memory_space<hbm>> -> memref<1x512xi32, #tpu.memory_space<hbm>>
    %dma_start3A_78 = tpu.memref_squeeze %dma_start3A_77 : memref<1x512xi32, #tpu.memory_space<hbm>> -> memref<512xi32, #tpu.memory_space<hbm>>
    %dma_start3A_79 = arith.constant 4096 : i32
    %dma_start3A_80 = tpu.memref_slice %arg4[%dma_start3A_79] : memref<13312xi32, #tpu.memory_space<vmem>> -> memref<512xi32, #tpu.memory_space<vmem>>
    %dma_start3A_81 = tpu.memref_slice %arg2[%dma_start3A_74, %mul3A_2] : memref<26x16384xi32, #tpu.memory_space<hbm>> -> memref<1x512xi32, #tpu.memory_space<hbm>>
    %dma_start3A_82 = tpu.memref_squeeze %dma_start3A_81 : memref<1x512xi32, #tpu.memory_space<hbm>> -> memref<512xi32, #tpu.memory_space<hbm>>
    tpu.enqueue_dma source(%dma_start3A_82 : memref<512xi32, #tpu.memory_space<hbm>>) target(%dma_start3A_80 : memref<512xi32, #tpu.memory_space<vmem>>) target_semaphore(%arg5 : memref<!tpu.dma_semaphore, #tpu.memory_space<semaphore_mem>>)
    %dma_start3A_83 = arith.constant 9 : i32
    %dma_start3A_84 = arith.constant 4608 : i32
    %dma_start3A_85 = tpu.memref_slice %arg4[%dma_start3A_84] : memref<13312xi32, #tpu.memory_space<vmem>> -> memref<512xi32, #tpu.memory_space<vmem>>
    %dma_start3A_86 = tpu.memref_slice %arg2[%dma_start3A_83, %mul3A_2] : memref<26x16384xi32, #tpu.memory_space<hbm>> -> memref<1x512xi32, #tpu.memory_space<hbm>>
    %dma_start3A_87 = tpu.memref_squeeze %dma_start3A_86 : memref<1x512xi32, #tpu.memory_space<hbm>> -> memref<512xi32, #tpu.memory_space<hbm>>
    %dma_start3A_88 = arith.constant 4608 : i32
    %dma_start3A_89 = tpu.memref_slice %arg4[%dma_start3A_88] : memref<13312xi32, #tpu.memory_space<vmem>> -> memref<512xi32, #tpu.memory_space<vmem>>
    %dma_start3A_90 = tpu.memref_slice %arg2[%dma_start3A_83, %mul3A_2] : memref<26x16384xi32, #tpu.memory_space<hbm>> -> memref<1x512xi32, #tpu.memory_space<hbm>>
    %dma_start3A_91 = tpu.memref_squeeze %dma_start3A_90 : memref<1x512xi32, #tpu.memory_space<hbm>> -> memref<512xi32, #tpu.memory_space<hbm>>
    tpu.enqueue_dma source(%dma_start3A_91 : memref<512xi32, #tpu.memory_space<hbm>>) target(%dma_start3A_89 : memref<512xi32, #tpu.memory_space<vmem>>) target_semaphore(%arg5 : memref<!tpu.dma_semaphore, #tpu.memory_space<semaphore_mem>>)
    %dma_start3A_92 = arith.constant 10 : i32
    %dma_start3A_93 = arith.constant 5120 : i32
    %dma_start3A_94 = tpu.memref_slice %arg4[%dma_start3A_93] : memref<13312xi32, #tpu.memory_space<vmem>> -> memref<512xi32, #tpu.memory_space<vmem>>
    %dma_start3A_95 = tpu.memref_slice %arg2[%dma_start3A_92, %mul3A_2] : memref<26x16384xi32, #tpu.memory_space<hbm>> -> memref<1x512xi32, #tpu.memory_space<hbm>>
    %dma_start3A_96 = tpu.memref_squeeze %dma_start3A_95 : memref<1x512xi32, #tpu.memory_space<hbm>> -> memref<512xi32, #tpu.memory_space<hbm>>
    %dma_start3A_97 = arith.constant 5120 : i32
    %dma_start3A_98 = tpu.memref_slice %arg4[%dma_start3A_97] : memref<13312xi32, #tpu.memory_space<vmem>> -> memref<512xi32, #tpu.memory_space<vmem>>
    %dma_start3A_99 = tpu.memref_slice %arg2[%dma_start3A_92, %mul3A_2] : memref<26x16384xi32, #tpu.memory_space<hbm>> -> memref<1x512xi32, #tpu.memory_space<hbm>>
    %dma_start3A_100 = tpu.memref_squeeze %dma_start3A_99 : memref<1x512xi32, #tpu.memory_space<hbm>> -> memref<512xi32, #tpu.memory_space<hbm>>
    tpu.enqueue_dma source(%dma_start3A_100 : memref<512xi32, #tpu.memory_space<hbm>>) target(%dma_start3A_98 : memref<512xi32, #tpu.memory_space<vmem>>) target_semaphore(%arg5 : memref<!tpu.dma_semaphore, #tpu.memory_space<semaphore_mem>>)
    %dma_start3A_101 = arith.constant 11 : i32
    %dma_start3A_102 = arith.constant 5632 : i32
    %dma_start3A_103 = tpu.memref_slice %arg4[%dma_start3A_102] : memref<13312xi32, #tpu.memory_space<vmem>> -> memref<512xi32, #tpu.memory_space<vmem>>
    %dma_start3A_104 = tpu.memref_slice %arg2[%dma_start3A_101, %mul3A_2] : memref<26x16384xi32, #tpu.memory_space<hbm>> -> memref<1x512xi32, #tpu.memory_space<hbm>>
    %dma_start3A_105 = tpu.memref_squeeze %dma_start3A_104 : memref<1x512xi32, #tpu.memory_space<hbm>> -> memref<512xi32, #tpu.memory_space<hbm>>
    %dma_start3A_106 = arith.constant 5632 : i32
    %dma_start3A_107 = tpu.memref_slice %arg4[%dma_start3A_106] : memref<13312xi32, #tpu.memory_space<vmem>> -> memref<512xi32, #tpu.memory_space<vmem>>
    %dma_start3A_108 = tpu.memref_slice %arg2[%dma_start3A_101, %mul3A_2] : memref<26x16384xi32, #tpu.memory_space<hbm>> -> memref<1x512xi32, #tpu.memory_space<hbm>>
    %dma_start3A_109 = tpu.memref_squeeze %dma_start3A_108 : memref<1x512xi32, #tpu.memory_space<hbm>> -> memref<512xi32, #tpu.memory_space<hbm>>
    tpu.enqueue_dma source(%dma_start3A_109 : memref<512xi32, #tpu.memory_space<hbm>>) target(%dma_start3A_107 : memref<512xi32, #tpu.memory_space<vmem>>) target_semaphore(%arg5 : memref<!tpu.dma_semaphore, #tpu.memory_space<semaphore_mem>>)
    %dma_start3A_110 = arith.constant 12 : i32
    %dma_start3A_111 = arith.constant 6144 : i32
    %dma_start3A_112 = tpu.memref_slice %arg4[%dma_start3A_111] : memref<13312xi32, #tpu.memory_space<vmem>> -> memref<512xi32, #tpu.memory_space<vmem>>
    %dma_start3A_113 = tpu.memref_slice %arg2[%dma_start3A_110, %mul3A_2] : memref<26x16384xi32, #tpu.memory_space<hbm>> -> memref<1x512xi32, #tpu.memory_space<hbm>>
    %dma_start3A_114 = tpu.memref_squeeze %dma_start3A_113 : memref<1x512xi32, #tpu.memory_space<hbm>> -> memref<512xi32, #tpu.memory_space<hbm>>
    %dma_start3A_115 = arith.constant 6144 : i32
    %dma_start3A_116 = tpu.memref_slice %arg4[%dma_start3A_115] : memref<13312xi32, #tpu.memory_space<vmem>> -> memref<512xi32, #tpu.memory_space<vmem>>
    %dma_start3A_117 = tpu.memref_slice %arg2[%dma_start3A_110, %mul3A_2] : memref<26x16384xi32, #tpu.memory_space<hbm>> -> memref<1x512xi32, #tpu.memory_space<hbm>>
    %dma_start3A_118 = tpu.memref_squeeze %dma_start3A_117 : memref<1x512xi32, #tpu.memory_space<hbm>> -> memref<512xi32, #tpu.memory_space<hbm>>
    tpu.enqueue_dma source(%dma_start3A_118 : memref<512xi32, #tpu.memory_space<hbm>>) target(%dma_start3A_116 : memref<512xi32, #tpu.memory_space<vmem>>) target_semaphore(%arg5 : memref<!tpu.dma_semaphore, #tpu.memory_space<semaphore_mem>>)
    %dma_start3A_119 = arith.constant 13 : i32
    %dma_start3A_120 = arith.constant 6656 : i32
    %dma_start3A_121 = tpu.memref_slice %arg4[%dma_start3A_120] : memref<13312xi32, #tpu.memory_space<vmem>> -> memref<512xi32, #tpu.memory_space<vmem>>
    %dma_start3A_122 = tpu.memref_slice %arg2[%dma_start3A_119, %mul3A_2] : memref<26x16384xi32, #tpu.memory_space<hbm>> -> memref<1x512xi32, #tpu.memory_space<hbm>>
    %dma_start3A_123 = tpu.memref_squeeze %dma_start3A_122 : memref<1x512xi32, #tpu.memory_space<hbm>> -> memref<512xi32, #tpu.memory_space<hbm>>
    %dma_start3A_124 = arith.constant 6656 : i32
    %dma_start3A_125 = tpu.memref_slice %arg4[%dma_start3A_124] : memref<13312xi32, #tpu.memory_space<vmem>> -> memref<512xi32, #tpu.memory_space<vmem>>
    %dma_start3A_126 = tpu.memref_slice %arg2[%dma_start3A_119, %mul3A_2] : memref<26x16384xi32, #tpu.memory_space<hbm>> -> memref<1x512xi32, #tpu.memory_space<hbm>>
    %dma_start3A_127 = tpu.memref_squeeze %dma_start3A_126 : memref<1x512xi32, #tpu.memory_space<hbm>> -> memref<512xi32, #tpu.memory_space<hbm>>
    tpu.enqueue_dma source(%dma_start3A_127 : memref<512xi32, #tpu.memory_space<hbm>>) target(%dma_start3A_125 : memref<512xi32, #tpu.memory_space<vmem>>) target_semaphore(%arg5 : memref<!tpu.dma_semaphore, #tpu.memory_space<semaphore_mem>>)
    %dma_start3A_128 = arith.constant 14 : i32
    %dma_start3A_129 = arith.constant 7168 : i32
    %dma_start3A_130 = tpu.memref_slice %arg4[%dma_start3A_129] : memref<13312xi32, #tpu.memory_space<vmem>> -> memref<512xi32, #tpu.memory_space<vmem>>
    %dma_start3A_131 = tpu.memref_slice %arg2[%dma_start3A_128, %mul3A_2] : memref<26x16384xi32, #tpu.memory_space<hbm>> -> memref<1x512xi32, #tpu.memory_space<hbm>>
    %dma_start3A_132 = tpu.memref_squeeze %dma_start3A_131 : memref<1x512xi32, #tpu.memory_space<hbm>> -> memref<512xi32, #tpu.memory_space<hbm>>
    %dma_start3A_133 = arith.constant 7168 : i32
    %dma_start3A_134 = tpu.memref_slice %arg4[%dma_start3A_133] : memref<13312xi32, #tpu.memory_space<vmem>> -> memref<512xi32, #tpu.memory_space<vmem>>
    %dma_start3A_135 = tpu.memref_slice %arg2[%dma_start3A_128, %mul3A_2] : memref<26x16384xi32, #tpu.memory_space<hbm>> -> memref<1x512xi32, #tpu.memory_space<hbm>>
    %dma_start3A_136 = tpu.memref_squeeze %dma_start3A_135 : memref<1x512xi32, #tpu.memory_space<hbm>> -> memref<512xi32, #tpu.memory_space<hbm>>
    tpu.enqueue_dma source(%dma_start3A_136 : memref<512xi32, #tpu.memory_space<hbm>>) target(%dma_start3A_134 : memref<512xi32, #tpu.memory_space<vmem>>) target_semaphore(%arg5 : memref<!tpu.dma_semaphore, #tpu.memory_space<semaphore_mem>>)
    %dma_start3A_137 = arith.constant 15 : i32
    %dma_start3A_138 = arith.constant 7680 : i32
    %dma_start3A_139 = tpu.memref_slice %arg4[%dma_start3A_138] : memref<13312xi32, #tpu.memory_space<vmem>> -> memref<512xi32, #tpu.memory_space<vmem>>
    %dma_start3A_140 = tpu.memref_slice %arg2[%dma_start3A_137, %mul3A_2] : memref<26x16384xi32, #tpu.memory_space<hbm>> -> memref<1x512xi32, #tpu.memory_space<hbm>>
    %dma_start3A_141 = tpu.memref_squeeze %dma_start3A_140 : memref<1x512xi32, #tpu.memory_space<hbm>> -> memref<512xi32, #tpu.memory_space<hbm>>
    %dma_start3A_142 = arith.constant 7680 : i32
    %dma_start3A_143 = tpu.memref_slice %arg4[%dma_start3A_142] : memref<13312xi32, #tpu.memory_space<vmem>> -> memref<512xi32, #tpu.memory_space<vmem>>
    %dma_start3A_144 = tpu.memref_slice %arg2[%dma_start3A_137, %mul3A_2] : memref<26x16384xi32, #tpu.memory_space<hbm>> -> memref<1x512xi32, #tpu.memory_space<hbm>>
    %dma_start3A_145 = tpu.memref_squeeze %dma_start3A_144 : memref<1x512xi32, #tpu.memory_space<hbm>> -> memref<512xi32, #tpu.memory_space<hbm>>
    tpu.enqueue_dma source(%dma_start3A_145 : memref<512xi32, #tpu.memory_space<hbm>>) target(%dma_start3A_143 : memref<512xi32, #tpu.memory_space<vmem>>) target_semaphore(%arg5 : memref<!tpu.dma_semaphore, #tpu.memory_space<semaphore_mem>>)
    %dma_start3A_146 = arith.constant 16 : i32
    %dma_start3A_147 = arith.constant 8192 : i32
    %dma_start3A_148 = tpu.memref_slice %arg4[%dma_start3A_147] : memref<13312xi32, #tpu.memory_space<vmem>> -> memref<512xi32, #tpu.memory_space<vmem>>
    %dma_start3A_149 = tpu.memref_slice %arg2[%dma_start3A_146, %mul3A_2] : memref<26x16384xi32, #tpu.memory_space<hbm>> -> memref<1x512xi32, #tpu.memory_space<hbm>>
    %dma_start3A_150 = tpu.memref_squeeze %dma_start3A_149 : memref<1x512xi32, #tpu.memory_space<hbm>> -> memref<512xi32, #tpu.memory_space<hbm>>
    %dma_start3A_151 = arith.constant 8192 : i32
    %dma_start3A_152 = tpu.memref_slice %arg4[%dma_start3A_151] : memref<13312xi32, #tpu.memory_space<vmem>> -> memref<512xi32, #tpu.memory_space<vmem>>
    %dma_start3A_153 = tpu.memref_slice %arg2[%dma_start3A_146, %mul3A_2] : memref<26x16384xi32, #tpu.memory_space<hbm>> -> memref<1x512xi32, #tpu.memory_space<hbm>>
    %dma_start3A_154 = tpu.memref_squeeze %dma_start3A_153 : memref<1x512xi32, #tpu.memory_space<hbm>> -> memref<512xi32, #tpu.memory_space<hbm>>
    tpu.enqueue_dma source(%dma_start3A_154 : memref<512xi32, #tpu.memory_space<hbm>>) target(%dma_start3A_152 : memref<512xi32, #tpu.memory_space<vmem>>) target_semaphore(%arg5 : memref<!tpu.dma_semaphore, #tpu.memory_space<semaphore_mem>>)
    %dma_start3A_155 = arith.constant 17 : i32
    %dma_start3A_156 = arith.constant 8704 : i32
    %dma_start3A_157 = tpu.memref_slice %arg4[%dma_start3A_156] : memref<13312xi32, #tpu.memory_space<vmem>> -> memref<512xi32, #tpu.memory_space<vmem>>
    %dma_start3A_158 = tpu.memref_slice %arg2[%dma_start3A_155, %mul3A_2] : memref<26x16384xi32, #tpu.memory_space<hbm>> -> memref<1x512xi32, #tpu.memory_space<hbm>>
    %dma_start3A_159 = tpu.memref_squeeze %dma_start3A_158 : memref<1x512xi32, #tpu.memory_space<hbm>> -> memref<512xi32, #tpu.memory_space<hbm>>
    %dma_start3A_160 = arith.constant 8704 : i32
    %dma_start3A_161 = tpu.memref_slice %arg4[%dma_start3A_160] : memref<13312xi32, #tpu.memory_space<vmem>> -> memref<512xi32, #tpu.memory_space<vmem>>
    %dma_start3A_162 = tpu.memref_slice %arg2[%dma_start3A_155, %mul3A_2] : memref<26x16384xi32, #tpu.memory_space<hbm>> -> memref<1x512xi32, #tpu.memory_space<hbm>>
    %dma_start3A_163 = tpu.memref_squeeze %dma_start3A_162 : memref<1x512xi32, #tpu.memory_space<hbm>> -> memref<512xi32, #tpu.memory_space<hbm>>
    tpu.enqueue_dma source(%dma_start3A_163 : memref<512xi32, #tpu.memory_space<hbm>>) target(%dma_start3A_161 : memref<512xi32, #tpu.memory_space<vmem>>) target_semaphore(%arg5 : memref<!tpu.dma_semaphore, #tpu.memory_space<semaphore_mem>>)
    %dma_start3A_164 = arith.constant 18 : i32
    %dma_start3A_165 = arith.constant 9216 : i32
    %dma_start3A_166 = tpu.memref_slice %arg4[%dma_start3A_165] : memref<13312xi32, #tpu.memory_space<vmem>> -> memref<512xi32, #tpu.memory_space<vmem>>
    %dma_start3A_167 = tpu.memref_slice %arg2[%dma_start3A_164, %mul3A_2] : memref<26x16384xi32, #tpu.memory_space<hbm>> -> memref<1x512xi32, #tpu.memory_space<hbm>>
    %dma_start3A_168 = tpu.memref_squeeze %dma_start3A_167 : memref<1x512xi32, #tpu.memory_space<hbm>> -> memref<512xi32, #tpu.memory_space<hbm>>
    %dma_start3A_169 = arith.constant 9216 : i32
    %dma_start3A_170 = tpu.memref_slice %arg4[%dma_start3A_169] : memref<13312xi32, #tpu.memory_space<vmem>> -> memref<512xi32, #tpu.memory_space<vmem>>
    %dma_start3A_171 = tpu.memref_slice %arg2[%dma_start3A_164, %mul3A_2] : memref<26x16384xi32, #tpu.memory_space<hbm>> -> memref<1x512xi32, #tpu.memory_space<hbm>>
    %dma_start3A_172 = tpu.memref_squeeze %dma_start3A_171 : memref<1x512xi32, #tpu.memory_space<hbm>> -> memref<512xi32, #tpu.memory_space<hbm>>
    tpu.enqueue_dma source(%dma_start3A_172 : memref<512xi32, #tpu.memory_space<hbm>>) target(%dma_start3A_170 : memref<512xi32, #tpu.memory_space<vmem>>) target_semaphore(%arg5 : memref<!tpu.dma_semaphore, #tpu.memory_space<semaphore_mem>>)
    %dma_start3A_173 = arith.constant 19 : i32
    %dma_start3A_174 = arith.constant 9728 : i32
    %dma_start3A_175 = tpu.memref_slice %arg4[%dma_start3A_174] : memref<13312xi32, #tpu.memory_space<vmem>> -> memref<512xi32, #tpu.memory_space<vmem>>
    %dma_start3A_176 = tpu.memref_slice %arg2[%dma_start3A_173, %mul3A_2] : memref<26x16384xi32, #tpu.memory_space<hbm>> -> memref<1x512xi32, #tpu.memory_space<hbm>>
    %dma_start3A_177 = tpu.memref_squeeze %dma_start3A_176 : memref<1x512xi32, #tpu.memory_space<hbm>> -> memref<512xi32, #tpu.memory_space<hbm>>
    %dma_start3A_178 = arith.constant 9728 : i32
    %dma_start3A_179 = tpu.memref_slice %arg4[%dma_start3A_178] : memref<13312xi32, #tpu.memory_space<vmem>> -> memref<512xi32, #tpu.memory_space<vmem>>
    %dma_start3A_180 = tpu.memref_slice %arg2[%dma_start3A_173, %mul3A_2] : memref<26x16384xi32, #tpu.memory_space<hbm>> -> memref<1x512xi32, #tpu.memory_space<hbm>>
    %dma_start3A_181 = tpu.memref_squeeze %dma_start3A_180 : memref<1x512xi32, #tpu.memory_space<hbm>> -> memref<512xi32, #tpu.memory_space<hbm>>
    tpu.enqueue_dma source(%dma_start3A_181 : memref<512xi32, #tpu.memory_space<hbm>>) target(%dma_start3A_179 : memref<512xi32, #tpu.memory_space<vmem>>) target_semaphore(%arg5 : memref<!tpu.dma_semaphore, #tpu.memory_space<semaphore_mem>>)
    %dma_start3A_182 = arith.constant 20 : i32
    %dma_start3A_183 = arith.constant 10240 : i32
    %dma_start3A_184 = tpu.memref_slice %arg4[%dma_start3A_183] : memref<13312xi32, #tpu.memory_space<vmem>> -> memref<512xi32, #tpu.memory_space<vmem>>
    %dma_start3A_185 = tpu.memref_slice %arg2[%dma_start3A_182, %mul3A_2] : memref<26x16384xi32, #tpu.memory_space<hbm>> -> memref<1x512xi32, #tpu.memory_space<hbm>>
    %dma_start3A_186 = tpu.memref_squeeze %dma_start3A_185 : memref<1x512xi32, #tpu.memory_space<hbm>> -> memref<512xi32, #tpu.memory_space<hbm>>
    %dma_start3A_187 = arith.constant 10240 : i32
    %dma_start3A_188 = tpu.memref_slice %arg4[%dma_start3A_187] : memref<13312xi32, #tpu.memory_space<vmem>> -> memref<512xi32, #tpu.memory_space<vmem>>
    %dma_start3A_189 = tpu.memref_slice %arg2[%dma_start3A_182, %mul3A_2] : memref<26x16384xi32, #tpu.memory_space<hbm>> -> memref<1x512xi32, #tpu.memory_space<hbm>>
    %dma_start3A_190 = tpu.memref_squeeze %dma_start3A_189 : memref<1x512xi32, #tpu.memory_space<hbm>> -> memref<512xi32, #tpu.memory_space<hbm>>
    tpu.enqueue_dma source(%dma_start3A_190 : memref<512xi32, #tpu.memory_space<hbm>>) target(%dma_start3A_188 : memref<512xi32, #tpu.memory_space<vmem>>) target_semaphore(%arg5 : memref<!tpu.dma_semaphore, #tpu.memory_space<semaphore_mem>>)
    %dma_start3A_191 = arith.constant 21 : i32
    %dma_start3A_192 = arith.constant 10752 : i32
    %dma_start3A_193 = tpu.memref_slice %arg4[%dma_start3A_192] : memref<13312xi32, #tpu.memory_space<vmem>> -> memref<512xi32, #tpu.memory_space<vmem>>
    %dma_start3A_194 = tpu.memref_slice %arg2[%dma_start3A_191, %mul3A_2] : memref<26x16384xi32, #tpu.memory_space<hbm>> -> memref<1x512xi32, #tpu.memory_space<hbm>>
    %dma_start3A_195 = tpu.memref_squeeze %dma_start3A_194 : memref<1x512xi32, #tpu.memory_space<hbm>> -> memref<512xi32, #tpu.memory_space<hbm>>
    %dma_start3A_196 = arith.constant 10752 : i32
    %dma_start3A_197 = tpu.memref_slice %arg4[%dma_start3A_196] : memref<13312xi32, #tpu.memory_space<vmem>> -> memref<512xi32, #tpu.memory_space<vmem>>
    %dma_start3A_198 = tpu.memref_slice %arg2[%dma_start3A_191, %mul3A_2] : memref<26x16384xi32, #tpu.memory_space<hbm>> -> memref<1x512xi32, #tpu.memory_space<hbm>>
    %dma_start3A_199 = tpu.memref_squeeze %dma_start3A_198 : memref<1x512xi32, #tpu.memory_space<hbm>> -> memref<512xi32, #tpu.memory_space<hbm>>
    tpu.enqueue_dma source(%dma_start3A_199 : memref<512xi32, #tpu.memory_space<hbm>>) target(%dma_start3A_197 : memref<512xi32, #tpu.memory_space<vmem>>) target_semaphore(%arg5 : memref<!tpu.dma_semaphore, #tpu.memory_space<semaphore_mem>>)
    %dma_start3A_200 = arith.constant 22 : i32
    %dma_start3A_201 = arith.constant 11264 : i32
    %dma_start3A_202 = tpu.memref_slice %arg4[%dma_start3A_201] : memref<13312xi32, #tpu.memory_space<vmem>> -> memref<512xi32, #tpu.memory_space<vmem>>
    %dma_start3A_203 = tpu.memref_slice %arg2[%dma_start3A_200, %mul3A_2] : memref<26x16384xi32, #tpu.memory_space<hbm>> -> memref<1x512xi32, #tpu.memory_space<hbm>>
    %dma_start3A_204 = tpu.memref_squeeze %dma_start3A_203 : memref<1x512xi32, #tpu.memory_space<hbm>> -> memref<512xi32, #tpu.memory_space<hbm>>
    %dma_start3A_205 = arith.constant 11264 : i32
    %dma_start3A_206 = tpu.memref_slice %arg4[%dma_start3A_205] : memref<13312xi32, #tpu.memory_space<vmem>> -> memref<512xi32, #tpu.memory_space<vmem>>
    %dma_start3A_207 = tpu.memref_slice %arg2[%dma_start3A_200, %mul3A_2] : memref<26x16384xi32, #tpu.memory_space<hbm>> -> memref<1x512xi32, #tpu.memory_space<hbm>>
    %dma_start3A_208 = tpu.memref_squeeze %dma_start3A_207 : memref<1x512xi32, #tpu.memory_space<hbm>> -> memref<512xi32, #tpu.memory_space<hbm>>
    tpu.enqueue_dma source(%dma_start3A_208 : memref<512xi32, #tpu.memory_space<hbm>>) target(%dma_start3A_206 : memref<512xi32, #tpu.memory_space<vmem>>) target_semaphore(%arg5 : memref<!tpu.dma_semaphore, #tpu.memory_space<semaphore_mem>>)
    %dma_start3A_209 = arith.constant 23 : i32
    %dma_start3A_210 = arith.constant 11776 : i32
    %dma_start3A_211 = tpu.memref_slice %arg4[%dma_start3A_210] : memref<13312xi32, #tpu.memory_space<vmem>> -> memref<512xi32, #tpu.memory_space<vmem>>
    %dma_start3A_212 = tpu.memref_slice %arg2[%dma_start3A_209, %mul3A_2] : memref<26x16384xi32, #tpu.memory_space<hbm>> -> memref<1x512xi32, #tpu.memory_space<hbm>>
    %dma_start3A_213 = tpu.memref_squeeze %dma_start3A_212 : memref<1x512xi32, #tpu.memory_space<hbm>> -> memref<512xi32, #tpu.memory_space<hbm>>
    %dma_start3A_214 = arith.constant 11776 : i32
    %dma_start3A_215 = tpu.memref_slice %arg4[%dma_start3A_214] : memref<13312xi32, #tpu.memory_space<vmem>> -> memref<512xi32, #tpu.memory_space<vmem>>
    %dma_start3A_216 = tpu.memref_slice %arg2[%dma_start3A_209, %mul3A_2] : memref<26x16384xi32, #tpu.memory_space<hbm>> -> memref<1x512xi32, #tpu.memory_space<hbm>>
    %dma_start3A_217 = tpu.memref_squeeze %dma_start3A_216 : memref<1x512xi32, #tpu.memory_space<hbm>> -> memref<512xi32, #tpu.memory_space<hbm>>
    tpu.enqueue_dma source(%dma_start3A_217 : memref<512xi32, #tpu.memory_space<hbm>>) target(%dma_start3A_215 : memref<512xi32, #tpu.memory_space<vmem>>) target_semaphore(%arg5 : memref<!tpu.dma_semaphore, #tpu.memory_space<semaphore_mem>>)
    %dma_start3A_218 = arith.constant 24 : i32
    %dma_start3A_219 = arith.constant 12288 : i32
    %dma_start3A_220 = tpu.memref_slice %arg4[%dma_start3A_219] : memref<13312xi32, #tpu.memory_space<vmem>> -> memref<512xi32, #tpu.memory_space<vmem>>
    %dma_start3A_221 = tpu.memref_slice %arg2[%dma_start3A_218, %mul3A_2] : memref<26x16384xi32, #tpu.memory_space<hbm>> -> memref<1x512xi32, #tpu.memory_space<hbm>>
    %dma_start3A_222 = tpu.memref_squeeze %dma_start3A_221 : memref<1x512xi32, #tpu.memory_space<hbm>> -> memref<512xi32, #tpu.memory_space<hbm>>
    %dma_start3A_223 = arith.constant 12288 : i32
    %dma_start3A_224 = tpu.memref_slice %arg4[%dma_start3A_223] : memref<13312xi32, #tpu.memory_space<vmem>> -> memref<512xi32, #tpu.memory_space<vmem>>
    %dma_start3A_225 = tpu.memref_slice %arg2[%dma_start3A_218, %mul3A_2] : memref<26x16384xi32, #tpu.memory_space<hbm>> -> memref<1x512xi32, #tpu.memory_space<hbm>>
    %dma_start3A_226 = tpu.memref_squeeze %dma_start3A_225 : memref<1x512xi32, #tpu.memory_space<hbm>> -> memref<512xi32, #tpu.memory_space<hbm>>
    tpu.enqueue_dma source(%dma_start3A_226 : memref<512xi32, #tpu.memory_space<hbm>>) target(%dma_start3A_224 : memref<512xi32, #tpu.memory_space<vmem>>) target_semaphore(%arg5 : memref<!tpu.dma_semaphore, #tpu.memory_space<semaphore_mem>>)
    %dma_start3A_227 = arith.constant 25 : i32
    %dma_start3A_228 = arith.constant 12800 : i32
    %dma_start3A_229 = tpu.memref_slice %arg4[%dma_start3A_228] : memref<13312xi32, #tpu.memory_space<vmem>> -> memref<512xi32, #tpu.memory_space<vmem>>
    %dma_start3A_230 = tpu.memref_slice %arg2[%dma_start3A_227, %mul3A_2] : memref<26x16384xi32, #tpu.memory_space<hbm>> -> memref<1x512xi32, #tpu.memory_space<hbm>>
    %dma_start3A_231 = tpu.memref_squeeze %dma_start3A_230 : memref<1x512xi32, #tpu.memory_space<hbm>> -> memref<512xi32, #tpu.memory_space<hbm>>
    %dma_start3A_232 = arith.constant 12800 : i32
    %dma_start3A_233 = tpu.memref_slice %arg4[%dma_start3A_232] : memref<13312xi32, #tpu.memory_space<vmem>> -> memref<512xi32, #tpu.memory_space<vmem>>
    %dma_start3A_234 = tpu.memref_slice %arg2[%dma_start3A_227, %mul3A_2] : memref<26x16384xi32, #tpu.memory_space<hbm>> -> memref<1x512xi32, #tpu.memory_space<hbm>>
    %dma_start3A_235 = tpu.memref_squeeze %dma_start3A_234 : memref<1x512xi32, #tpu.memory_space<hbm>> -> memref<512xi32, #tpu.memory_space<hbm>>
    tpu.enqueue_dma source(%dma_start3A_235 : memref<512xi32, #tpu.memory_space<hbm>>) target(%dma_start3A_233 : memref<512xi32, #tpu.memory_space<vmem>>) target_semaphore(%arg5 : memref<!tpu.dma_semaphore, #tpu.memory_space<semaphore_mem>>)
    %dma_wait3A = arith.constant 0 : i32
    %dma_wait3A_236 = arith.constant 0 : i32
    %dma_wait3A_237 = tpu.memref_slice %arg4[%dma_wait3A_236] : memref<13312xi32, #tpu.memory_space<vmem>> -> memref<512xi32, #tpu.memory_space<vmem>>
    %dma_wait3A_238 = tpu.memref_slice %arg2[%dma_wait3A, %mul3A_2] : memref<26x16384xi32, #tpu.memory_space<hbm>> -> memref<1x512xi32, #tpu.memory_space<hbm>>
    %dma_wait3A_239 = tpu.memref_squeeze %dma_wait3A_238 : memref<1x512xi32, #tpu.memory_space<hbm>> -> memref<512xi32, #tpu.memory_space<hbm>>
    %dma_wait3A_240 = arith.constant 0 : i32
    %dma_wait3A_241 = tpu.memref_slice %arg4[%dma_wait3A_240] : memref<13312xi32, #tpu.memory_space<vmem>> -> memref<512xi32, #tpu.memory_space<vmem>>
    %dma_wait3A_242 = tpu.memref_slice %arg2[%dma_wait3A, %mul3A_2] : memref<26x16384xi32, #tpu.memory_space<hbm>> -> memref<1x512xi32, #tpu.memory_space<hbm>>
    %dma_wait3A_243 = tpu.memref_squeeze %dma_wait3A_242 : memref<1x512xi32, #tpu.memory_space<hbm>> -> memref<512xi32, #tpu.memory_space<hbm>>
    tpu.wait_dma2 semaphore(%arg5 : memref<!tpu.dma_semaphore, #tpu.memory_space<semaphore_mem>>) src(%dma_wait3A_243 : memref<512xi32, #tpu.memory_space<hbm>>) dst(%dma_wait3A_241 : memref<512xi32, #tpu.memory_space<vmem>>)
    %dma_wait3A_244 = arith.constant 1 : i32
    %dma_wait3A_245 = arith.constant 512 : i32
    %dma_wait3A_246 = tpu.memref_slice %arg4[%dma_wait3A_245] : memref<13312xi32, #tpu.memory_space<vmem>> -> memref<512xi32, #tpu.memory_space<vmem>>
    %dma_wait3A_247 = tpu.memref_slice %arg2[%dma_wait3A_244, %mul3A_2] : memref<26x16384xi32, #tpu.memory_space<hbm>> -> memref<1x512xi32, #tpu.memory_space<hbm>>
    %dma_wait3A_248 = tpu.memref_squeeze %dma_wait3A_247 : memref<1x512xi32, #tpu.memory_space<hbm>> -> memref<512xi32, #tpu.memory_space<hbm>>
    %dma_wait3A_249 = arith.constant 512 : i32
    %dma_wait3A_250 = tpu.memref_slice %arg4[%dma_wait3A_249] : memref<13312xi32, #tpu.memory_space<vmem>> -> memref<512xi32, #tpu.memory_space<vmem>>
    %dma_wait3A_251 = tpu.memref_slice %arg2[%dma_wait3A_244, %mul3A_2] : memref<26x16384xi32, #tpu.memory_space<hbm>> -> memref<1x512xi32, #tpu.memory_space<hbm>>
    %dma_wait3A_252 = tpu.memref_squeeze %dma_wait3A_251 : memref<1x512xi32, #tpu.memory_space<hbm>> -> memref<512xi32, #tpu.memory_space<hbm>>
    tpu.wait_dma2 semaphore(%arg5 : memref<!tpu.dma_semaphore, #tpu.memory_space<semaphore_mem>>) src(%dma_wait3A_252 : memref<512xi32, #tpu.memory_space<hbm>>) dst(%dma_wait3A_250 : memref<512xi32, #tpu.memory_space<vmem>>)
    %dma_wait3A_253 = arith.constant 2 : i32
    %dma_wait3A_254 = arith.constant 1024 : i32
    %dma_wait3A_255 = tpu.memref_slice %arg4[%dma_wait3A_254] : memref<13312xi32, #tpu.memory_space<vmem>> -> memref<512xi32, #tpu.memory_space<vmem>>
    %dma_wait3A_256 = tpu.memref_slice %arg2[%dma_wait3A_253, %mul3A_2] : memref<26x16384xi32, #tpu.memory_space<hbm>> -> memref<1x512xi32, #tpu.memory_space<hbm>>
    %dma_wait3A_257 = tpu.memref_squeeze %dma_wait3A_256 : memref<1x512xi32, #tpu.memory_space<hbm>> -> memref<512xi32, #tpu.memory_space<hbm>>
    %dma_wait3A_258 = arith.constant 1024 : i32
    %dma_wait3A_259 = tpu.memref_slice %arg4[%dma_wait3A_258] : memref<13312xi32, #tpu.memory_space<vmem>> -> memref<512xi32, #tpu.memory_space<vmem>>
    %dma_wait3A_260 = tpu.memref_slice %arg2[%dma_wait3A_253, %mul3A_2] : memref<26x16384xi32, #tpu.memory_space<hbm>> -> memref<1x512xi32, #tpu.memory_space<hbm>>
    %dma_wait3A_261 = tpu.memref_squeeze %dma_wait3A_260 : memref<1x512xi32, #tpu.memory_space<hbm>> -> memref<512xi32, #tpu.memory_space<hbm>>
    tpu.wait_dma2 semaphore(%arg5 : memref<!tpu.dma_semaphore, #tpu.memory_space<semaphore_mem>>) src(%dma_wait3A_261 : memref<512xi32, #tpu.memory_space<hbm>>) dst(%dma_wait3A_259 : memref<512xi32, #tpu.memory_space<vmem>>)
    %dma_wait3A_262 = arith.constant 3 : i32
    %dma_wait3A_263 = arith.constant 1536 : i32
    %dma_wait3A_264 = tpu.memref_slice %arg4[%dma_wait3A_263] : memref<13312xi32, #tpu.memory_space<vmem>> -> memref<512xi32, #tpu.memory_space<vmem>>
    %dma_wait3A_265 = tpu.memref_slice %arg2[%dma_wait3A_262, %mul3A_2] : memref<26x16384xi32, #tpu.memory_space<hbm>> -> memref<1x512xi32, #tpu.memory_space<hbm>>
    %dma_wait3A_266 = tpu.memref_squeeze %dma_wait3A_265 : memref<1x512xi32, #tpu.memory_space<hbm>> -> memref<512xi32, #tpu.memory_space<hbm>>
    %dma_wait3A_267 = arith.constant 1536 : i32
    %dma_wait3A_268 = tpu.memref_slice %arg4[%dma_wait3A_267] : memref<13312xi32, #tpu.memory_space<vmem>> -> memref<512xi32, #tpu.memory_space<vmem>>
    %dma_wait3A_269 = tpu.memref_slice %arg2[%dma_wait3A_262, %mul3A_2] : memref<26x16384xi32, #tpu.memory_space<hbm>> -> memref<1x512xi32, #tpu.memory_space<hbm>>
    %dma_wait3A_270 = tpu.memref_squeeze %dma_wait3A_269 : memref<1x512xi32, #tpu.memory_space<hbm>> -> memref<512xi32, #tpu.memory_space<hbm>>
    tpu.wait_dma2 semaphore(%arg5 : memref<!tpu.dma_semaphore, #tpu.memory_space<semaphore_mem>>) src(%dma_wait3A_270 : memref<512xi32, #tpu.memory_space<hbm>>) dst(%dma_wait3A_268 : memref<512xi32, #tpu.memory_space<vmem>>)
    %dma_wait3A_271 = arith.constant 4 : i32
    %dma_wait3A_272 = arith.constant 2048 : i32
    %dma_wait3A_273 = tpu.memref_slice %arg4[%dma_wait3A_272] : memref<13312xi32, #tpu.memory_space<vmem>> -> memref<512xi32, #tpu.memory_space<vmem>>
    %dma_wait3A_274 = tpu.memref_slice %arg2[%dma_wait3A_271, %mul3A_2] : memref<26x16384xi32, #tpu.memory_space<hbm>> -> memref<1x512xi32, #tpu.memory_space<hbm>>
    %dma_wait3A_275 = tpu.memref_squeeze %dma_wait3A_274 : memref<1x512xi32, #tpu.memory_space<hbm>> -> memref<512xi32, #tpu.memory_space<hbm>>
    %dma_wait3A_276 = arith.constant 2048 : i32
    %dma_wait3A_277 = tpu.memref_slice %arg4[%dma_wait3A_276] : memref<13312xi32, #tpu.memory_space<vmem>> -> memref<512xi32, #tpu.memory_space<vmem>>
    %dma_wait3A_278 = tpu.memref_slice %arg2[%dma_wait3A_271, %mul3A_2] : memref<26x16384xi32, #tpu.memory_space<hbm>> -> memref<1x512xi32, #tpu.memory_space<hbm>>
    %dma_wait3A_279 = tpu.memref_squeeze %dma_wait3A_278 : memref<1x512xi32, #tpu.memory_space<hbm>> -> memref<512xi32, #tpu.memory_space<hbm>>
    tpu.wait_dma2 semaphore(%arg5 : memref<!tpu.dma_semaphore, #tpu.memory_space<semaphore_mem>>) src(%dma_wait3A_279 : memref<512xi32, #tpu.memory_space<hbm>>) dst(%dma_wait3A_277 : memref<512xi32, #tpu.memory_space<vmem>>)
    %dma_wait3A_280 = arith.constant 5 : i32
    %dma_wait3A_281 = arith.constant 2560 : i32
    %dma_wait3A_282 = tpu.memref_slice %arg4[%dma_wait3A_281] : memref<13312xi32, #tpu.memory_space<vmem>> -> memref<512xi32, #tpu.memory_space<vmem>>
    %dma_wait3A_283 = tpu.memref_slice %arg2[%dma_wait3A_280, %mul3A_2] : memref<26x16384xi32, #tpu.memory_space<hbm>> -> memref<1x512xi32, #tpu.memory_space<hbm>>
    %dma_wait3A_284 = tpu.memref_squeeze %dma_wait3A_283 : memref<1x512xi32, #tpu.memory_space<hbm>> -> memref<512xi32, #tpu.memory_space<hbm>>
    %dma_wait3A_285 = arith.constant 2560 : i32
    %dma_wait3A_286 = tpu.memref_slice %arg4[%dma_wait3A_285] : memref<13312xi32, #tpu.memory_space<vmem>> -> memref<512xi32, #tpu.memory_space<vmem>>
    %dma_wait3A_287 = tpu.memref_slice %arg2[%dma_wait3A_280, %mul3A_2] : memref<26x16384xi32, #tpu.memory_space<hbm>> -> memref<1x512xi32, #tpu.memory_space<hbm>>
    %dma_wait3A_288 = tpu.memref_squeeze %dma_wait3A_287 : memref<1x512xi32, #tpu.memory_space<hbm>> -> memref<512xi32, #tpu.memory_space<hbm>>
    tpu.wait_dma2 semaphore(%arg5 : memref<!tpu.dma_semaphore, #tpu.memory_space<semaphore_mem>>) src(%dma_wait3A_288 : memref<512xi32, #tpu.memory_space<hbm>>) dst(%dma_wait3A_286 : memref<512xi32, #tpu.memory_space<vmem>>)
    %dma_wait3A_289 = arith.constant 6 : i32
    %dma_wait3A_290 = arith.constant 3072 : i32
    %dma_wait3A_291 = tpu.memref_slice %arg4[%dma_wait3A_290] : memref<13312xi32, #tpu.memory_space<vmem>> -> memref<512xi32, #tpu.memory_space<vmem>>
    %dma_wait3A_292 = tpu.memref_slice %arg2[%dma_wait3A_289, %mul3A_2] : memref<26x16384xi32, #tpu.memory_space<hbm>> -> memref<1x512xi32, #tpu.memory_space<hbm>>
    %dma_wait3A_293 = tpu.memref_squeeze %dma_wait3A_292 : memref<1x512xi32, #tpu.memory_space<hbm>> -> memref<512xi32, #tpu.memory_space<hbm>>
    %dma_wait3A_294 = arith.constant 3072 : i32
    %dma_wait3A_295 = tpu.memref_slice %arg4[%dma_wait3A_294] : memref<13312xi32, #tpu.memory_space<vmem>> -> memref<512xi32, #tpu.memory_space<vmem>>
    %dma_wait3A_296 = tpu.memref_slice %arg2[%dma_wait3A_289, %mul3A_2] : memref<26x16384xi32, #tpu.memory_space<hbm>> -> memref<1x512xi32, #tpu.memory_space<hbm>>
    %dma_wait3A_297 = tpu.memref_squeeze %dma_wait3A_296 : memref<1x512xi32, #tpu.memory_space<hbm>> -> memref<512xi32, #tpu.memory_space<hbm>>
    tpu.wait_dma2 semaphore(%arg5 : memref<!tpu.dma_semaphore, #tpu.memory_space<semaphore_mem>>) src(%dma_wait3A_297 : memref<512xi32, #tpu.memory_space<hbm>>) dst(%dma_wait3A_295 : memref<512xi32, #tpu.memory_space<vmem>>)
    %dma_wait3A_298 = arith.constant 7 : i32
    %dma_wait3A_299 = arith.constant 3584 : i32
    %dma_wait3A_300 = tpu.memref_slice %arg4[%dma_wait3A_299] : memref<13312xi32, #tpu.memory_space<vmem>> -> memref<512xi32, #tpu.memory_space<vmem>>
    %dma_wait3A_301 = tpu.memref_slice %arg2[%dma_wait3A_298, %mul3A_2] : memref<26x16384xi32, #tpu.memory_space<hbm>> -> memref<1x512xi32, #tpu.memory_space<hbm>>
    %dma_wait3A_302 = tpu.memref_squeeze %dma_wait3A_301 : memref<1x512xi32, #tpu.memory_space<hbm>> -> memref<512xi32, #tpu.memory_space<hbm>>
    %dma_wait3A_303 = arith.constant 3584 : i32
    %dma_wait3A_304 = tpu.memref_slice %arg4[%dma_wait3A_303] : memref<13312xi32, #tpu.memory_space<vmem>> -> memref<512xi32, #tpu.memory_space<vmem>>
    %dma_wait3A_305 = tpu.memref_slice %arg2[%dma_wait3A_298, %mul3A_2] : memref<26x16384xi32, #tpu.memory_space<hbm>> -> memref<1x512xi32, #tpu.memory_space<hbm>>
    %dma_wait3A_306 = tpu.memref_squeeze %dma_wait3A_305 : memref<1x512xi32, #tpu.memory_space<hbm>> -> memref<512xi32, #tpu.memory_space<hbm>>
    tpu.wait_dma2 semaphore(%arg5 : memref<!tpu.dma_semaphore, #tpu.memory_space<semaphore_mem>>) src(%dma_wait3A_306 : memref<512xi32, #tpu.memory_space<hbm>>) dst(%dma_wait3A_304 : memref<512xi32, #tpu.memory_space<vmem>>)
    %dma_wait3A_307 = arith.constant 8 : i32
    %dma_wait3A_308 = arith.constant 4096 : i32
    %dma_wait3A_309 = tpu.memref_slice %arg4[%dma_wait3A_308] : memref<13312xi32, #tpu.memory_space<vmem>> -> memref<512xi32, #tpu.memory_space<vmem>>
    %dma_wait3A_310 = tpu.memref_slice %arg2[%dma_wait3A_307, %mul3A_2] : memref<26x16384xi32, #tpu.memory_space<hbm>> -> memref<1x512xi32, #tpu.memory_space<hbm>>
    %dma_wait3A_311 = tpu.memref_squeeze %dma_wait3A_310 : memref<1x512xi32, #tpu.memory_space<hbm>> -> memref<512xi32, #tpu.memory_space<hbm>>
    %dma_wait3A_312 = arith.constant 4096 : i32
    %dma_wait3A_313 = tpu.memref_slice %arg4[%dma_wait3A_312] : memref<13312xi32, #tpu.memory_space<vmem>> -> memref<512xi32, #tpu.memory_space<vmem>>
    %dma_wait3A_314 = tpu.memref_slice %arg2[%dma_wait3A_307, %mul3A_2] : memref<26x16384xi32, #tpu.memory_space<hbm>> -> memref<1x512xi32, #tpu.memory_space<hbm>>
    %dma_wait3A_315 = tpu.memref_squeeze %dma_wait3A_314 : memref<1x512xi32, #tpu.memory_space<hbm>> -> memref<512xi32, #tpu.memory_space<hbm>>
    tpu.wait_dma2 semaphore(%arg5 : memref<!tpu.dma_semaphore, #tpu.memory_space<semaphore_mem>>) src(%dma_wait3A_315 : memref<512xi32, #tpu.memory_space<hbm>>) dst(%dma_wait3A_313 : memref<512xi32, #tpu.memory_space<vmem>>)
    %dma_wait3A_316 = arith.constant 9 : i32
    %dma_wait3A_317 = arith.constant 4608 : i32
    %dma_wait3A_318 = tpu.memref_slice %arg4[%dma_wait3A_317] : memref<13312xi32, #tpu.memory_space<vmem>> -> memref<512xi32, #tpu.memory_space<vmem>>
    %dma_wait3A_319 = tpu.memref_slice %arg2[%dma_wait3A_316, %mul3A_2] : memref<26x16384xi32, #tpu.memory_space<hbm>> -> memref<1x512xi32, #tpu.memory_space<hbm>>
    %dma_wait3A_320 = tpu.memref_squeeze %dma_wait3A_319 : memref<1x512xi32, #tpu.memory_space<hbm>> -> memref<512xi32, #tpu.memory_space<hbm>>
    %dma_wait3A_321 = arith.constant 4608 : i32
    %dma_wait3A_322 = tpu.memref_slice %arg4[%dma_wait3A_321] : memref<13312xi32, #tpu.memory_space<vmem>> -> memref<512xi32, #tpu.memory_space<vmem>>
    %dma_wait3A_323 = tpu.memref_slice %arg2[%dma_wait3A_316, %mul3A_2] : memref<26x16384xi32, #tpu.memory_space<hbm>> -> memref<1x512xi32, #tpu.memory_space<hbm>>
    %dma_wait3A_324 = tpu.memref_squeeze %dma_wait3A_323 : memref<1x512xi32, #tpu.memory_space<hbm>> -> memref<512xi32, #tpu.memory_space<hbm>>
    tpu.wait_dma2 semaphore(%arg5 : memref<!tpu.dma_semaphore, #tpu.memory_space<semaphore_mem>>) src(%dma_wait3A_324 : memref<512xi32, #tpu.memory_space<hbm>>) dst(%dma_wait3A_322 : memref<512xi32, #tpu.memory_space<vmem>>)
    %dma_wait3A_325 = arith.constant 10 : i32
    %dma_wait3A_326 = arith.constant 5120 : i32
    %dma_wait3A_327 = tpu.memref_slice %arg4[%dma_wait3A_326] : memref<13312xi32, #tpu.memory_space<vmem>> -> memref<512xi32, #tpu.memory_space<vmem>>
    %dma_wait3A_328 = tpu.memref_slice %arg2[%dma_wait3A_325, %mul3A_2] : memref<26x16384xi32, #tpu.memory_space<hbm>> -> memref<1x512xi32, #tpu.memory_space<hbm>>
    %dma_wait3A_329 = tpu.memref_squeeze %dma_wait3A_328 : memref<1x512xi32, #tpu.memory_space<hbm>> -> memref<512xi32, #tpu.memory_space<hbm>>
    %dma_wait3A_330 = arith.constant 5120 : i32
    %dma_wait3A_331 = tpu.memref_slice %arg4[%dma_wait3A_330] : memref<13312xi32, #tpu.memory_space<vmem>> -> memref<512xi32, #tpu.memory_space<vmem>>
    %dma_wait3A_332 = tpu.memref_slice %arg2[%dma_wait3A_325, %mul3A_2] : memref<26x16384xi32, #tpu.memory_space<hbm>> -> memref<1x512xi32, #tpu.memory_space<hbm>>
    %dma_wait3A_333 = tpu.memref_squeeze %dma_wait3A_332 : memref<1x512xi32, #tpu.memory_space<hbm>> -> memref<512xi32, #tpu.memory_space<hbm>>
    tpu.wait_dma2 semaphore(%arg5 : memref<!tpu.dma_semaphore, #tpu.memory_space<semaphore_mem>>) src(%dma_wait3A_333 : memref<512xi32, #tpu.memory_space<hbm>>) dst(%dma_wait3A_331 : memref<512xi32, #tpu.memory_space<vmem>>)
    %dma_wait3A_334 = arith.constant 11 : i32
    %dma_wait3A_335 = arith.constant 5632 : i32
    %dma_wait3A_336 = tpu.memref_slice %arg4[%dma_wait3A_335] : memref<13312xi32, #tpu.memory_space<vmem>> -> memref<512xi32, #tpu.memory_space<vmem>>
    %dma_wait3A_337 = tpu.memref_slice %arg2[%dma_wait3A_334, %mul3A_2] : memref<26x16384xi32, #tpu.memory_space<hbm>> -> memref<1x512xi32, #tpu.memory_space<hbm>>
    %dma_wait3A_338 = tpu.memref_squeeze %dma_wait3A_337 : memref<1x512xi32, #tpu.memory_space<hbm>> -> memref<512xi32, #tpu.memory_space<hbm>>
    %dma_wait3A_339 = arith.constant 5632 : i32
    %dma_wait3A_340 = tpu.memref_slice %arg4[%dma_wait3A_339] : memref<13312xi32, #tpu.memory_space<vmem>> -> memref<512xi32, #tpu.memory_space<vmem>>
    %dma_wait3A_341 = tpu.memref_slice %arg2[%dma_wait3A_334, %mul3A_2] : memref<26x16384xi32, #tpu.memory_space<hbm>> -> memref<1x512xi32, #tpu.memory_space<hbm>>
    %dma_wait3A_342 = tpu.memref_squeeze %dma_wait3A_341 : memref<1x512xi32, #tpu.memory_space<hbm>> -> memref<512xi32, #tpu.memory_space<hbm>>
    tpu.wait_dma2 semaphore(%arg5 : memref<!tpu.dma_semaphore, #tpu.memory_space<semaphore_mem>>) src(%dma_wait3A_342 : memref<512xi32, #tpu.memory_space<hbm>>) dst(%dma_wait3A_340 : memref<512xi32, #tpu.memory_space<vmem>>)
    %dma_wait3A_343 = arith.constant 12 : i32
    %dma_wait3A_344 = arith.constant 6144 : i32
    %dma_wait3A_345 = tpu.memref_slice %arg4[%dma_wait3A_344] : memref<13312xi32, #tpu.memory_space<vmem>> -> memref<512xi32, #tpu.memory_space<vmem>>
    %dma_wait3A_346 = tpu.memref_slice %arg2[%dma_wait3A_343, %mul3A_2] : memref<26x16384xi32, #tpu.memory_space<hbm>> -> memref<1x512xi32, #tpu.memory_space<hbm>>
    %dma_wait3A_347 = tpu.memref_squeeze %dma_wait3A_346 : memref<1x512xi32, #tpu.memory_space<hbm>> -> memref<512xi32, #tpu.memory_space<hbm>>
    %dma_wait3A_348 = arith.constant 6144 : i32
    %dma_wait3A_349 = tpu.memref_slice %arg4[%dma_wait3A_348] : memref<13312xi32, #tpu.memory_space<vmem>> -> memref<512xi32, #tpu.memory_space<vmem>>
    %dma_wait3A_350 = tpu.memref_slice %arg2[%dma_wait3A_343, %mul3A_2] : memref<26x16384xi32, #tpu.memory_space<hbm>> -> memref<1x512xi32, #tpu.memory_space<hbm>>
    %dma_wait3A_351 = tpu.memref_squeeze %dma_wait3A_350 : memref<1x512xi32, #tpu.memory_space<hbm>> -> memref<512xi32, #tpu.memory_space<hbm>>
    tpu.wait_dma2 semaphore(%arg5 : memref<!tpu.dma_semaphore, #tpu.memory_space<semaphore_mem>>) src(%dma_wait3A_351 : memref<512xi32, #tpu.memory_space<hbm>>) dst(%dma_wait3A_349 : memref<512xi32, #tpu.memory_space<vmem>>)
    %dma_wait3A_352 = arith.constant 13 : i32
    %dma_wait3A_353 = arith.constant 6656 : i32
    %dma_wait3A_354 = tpu.memref_slice %arg4[%dma_wait3A_353] : memref<13312xi32, #tpu.memory_space<vmem>> -> memref<512xi32, #tpu.memory_space<vmem>>
    %dma_wait3A_355 = tpu.memref_slice %arg2[%dma_wait3A_352, %mul3A_2] : memref<26x16384xi32, #tpu.memory_space<hbm>> -> memref<1x512xi32, #tpu.memory_space<hbm>>
    %dma_wait3A_356 = tpu.memref_squeeze %dma_wait3A_355 : memref<1x512xi32, #tpu.memory_space<hbm>> -> memref<512xi32, #tpu.memory_space<hbm>>
    %dma_wait3A_357 = arith.constant 6656 : i32
    %dma_wait3A_358 = tpu.memref_slice %arg4[%dma_wait3A_357] : memref<13312xi32, #tpu.memory_space<vmem>> -> memref<512xi32, #tpu.memory_space<vmem>>
    %dma_wait3A_359 = tpu.memref_slice %arg2[%dma_wait3A_352, %mul3A_2] : memref<26x16384xi32, #tpu.memory_space<hbm>> -> memref<1x512xi32, #tpu.memory_space<hbm>>
    %dma_wait3A_360 = tpu.memref_squeeze %dma_wait3A_359 : memref<1x512xi32, #tpu.memory_space<hbm>> -> memref<512xi32, #tpu.memory_space<hbm>>
    tpu.wait_dma2 semaphore(%arg5 : memref<!tpu.dma_semaphore, #tpu.memory_space<semaphore_mem>>) src(%dma_wait3A_360 : memref<512xi32, #tpu.memory_space<hbm>>) dst(%dma_wait3A_358 : memref<512xi32, #tpu.memory_space<vmem>>)
    %dma_wait3A_361 = arith.constant 14 : i32
    %dma_wait3A_362 = arith.constant 7168 : i32
    %dma_wait3A_363 = tpu.memref_slice %arg4[%dma_wait3A_362] : memref<13312xi32, #tpu.memory_space<vmem>> -> memref<512xi32, #tpu.memory_space<vmem>>
    %dma_wait3A_364 = tpu.memref_slice %arg2[%dma_wait3A_361, %mul3A_2] : memref<26x16384xi32, #tpu.memory_space<hbm>> -> memref<1x512xi32, #tpu.memory_space<hbm>>
    %dma_wait3A_365 = tpu.memref_squeeze %dma_wait3A_364 : memref<1x512xi32, #tpu.memory_space<hbm>> -> memref<512xi32, #tpu.memory_space<hbm>>
    %dma_wait3A_366 = arith.constant 7168 : i32
    %dma_wait3A_367 = tpu.memref_slice %arg4[%dma_wait3A_366] : memref<13312xi32, #tpu.memory_space<vmem>> -> memref<512xi32, #tpu.memory_space<vmem>>
    %dma_wait3A_368 = tpu.memref_slice %arg2[%dma_wait3A_361, %mul3A_2] : memref<26x16384xi32, #tpu.memory_space<hbm>> -> memref<1x512xi32, #tpu.memory_space<hbm>>
    %dma_wait3A_369 = tpu.memref_squeeze %dma_wait3A_368 : memref<1x512xi32, #tpu.memory_space<hbm>> -> memref<512xi32, #tpu.memory_space<hbm>>
    tpu.wait_dma2 semaphore(%arg5 : memref<!tpu.dma_semaphore, #tpu.memory_space<semaphore_mem>>) src(%dma_wait3A_369 : memref<512xi32, #tpu.memory_space<hbm>>) dst(%dma_wait3A_367 : memref<512xi32, #tpu.memory_space<vmem>>)
    %dma_wait3A_370 = arith.constant 15 : i32
    %dma_wait3A_371 = arith.constant 7680 : i32
    %dma_wait3A_372 = tpu.memref_slice %arg4[%dma_wait3A_371] : memref<13312xi32, #tpu.memory_space<vmem>> -> memref<512xi32, #tpu.memory_space<vmem>>
    %dma_wait3A_373 = tpu.memref_slice %arg2[%dma_wait3A_370, %mul3A_2] : memref<26x16384xi32, #tpu.memory_space<hbm>> -> memref<1x512xi32, #tpu.memory_space<hbm>>
    %dma_wait3A_374 = tpu.memref_squeeze %dma_wait3A_373 : memref<1x512xi32, #tpu.memory_space<hbm>> -> memref<512xi32, #tpu.memory_space<hbm>>
    %dma_wait3A_375 = arith.constant 7680 : i32
    %dma_wait3A_376 = tpu.memref_slice %arg4[%dma_wait3A_375] : memref<13312xi32, #tpu.memory_space<vmem>> -> memref<512xi32, #tpu.memory_space<vmem>>
    %dma_wait3A_377 = tpu.memref_slice %arg2[%dma_wait3A_370, %mul3A_2] : memref<26x16384xi32, #tpu.memory_space<hbm>> -> memref<1x512xi32, #tpu.memory_space<hbm>>
    %dma_wait3A_378 = tpu.memref_squeeze %dma_wait3A_377 : memref<1x512xi32, #tpu.memory_space<hbm>> -> memref<512xi32, #tpu.memory_space<hbm>>
    tpu.wait_dma2 semaphore(%arg5 : memref<!tpu.dma_semaphore, #tpu.memory_space<semaphore_mem>>) src(%dma_wait3A_378 : memref<512xi32, #tpu.memory_space<hbm>>) dst(%dma_wait3A_376 : memref<512xi32, #tpu.memory_space<vmem>>)
    %dma_wait3A_379 = arith.constant 16 : i32
    %dma_wait3A_380 = arith.constant 8192 : i32
    %dma_wait3A_381 = tpu.memref_slice %arg4[%dma_wait3A_380] : memref<13312xi32, #tpu.memory_space<vmem>> -> memref<512xi32, #tpu.memory_space<vmem>>
    %dma_wait3A_382 = tpu.memref_slice %arg2[%dma_wait3A_379, %mul3A_2] : memref<26x16384xi32, #tpu.memory_space<hbm>> -> memref<1x512xi32, #tpu.memory_space<hbm>>
    %dma_wait3A_383 = tpu.memref_squeeze %dma_wait3A_382 : memref<1x512xi32, #tpu.memory_space<hbm>> -> memref<512xi32, #tpu.memory_space<hbm>>
    %dma_wait3A_384 = arith.constant 8192 : i32
    %dma_wait3A_385 = tpu.memref_slice %arg4[%dma_wait3A_384] : memref<13312xi32, #tpu.memory_space<vmem>> -> memref<512xi32, #tpu.memory_space<vmem>>
    %dma_wait3A_386 = tpu.memref_slice %arg2[%dma_wait3A_379, %mul3A_2] : memref<26x16384xi32, #tpu.memory_space<hbm>> -> memref<1x512xi32, #tpu.memory_space<hbm>>
    %dma_wait3A_387 = tpu.memref_squeeze %dma_wait3A_386 : memref<1x512xi32, #tpu.memory_space<hbm>> -> memref<512xi32, #tpu.memory_space<hbm>>
    tpu.wait_dma2 semaphore(%arg5 : memref<!tpu.dma_semaphore, #tpu.memory_space<semaphore_mem>>) src(%dma_wait3A_387 : memref<512xi32, #tpu.memory_space<hbm>>) dst(%dma_wait3A_385 : memref<512xi32, #tpu.memory_space<vmem>>)
    %dma_wait3A_388 = arith.constant 17 : i32
    %dma_wait3A_389 = arith.constant 8704 : i32
    %dma_wait3A_390 = tpu.memref_slice %arg4[%dma_wait3A_389] : memref<13312xi32, #tpu.memory_space<vmem>> -> memref<512xi32, #tpu.memory_space<vmem>>
    %dma_wait3A_391 = tpu.memref_slice %arg2[%dma_wait3A_388, %mul3A_2] : memref<26x16384xi32, #tpu.memory_space<hbm>> -> memref<1x512xi32, #tpu.memory_space<hbm>>
    %dma_wait3A_392 = tpu.memref_squeeze %dma_wait3A_391 : memref<1x512xi32, #tpu.memory_space<hbm>> -> memref<512xi32, #tpu.memory_space<hbm>>
    %dma_wait3A_393 = arith.constant 8704 : i32
    %dma_wait3A_394 = tpu.memref_slice %arg4[%dma_wait3A_393] : memref<13312xi32, #tpu.memory_space<vmem>> -> memref<512xi32, #tpu.memory_space<vmem>>
    %dma_wait3A_395 = tpu.memref_slice %arg2[%dma_wait3A_388, %mul3A_2] : memref<26x16384xi32, #tpu.memory_space<hbm>> -> memref<1x512xi32, #tpu.memory_space<hbm>>
    %dma_wait3A_396 = tpu.memref_squeeze %dma_wait3A_395 : memref<1x512xi32, #tpu.memory_space<hbm>> -> memref<512xi32, #tpu.memory_space<hbm>>
    tpu.wait_dma2 semaphore(%arg5 : memref<!tpu.dma_semaphore, #tpu.memory_space<semaphore_mem>>) src(%dma_wait3A_396 : memref<512xi32, #tpu.memory_space<hbm>>) dst(%dma_wait3A_394 : memref<512xi32, #tpu.memory_space<vmem>>)
    %dma_wait3A_397 = arith.constant 18 : i32
    %dma_wait3A_398 = arith.constant 9216 : i32
    %dma_wait3A_399 = tpu.memref_slice %arg4[%dma_wait3A_398] : memref<13312xi32, #tpu.memory_space<vmem>> -> memref<512xi32, #tpu.memory_space<vmem>>
    %dma_wait3A_400 = tpu.memref_slice %arg2[%dma_wait3A_397, %mul3A_2] : memref<26x16384xi32, #tpu.memory_space<hbm>> -> memref<1x512xi32, #tpu.memory_space<hbm>>
    %dma_wait3A_401 = tpu.memref_squeeze %dma_wait3A_400 : memref<1x512xi32, #tpu.memory_space<hbm>> -> memref<512xi32, #tpu.memory_space<hbm>>
    %dma_wait3A_402 = arith.constant 9216 : i32
    %dma_wait3A_403 = tpu.memref_slice %arg4[%dma_wait3A_402] : memref<13312xi32, #tpu.memory_space<vmem>> -> memref<512xi32, #tpu.memory_space<vmem>>
    %dma_wait3A_404 = tpu.memref_slice %arg2[%dma_wait3A_397, %mul3A_2] : memref<26x16384xi32, #tpu.memory_space<hbm>> -> memref<1x512xi32, #tpu.memory_space<hbm>>
    %dma_wait3A_405 = tpu.memref_squeeze %dma_wait3A_404 : memref<1x512xi32, #tpu.memory_space<hbm>> -> memref<512xi32, #tpu.memory_space<hbm>>
    tpu.wait_dma2 semaphore(%arg5 : memref<!tpu.dma_semaphore, #tpu.memory_space<semaphore_mem>>) src(%dma_wait3A_405 : memref<512xi32, #tpu.memory_space<hbm>>) dst(%dma_wait3A_403 : memref<512xi32, #tpu.memory_space<vmem>>)
    %dma_wait3A_406 = arith.constant 19 : i32
    %dma_wait3A_407 = arith.constant 9728 : i32
    %dma_wait3A_408 = tpu.memref_slice %arg4[%dma_wait3A_407] : memref<13312xi32, #tpu.memory_space<vmem>> -> memref<512xi32, #tpu.memory_space<vmem>>
    %dma_wait3A_409 = tpu.memref_slice %arg2[%dma_wait3A_406, %mul3A_2] : memref<26x16384xi32, #tpu.memory_space<hbm>> -> memref<1x512xi32, #tpu.memory_space<hbm>>
    %dma_wait3A_410 = tpu.memref_squeeze %dma_wait3A_409 : memref<1x512xi32, #tpu.memory_space<hbm>> -> memref<512xi32, #tpu.memory_space<hbm>>
    %dma_wait3A_411 = arith.constant 9728 : i32
    %dma_wait3A_412 = tpu.memref_slice %arg4[%dma_wait3A_411] : memref<13312xi32, #tpu.memory_space<vmem>> -> memref<512xi32, #tpu.memory_space<vmem>>
    %dma_wait3A_413 = tpu.memref_slice %arg2[%dma_wait3A_406, %mul3A_2] : memref<26x16384xi32, #tpu.memory_space<hbm>> -> memref<1x512xi32, #tpu.memory_space<hbm>>
    %dma_wait3A_414 = tpu.memref_squeeze %dma_wait3A_413 : memref<1x512xi32, #tpu.memory_space<hbm>> -> memref<512xi32, #tpu.memory_space<hbm>>
    tpu.wait_dma2 semaphore(%arg5 : memref<!tpu.dma_semaphore, #tpu.memory_space<semaphore_mem>>) src(%dma_wait3A_414 : memref<512xi32, #tpu.memory_space<hbm>>) dst(%dma_wait3A_412 : memref<512xi32, #tpu.memory_space<vmem>>)
    %dma_wait3A_415 = arith.constant 20 : i32
    %dma_wait3A_416 = arith.constant 10240 : i32
    %dma_wait3A_417 = tpu.memref_slice %arg4[%dma_wait3A_416] : memref<13312xi32, #tpu.memory_space<vmem>> -> memref<512xi32, #tpu.memory_space<vmem>>
    %dma_wait3A_418 = tpu.memref_slice %arg2[%dma_wait3A_415, %mul3A_2] : memref<26x16384xi32, #tpu.memory_space<hbm>> -> memref<1x512xi32, #tpu.memory_space<hbm>>
    %dma_wait3A_419 = tpu.memref_squeeze %dma_wait3A_418 : memref<1x512xi32, #tpu.memory_space<hbm>> -> memref<512xi32, #tpu.memory_space<hbm>>
    %dma_wait3A_420 = arith.constant 10240 : i32
    %dma_wait3A_421 = tpu.memref_slice %arg4[%dma_wait3A_420] : memref<13312xi32, #tpu.memory_space<vmem>> -> memref<512xi32, #tpu.memory_space<vmem>>
    %dma_wait3A_422 = tpu.memref_slice %arg2[%dma_wait3A_415, %mul3A_2] : memref<26x16384xi32, #tpu.memory_space<hbm>> -> memref<1x512xi32, #tpu.memory_space<hbm>>
    %dma_wait3A_423 = tpu.memref_squeeze %dma_wait3A_422 : memref<1x512xi32, #tpu.memory_space<hbm>> -> memref<512xi32, #tpu.memory_space<hbm>>
    tpu.wait_dma2 semaphore(%arg5 : memref<!tpu.dma_semaphore, #tpu.memory_space<semaphore_mem>>) src(%dma_wait3A_423 : memref<512xi32, #tpu.memory_space<hbm>>) dst(%dma_wait3A_421 : memref<512xi32, #tpu.memory_space<vmem>>)
    %dma_wait3A_424 = arith.constant 21 : i32
    %dma_wait3A_425 = arith.constant 10752 : i32
    %dma_wait3A_426 = tpu.memref_slice %arg4[%dma_wait3A_425] : memref<13312xi32, #tpu.memory_space<vmem>> -> memref<512xi32, #tpu.memory_space<vmem>>
    %dma_wait3A_427 = tpu.memref_slice %arg2[%dma_wait3A_424, %mul3A_2] : memref<26x16384xi32, #tpu.memory_space<hbm>> -> memref<1x512xi32, #tpu.memory_space<hbm>>
    %dma_wait3A_428 = tpu.memref_squeeze %dma_wait3A_427 : memref<1x512xi32, #tpu.memory_space<hbm>> -> memref<512xi32, #tpu.memory_space<hbm>>
    %dma_wait3A_429 = arith.constant 10752 : i32
    %dma_wait3A_430 = tpu.memref_slice %arg4[%dma_wait3A_429] : memref<13312xi32, #tpu.memory_space<vmem>> -> memref<512xi32, #tpu.memory_space<vmem>>
    %dma_wait3A_431 = tpu.memref_slice %arg2[%dma_wait3A_424, %mul3A_2] : memref<26x16384xi32, #tpu.memory_space<hbm>> -> memref<1x512xi32, #tpu.memory_space<hbm>>
    %dma_wait3A_432 = tpu.memref_squeeze %dma_wait3A_431 : memref<1x512xi32, #tpu.memory_space<hbm>> -> memref<512xi32, #tpu.memory_space<hbm>>
    tpu.wait_dma2 semaphore(%arg5 : memref<!tpu.dma_semaphore, #tpu.memory_space<semaphore_mem>>) src(%dma_wait3A_432 : memref<512xi32, #tpu.memory_space<hbm>>) dst(%dma_wait3A_430 : memref<512xi32, #tpu.memory_space<vmem>>)
    %dma_wait3A_433 = arith.constant 22 : i32
    %dma_wait3A_434 = arith.constant 11264 : i32
    %dma_wait3A_435 = tpu.memref_slice %arg4[%dma_wait3A_434] : memref<13312xi32, #tpu.memory_space<vmem>> -> memref<512xi32, #tpu.memory_space<vmem>>
    %dma_wait3A_436 = tpu.memref_slice %arg2[%dma_wait3A_433, %mul3A_2] : memref<26x16384xi32, #tpu.memory_space<hbm>> -> memref<1x512xi32, #tpu.memory_space<hbm>>
    %dma_wait3A_437 = tpu.memref_squeeze %dma_wait3A_436 : memref<1x512xi32, #tpu.memory_space<hbm>> -> memref<512xi32, #tpu.memory_space<hbm>>
    %dma_wait3A_438 = arith.constant 11264 : i32
    %dma_wait3A_439 = tpu.memref_slice %arg4[%dma_wait3A_438] : memref<13312xi32, #tpu.memory_space<vmem>> -> memref<512xi32, #tpu.memory_space<vmem>>
    %dma_wait3A_440 = tpu.memref_slice %arg2[%dma_wait3A_433, %mul3A_2] : memref<26x16384xi32, #tpu.memory_space<hbm>> -> memref<1x512xi32, #tpu.memory_space<hbm>>
    %dma_wait3A_441 = tpu.memref_squeeze %dma_wait3A_440 : memref<1x512xi32, #tpu.memory_space<hbm>> -> memref<512xi32, #tpu.memory_space<hbm>>
    tpu.wait_dma2 semaphore(%arg5 : memref<!tpu.dma_semaphore, #tpu.memory_space<semaphore_mem>>) src(%dma_wait3A_441 : memref<512xi32, #tpu.memory_space<hbm>>) dst(%dma_wait3A_439 : memref<512xi32, #tpu.memory_space<vmem>>)
    %dma_wait3A_442 = arith.constant 23 : i32
    %dma_wait3A_443 = arith.constant 11776 : i32
    %dma_wait3A_444 = tpu.memref_slice %arg4[%dma_wait3A_443] : memref<13312xi32, #tpu.memory_space<vmem>> -> memref<512xi32, #tpu.memory_space<vmem>>
    %dma_wait3A_445 = tpu.memref_slice %arg2[%dma_wait3A_442, %mul3A_2] : memref<26x16384xi32, #tpu.memory_space<hbm>> -> memref<1x512xi32, #tpu.memory_space<hbm>>
    %dma_wait3A_446 = tpu.memref_squeeze %dma_wait3A_445 : memref<1x512xi32, #tpu.memory_space<hbm>> -> memref<512xi32, #tpu.memory_space<hbm>>
    %dma_wait3A_447 = arith.constant 11776 : i32
    %dma_wait3A_448 = tpu.memref_slice %arg4[%dma_wait3A_447] : memref<13312xi32, #tpu.memory_space<vmem>> -> memref<512xi32, #tpu.memory_space<vmem>>
    %dma_wait3A_449 = tpu.memref_slice %arg2[%dma_wait3A_442, %mul3A_2] : memref<26x16384xi32, #tpu.memory_space<hbm>> -> memref<1x512xi32, #tpu.memory_space<hbm>>
    %dma_wait3A_450 = tpu.memref_squeeze %dma_wait3A_449 : memref<1x512xi32, #tpu.memory_space<hbm>> -> memref<512xi32, #tpu.memory_space<hbm>>
    tpu.wait_dma2 semaphore(%arg5 : memref<!tpu.dma_semaphore, #tpu.memory_space<semaphore_mem>>) src(%dma_wait3A_450 : memref<512xi32, #tpu.memory_space<hbm>>) dst(%dma_wait3A_448 : memref<512xi32, #tpu.memory_space<vmem>>)
    %dma_wait3A_451 = arith.constant 24 : i32
    %dma_wait3A_452 = arith.constant 12288 : i32
    %dma_wait3A_453 = tpu.memref_slice %arg4[%dma_wait3A_452] : memref<13312xi32, #tpu.memory_space<vmem>> -> memref<512xi32, #tpu.memory_space<vmem>>
    %dma_wait3A_454 = tpu.memref_slice %arg2[%dma_wait3A_451, %mul3A_2] : memref<26x16384xi32, #tpu.memory_space<hbm>> -> memref<1x512xi32, #tpu.memory_space<hbm>>
    %dma_wait3A_455 = tpu.memref_squeeze %dma_wait3A_454 : memref<1x512xi32, #tpu.memory_space<hbm>> -> memref<512xi32, #tpu.memory_space<hbm>>
    %dma_wait3A_456 = arith.constant 12288 : i32
    %dma_wait3A_457 = tpu.memref_slice %arg4[%dma_wait3A_456] : memref<13312xi32, #tpu.memory_space<vmem>> -> memref<512xi32, #tpu.memory_space<vmem>>
    %dma_wait3A_458 = tpu.memref_slice %arg2[%dma_wait3A_451, %mul3A_2] : memref<26x16384xi32, #tpu.memory_space<hbm>> -> memref<1x512xi32, #tpu.memory_space<hbm>>
    %dma_wait3A_459 = tpu.memref_squeeze %dma_wait3A_458 : memref<1x512xi32, #tpu.memory_space<hbm>> -> memref<512xi32, #tpu.memory_space<hbm>>
    tpu.wait_dma2 semaphore(%arg5 : memref<!tpu.dma_semaphore, #tpu.memory_space<semaphore_mem>>) src(%dma_wait3A_459 : memref<512xi32, #tpu.memory_space<hbm>>) dst(%dma_wait3A_457 : memref<512xi32, #tpu.memory_space<vmem>>)
    %dma_wait3A_460 = arith.constant 25 : i32
    %dma_wait3A_461 = arith.constant 12800 : i32
    %dma_wait3A_462 = tpu.memref_slice %arg4[%dma_wait3A_461] : memref<13312xi32, #tpu.memory_space<vmem>> -> memref<512xi32, #tpu.memory_space<vmem>>
    %dma_wait3A_463 = tpu.memref_slice %arg2[%dma_wait3A_460, %mul3A_2] : memref<26x16384xi32, #tpu.memory_space<hbm>> -> memref<1x512xi32, #tpu.memory_space<hbm>>
    %dma_wait3A_464 = tpu.memref_squeeze %dma_wait3A_463 : memref<1x512xi32, #tpu.memory_space<hbm>> -> memref<512xi32, #tpu.memory_space<hbm>>
    %dma_wait3A_465 = arith.constant 12800 : i32
    %dma_wait3A_466 = tpu.memref_slice %arg4[%dma_wait3A_465] : memref<13312xi32, #tpu.memory_space<vmem>> -> memref<512xi32, #tpu.memory_space<vmem>>
    %dma_wait3A_467 = tpu.memref_slice %arg2[%dma_wait3A_460, %mul3A_2] : memref<26x16384xi32, #tpu.memory_space<hbm>> -> memref<1x512xi32, #tpu.memory_space<hbm>>
    %dma_wait3A_468 = tpu.memref_squeeze %dma_wait3A_467 : memref<1x512xi32, #tpu.memory_space<hbm>> -> memref<512xi32, #tpu.memory_space<hbm>>
    tpu.wait_dma2 semaphore(%arg5 : memref<!tpu.dma_semaphore, #tpu.memory_space<semaphore_mem>>) src(%dma_wait3A_468 : memref<512xi32, #tpu.memory_space<hbm>>) dst(%dma_wait3A_466 : memref<512xi32, #tpu.memory_space<vmem>>)
    %scan3A = arith.constant 0 : i32
    %scan3A_469 = arith.constant 0 : i32
    %scan3A_470 = arith.constant 832 : i32
    %scan3A_471 = arith.addi %scan3A_469, %scan3A_470 : i32
    %scan3A_472 = arith.constant 1 : i32
    scf.for %scan3A_476 = %scan3A_469 to %scan3A_471 step %scan3A_472  : i32 {
      %jit3A = arith.constant 32 : i32
      %div3A = arith.divsi %scan3A_476, %jit3A : i32
      %sign3A = arith.constant 0 : i32
      %sign3A_477 = arith.cmpi sgt, %scan3A_476, %sign3A : i32
      %sign3A_478 = arith.extui %sign3A_477 : i1 to i32
      %sign3A_479 = arith.constant 0 : i32
      %sign3A_480 = arith.cmpi slt, %scan3A_476, %sign3A_479 : i32
      %sign3A_481 = arith.extui %sign3A_480 : i1 to i32
      %sign3A_482 = arith.subi %sign3A_478, %sign3A_481 : i32
      %sign3A_483 = arith.constant 0 : i32
      %sign3A_484 = arith.cmpi sgt, %jit3A, %sign3A_483 : i32
      %sign3A_485 = arith.extui %sign3A_484 : i1 to i32
      %sign3A_486 = arith.constant 0 : i32
      %sign3A_487 = arith.cmpi slt, %jit3A, %sign3A_486 : i32
      %sign3A_488 = arith.extui %sign3A_487 : i1 to i32
      %sign3A_489 = arith.subi %sign3A_485, %sign3A_488 : i32
      %ne3A = arith.cmpi ne, %sign3A_482, %sign3A_489 : i32
      %rem3A = arith.remsi %scan3A_476, %jit3A : i32
      %ne3A_490 = arith.constant 0 : i32
      %ne3A_491 = arith.cmpi ne, %rem3A, %ne3A_490 : i32
      %and3A = arith.andi %ne3A, %ne3A_491 : i1
      %sub3A = arith.constant 1 : i32
      %sub3A_492 = arith.subi %div3A, %sub3A : i32
      %select_n3A = arith.select %and3A, %sub3A_492, %div3A : i32
      %mul3A_493 = arith.constant 100000 : i32
      %mul3A_494 = arith.muli %select_n3A, %mul3A_493 : i32
      %mul3A_495 = arith.constant 16 : i32
      %mul3A_496 = arith.muli %scan3A_476, %mul3A_495 : i32
      %get3A = arith.index_cast %mul3A_496 : i32 to index
      %get3A_497 = tpu.vector_load %arg4[%get3A] {strides = array<i32>} : memref<13312xi32, #tpu.memory_space<vmem>>, vector<16xi32>,
      %add3A_498 = vector.broadcast %mul3A_494 : i32 to vector<16xi32>
      %add3A_499 = arith.addi %get3A_497, %add3A_498 : vector<16xi32>
      %mul3A_500 = arith.constant 16 : i32
      %mul3A_501 = arith.muli %scan3A_476, %mul3A_500 : i32
      %swap3A = arith.index_cast %mul3A_501 : i32 to index
      %swap3A_502 = tpu.vector_load %arg4[%swap3A] {strides = array<i32>} : memref<13312xi32, #tpu.memory_space<vmem>>, vector<16xi32>,
      tpu.vector_store %arg4[%swap3A], %add3A_499 {strides = array<i32>} : memref<13312xi32, #tpu.memory_space<vmem>>, vector<16xi32>,
    }
    %scan3A_473 = arith.constant 832 : i32
    %mul3A_474 = arith.constant 26 : i32
    %mul3A_475 = arith.muli %mul3A_2, %mul3A_474 : i32
    "tpu.region"() ({
      %run_scoped3A = tpu.sem_alloc : memref<!tpu.dma_semaphore, #tpu.memory_space<semaphore_mem>>
      %dma_start3A_476 = tpu.memref_slice %arg3[%mul3A_475] : memref<425984xi32, #tpu.memory_space<hbm>> -> memref<13312xi32, #tpu.memory_space<hbm>>
      %dma_start3A_477 = tpu.memref_slice %arg3[%mul3A_475] : memref<425984xi32, #tpu.memory_space<hbm>> -> memref<13312xi32, #tpu.memory_space<hbm>>
      tpu.enqueue_dma source(%arg4 : memref<13312xi32, #tpu.memory_space<vmem>>) target(%dma_start3A_477 : memref<13312xi32, #tpu.memory_space<hbm>>) target_semaphore(%run_scoped3A : memref<!tpu.dma_semaphore, #tpu.memory_space<semaphore_mem>>)
      %dma_wait3A_478 = tpu.memref_slice %arg3[%mul3A_475] : memref<425984xi32, #tpu.memory_space<hbm>> -> memref<13312xi32, #tpu.memory_space<hbm>>
      %dma_wait3A_479 = tpu.memref_slice %arg3[%mul3A_475] : memref<425984xi32, #tpu.memory_space<hbm>> -> memref<13312xi32, #tpu.memory_space<hbm>>
      tpu.wait_dma2 semaphore(%run_scoped3A : memref<!tpu.dma_semaphore, #tpu.memory_space<semaphore_mem>>) src(%arg4 : memref<13312xi32, #tpu.memory_space<vmem>>) dst(%dma_wait3A_479 : memref<13312xi32, #tpu.memory_space<hbm>>)
      tpu.yield
    }) : () -> ()
    return
  }
}

#map = affine_map<(d0, d1) -> (0)>
#map1 = affine_map<(d0, d1) -> (0, 0)>
module attributes {stable_mosaic.version = 14 : i64} {
  func.func @_sc_main(%arg0: i32, %arg1: i32, %arg2: memref<425984xi32, #tpu.memory_space<hbm>>, %arg3: memref<2600960xf32, #tpu.memory_space<hbm>>, %arg4: memref<1x1xf32, #tpu.memory_space<hbm>>, %arg5: memref<16384xf32, #tpu.memory_space<hbm>>, %arg6: memref<13312xi32, #tpu.memory_space<vmem>>, %arg7: memref<13312xf32, #tpu.memory_space<vmem>>, %arg8: memref<512xf32, #tpu.memory_space<vmem>>, %arg9: memref<1x1xf32, #tpu.memory_space<vmem>>, %arg10: memref<!tpu.dma_semaphore, #tpu.memory_space<semaphore_mem>>, %arg11: memref<!tpu.dma_semaphore, #tpu.memory_space<semaphore_mem>>, %arg12: memref<!tpu.dma_semaphore, #tpu.memory_space<semaphore_mem>>, %arg13: memref<!tpu.dma_semaphore, #tpu.memory_space<semaphore_mem>>, %arg14: memref<!tpu.dma_semaphore, #tpu.memory_space<semaphore_mem>>, %arg15: memref<!tpu.dma_semaphore, #tpu.memory_space<semaphore_mem>>, %arg16: memref<!tpu.dma_semaphore, #tpu.memory_space<semaphore_mem>>, %arg17: memref<!tpu.dma_semaphore, #tpu.memory_space<semaphore_mem>>, %arg18: memref<!tpu.dma_semaphore, #tpu.memory_space<semaphore_mem>>, %arg19: memref<!tpu.dma_semaphore, #tpu.memory_space<semaphore_mem>>, %arg20: memref<!tpu.dma_semaphore, #tpu.memory_space<semaphore_mem>>, %arg21: memref<!tpu.dma_semaphore, #tpu.memory_space<semaphore_mem>>, %arg22: memref<!tpu.dma_semaphore, #tpu.memory_space<semaphore_mem>>, %arg23: memref<!tpu.dma_semaphore, #tpu.memory_space<semaphore_mem>>) attributes {dimension_semantics = [#tpu.dimension_semantics<core_parallel>, #tpu.dimension_semantics<subcore_parallel>], iteration_bounds = array<i64: 2, 16>, scalar_prefetch = 0 : i64, scratch_operands = 18 : i64, tpu.core_type = #tpu.core_type<sc_vector_subcore>, window_params = [{transform_indices = #map}, {transform_indices = #map}, {transform_indices = #map1}, {transform_indices = #map}]} {
    %mul3A = arith.constant 2 : i32
    %mul3A_0 = arith.muli %arg1, %mul3A : i32
    %add3A = arith.addi %mul3A_0, %arg0 : i32
    %mul3A_1 = arith.constant 512 : i32
    %mul3A_2 = arith.muli %add3A, %mul3A_1 : i32
    %mul3A_3 = arith.constant 26 : i32
    %mul3A_4 = arith.muli %mul3A_2, %mul3A_3 : i32
    %add3A_5 = arith.constant 0 : i32
    %add3A_6 = arith.addi %mul3A_4, %add3A_5 : i32
    %dma_start3A = arith.constant 0 : i32
    %dma_start3A_7 = tpu.memref_slice %arg6[%dma_start3A] : memref<13312xi32, #tpu.memory_space<vmem>> -> memref<1024xi32, #tpu.memory_space<vmem>>
    %dma_start3A_8 = tpu.memref_slice %arg2[%add3A_6] : memref<425984xi32, #tpu.memory_space<hbm>> -> memref<1024xi32, #tpu.memory_space<hbm>>
    %dma_start3A_9 = arith.constant 0 : i32
    %dma_start3A_10 = tpu.memref_slice %arg6[%dma_start3A_9] : memref<13312xi32, #tpu.memory_space<vmem>> -> memref<1024xi32, #tpu.memory_space<vmem>>
    %dma_start3A_11 = tpu.memref_slice %arg2[%add3A_6] : memref<425984xi32, #tpu.memory_space<hbm>> -> memref<1024xi32, #tpu.memory_space<hbm>>
    tpu.enqueue_dma source(%dma_start3A_11 : memref<1024xi32, #tpu.memory_space<hbm>>) target(%dma_start3A_10 : memref<1024xi32, #tpu.memory_space<vmem>>) target_semaphore(%arg10 : memref<!tpu.dma_semaphore, #tpu.memory_space<semaphore_mem>>)
    %mul3A_12 = arith.constant 26 : i32
    %mul3A_13 = arith.muli %mul3A_2, %mul3A_12 : i32
    %add3A_14 = arith.constant 1024 : i32
    %add3A_15 = arith.addi %mul3A_13, %add3A_14 : i32
    %dma_start3A_16 = arith.constant 1024 : i32
    %dma_start3A_17 = tpu.memref_slice %arg6[%dma_start3A_16] : memref<13312xi32, #tpu.memory_space<vmem>> -> memref<1024xi32, #tpu.memory_space<vmem>>
    %dma_start3A_18 = tpu.memref_slice %arg2[%add3A_15] : memref<425984xi32, #tpu.memory_space<hbm>> -> memref<1024xi32, #tpu.memory_space<hbm>>
    %dma_start3A_19 = arith.constant 1024 : i32
    %dma_start3A_20 = tpu.memref_slice %arg6[%dma_start3A_19] : memref<13312xi32, #tpu.memory_space<vmem>> -> memref<1024xi32, #tpu.memory_space<vmem>>
    %dma_start3A_21 = tpu.memref_slice %arg2[%add3A_15] : memref<425984xi32, #tpu.memory_space<hbm>> -> memref<1024xi32, #tpu.memory_space<hbm>>
    tpu.enqueue_dma source(%dma_start3A_21 : memref<1024xi32, #tpu.memory_space<hbm>>) target(%dma_start3A_20 : memref<1024xi32, #tpu.memory_space<vmem>>) target_semaphore(%arg10 : memref<!tpu.dma_semaphore, #tpu.memory_space<semaphore_mem>>)
    %mul3A_22 = arith.constant 26 : i32
    %mul3A_23 = arith.muli %mul3A_2, %mul3A_22 : i32
    %add3A_24 = arith.constant 2048 : i32
    %add3A_25 = arith.addi %mul3A_23, %add3A_24 : i32
    %dma_start3A_26 = arith.constant 2048 : i32
    %dma_start3A_27 = tpu.memref_slice %arg6[%dma_start3A_26] : memref<13312xi32, #tpu.memory_space<vmem>> -> memref<1024xi32, #tpu.memory_space<vmem>>
    %dma_start3A_28 = tpu.memref_slice %arg2[%add3A_25] : memref<425984xi32, #tpu.memory_space<hbm>> -> memref<1024xi32, #tpu.memory_space<hbm>>
    %dma_start3A_29 = arith.constant 2048 : i32
    %dma_start3A_30 = tpu.memref_slice %arg6[%dma_start3A_29] : memref<13312xi32, #tpu.memory_space<vmem>> -> memref<1024xi32, #tpu.memory_space<vmem>>
    %dma_start3A_31 = tpu.memref_slice %arg2[%add3A_25] : memref<425984xi32, #tpu.memory_space<hbm>> -> memref<1024xi32, #tpu.memory_space<hbm>>
    tpu.enqueue_dma source(%dma_start3A_31 : memref<1024xi32, #tpu.memory_space<hbm>>) target(%dma_start3A_30 : memref<1024xi32, #tpu.memory_space<vmem>>) target_semaphore(%arg10 : memref<!tpu.dma_semaphore, #tpu.memory_space<semaphore_mem>>)
    %mul3A_32 = arith.constant 26 : i32
    %mul3A_33 = arith.muli %mul3A_2, %mul3A_32 : i32
    %add3A_34 = arith.constant 3072 : i32
    %add3A_35 = arith.addi %mul3A_33, %add3A_34 : i32
    %dma_start3A_36 = arith.constant 3072 : i32
    %dma_start3A_37 = tpu.memref_slice %arg6[%dma_start3A_36] : memref<13312xi32, #tpu.memory_space<vmem>> -> memref<1024xi32, #tpu.memory_space<vmem>>
    %dma_start3A_38 = tpu.memref_slice %arg2[%add3A_35] : memref<425984xi32, #tpu.memory_space<hbm>> -> memref<1024xi32, #tpu.memory_space<hbm>>
    %dma_start3A_39 = arith.constant 3072 : i32
    %dma_start3A_40 = tpu.memref_slice %arg6[%dma_start3A_39] : memref<13312xi32, #tpu.memory_space<vmem>> -> memref<1024xi32, #tpu.memory_space<vmem>>
    %dma_start3A_41 = tpu.memref_slice %arg2[%add3A_35] : memref<425984xi32, #tpu.memory_space<hbm>> -> memref<1024xi32, #tpu.memory_space<hbm>>
    tpu.enqueue_dma source(%dma_start3A_41 : memref<1024xi32, #tpu.memory_space<hbm>>) target(%dma_start3A_40 : memref<1024xi32, #tpu.memory_space<vmem>>) target_semaphore(%arg10 : memref<!tpu.dma_semaphore, #tpu.memory_space<semaphore_mem>>)
    %mul3A_42 = arith.constant 26 : i32
    %mul3A_43 = arith.muli %mul3A_2, %mul3A_42 : i32
    %add3A_44 = arith.constant 4096 : i32
    %add3A_45 = arith.addi %mul3A_43, %add3A_44 : i32
    %dma_start3A_46 = arith.constant 4096 : i32
    %dma_start3A_47 = tpu.memref_slice %arg6[%dma_start3A_46] : memref<13312xi32, #tpu.memory_space<vmem>> -> memref<1024xi32, #tpu.memory_space<vmem>>
    %dma_start3A_48 = tpu.memref_slice %arg2[%add3A_45] : memref<425984xi32, #tpu.memory_space<hbm>> -> memref<1024xi32, #tpu.memory_space<hbm>>
    %dma_start3A_49 = arith.constant 4096 : i32
    %dma_start3A_50 = tpu.memref_slice %arg6[%dma_start3A_49] : memref<13312xi32, #tpu.memory_space<vmem>> -> memref<1024xi32, #tpu.memory_space<vmem>>
    %dma_start3A_51 = tpu.memref_slice %arg2[%add3A_45] : memref<425984xi32, #tpu.memory_space<hbm>> -> memref<1024xi32, #tpu.memory_space<hbm>>
    tpu.enqueue_dma source(%dma_start3A_51 : memref<1024xi32, #tpu.memory_space<hbm>>) target(%dma_start3A_50 : memref<1024xi32, #tpu.memory_space<vmem>>) target_semaphore(%arg10 : memref<!tpu.dma_semaphore, #tpu.memory_space<semaphore_mem>>)
    %mul3A_52 = arith.constant 26 : i32
    %mul3A_53 = arith.muli %mul3A_2, %mul3A_52 : i32
    %add3A_54 = arith.constant 5120 : i32
    %add3A_55 = arith.addi %mul3A_53, %add3A_54 : i32
    %dma_start3A_56 = arith.constant 5120 : i32
    %dma_start3A_57 = tpu.memref_slice %arg6[%dma_start3A_56] : memref<13312xi32, #tpu.memory_space<vmem>> -> memref<1024xi32, #tpu.memory_space<vmem>>
    %dma_start3A_58 = tpu.memref_slice %arg2[%add3A_55] : memref<425984xi32, #tpu.memory_space<hbm>> -> memref<1024xi32, #tpu.memory_space<hbm>>
    %dma_start3A_59 = arith.constant 5120 : i32
    %dma_start3A_60 = tpu.memref_slice %arg6[%dma_start3A_59] : memref<13312xi32, #tpu.memory_space<vmem>> -> memref<1024xi32, #tpu.memory_space<vmem>>
    %dma_start3A_61 = tpu.memref_slice %arg2[%add3A_55] : memref<425984xi32, #tpu.memory_space<hbm>> -> memref<1024xi32, #tpu.memory_space<hbm>>
    tpu.enqueue_dma source(%dma_start3A_61 : memref<1024xi32, #tpu.memory_space<hbm>>) target(%dma_start3A_60 : memref<1024xi32, #tpu.memory_space<vmem>>) target_semaphore(%arg10 : memref<!tpu.dma_semaphore, #tpu.memory_space<semaphore_mem>>)
    %mul3A_62 = arith.constant 26 : i32
    %mul3A_63 = arith.muli %mul3A_2, %mul3A_62 : i32
    %add3A_64 = arith.constant 6144 : i32
    %add3A_65 = arith.addi %mul3A_63, %add3A_64 : i32
    %dma_start3A_66 = arith.constant 6144 : i32
    %dma_start3A_67 = tpu.memref_slice %arg6[%dma_start3A_66] : memref<13312xi32, #tpu.memory_space<vmem>> -> memref<1024xi32, #tpu.memory_space<vmem>>
    %dma_start3A_68 = tpu.memref_slice %arg2[%add3A_65] : memref<425984xi32, #tpu.memory_space<hbm>> -> memref<1024xi32, #tpu.memory_space<hbm>>
    %dma_start3A_69 = arith.constant 6144 : i32
    %dma_start3A_70 = tpu.memref_slice %arg6[%dma_start3A_69] : memref<13312xi32, #tpu.memory_space<vmem>> -> memref<1024xi32, #tpu.memory_space<vmem>>
    %dma_start3A_71 = tpu.memref_slice %arg2[%add3A_65] : memref<425984xi32, #tpu.memory_space<hbm>> -> memref<1024xi32, #tpu.memory_space<hbm>>
    tpu.enqueue_dma source(%dma_start3A_71 : memref<1024xi32, #tpu.memory_space<hbm>>) target(%dma_start3A_70 : memref<1024xi32, #tpu.memory_space<vmem>>) target_semaphore(%arg10 : memref<!tpu.dma_semaphore, #tpu.memory_space<semaphore_mem>>)
    %mul3A_72 = arith.constant 26 : i32
    %mul3A_73 = arith.muli %mul3A_2, %mul3A_72 : i32
    %add3A_74 = arith.constant 7168 : i32
    %add3A_75 = arith.addi %mul3A_73, %add3A_74 : i32
    %dma_start3A_76 = arith.constant 7168 : i32
    %dma_start3A_77 = tpu.memref_slice %arg6[%dma_start3A_76] : memref<13312xi32, #tpu.memory_space<vmem>> -> memref<1024xi32, #tpu.memory_space<vmem>>
    %dma_start3A_78 = tpu.memref_slice %arg2[%add3A_75] : memref<425984xi32, #tpu.memory_space<hbm>> -> memref<1024xi32, #tpu.memory_space<hbm>>
    %dma_start3A_79 = arith.constant 7168 : i32
    %dma_start3A_80 = tpu.memref_slice %arg6[%dma_start3A_79] : memref<13312xi32, #tpu.memory_space<vmem>> -> memref<1024xi32, #tpu.memory_space<vmem>>
    %dma_start3A_81 = tpu.memref_slice %arg2[%add3A_75] : memref<425984xi32, #tpu.memory_space<hbm>> -> memref<1024xi32, #tpu.memory_space<hbm>>
    tpu.enqueue_dma source(%dma_start3A_81 : memref<1024xi32, #tpu.memory_space<hbm>>) target(%dma_start3A_80 : memref<1024xi32, #tpu.memory_space<vmem>>) target_semaphore(%arg10 : memref<!tpu.dma_semaphore, #tpu.memory_space<semaphore_mem>>)
    %mul3A_82 = arith.constant 26 : i32
    %mul3A_83 = arith.muli %mul3A_2, %mul3A_82 : i32
    %add3A_84 = arith.constant 8192 : i32
    %add3A_85 = arith.addi %mul3A_83, %add3A_84 : i32
    %dma_start3A_86 = arith.constant 8192 : i32
    %dma_start3A_87 = tpu.memref_slice %arg6[%dma_start3A_86] : memref<13312xi32, #tpu.memory_space<vmem>> -> memref<1024xi32, #tpu.memory_space<vmem>>
    %dma_start3A_88 = tpu.memref_slice %arg2[%add3A_85] : memref<425984xi32, #tpu.memory_space<hbm>> -> memref<1024xi32, #tpu.memory_space<hbm>>
    %dma_start3A_89 = arith.constant 8192 : i32
    %dma_start3A_90 = tpu.memref_slice %arg6[%dma_start3A_89] : memref<13312xi32, #tpu.memory_space<vmem>> -> memref<1024xi32, #tpu.memory_space<vmem>>
    %dma_start3A_91 = tpu.memref_slice %arg2[%add3A_85] : memref<425984xi32, #tpu.memory_space<hbm>> -> memref<1024xi32, #tpu.memory_space<hbm>>
    tpu.enqueue_dma source(%dma_start3A_91 : memref<1024xi32, #tpu.memory_space<hbm>>) target(%dma_start3A_90 : memref<1024xi32, #tpu.memory_space<vmem>>) target_semaphore(%arg10 : memref<!tpu.dma_semaphore, #tpu.memory_space<semaphore_mem>>)
    %mul3A_92 = arith.constant 26 : i32
    %mul3A_93 = arith.muli %mul3A_2, %mul3A_92 : i32
    %add3A_94 = arith.constant 9216 : i32
    %add3A_95 = arith.addi %mul3A_93, %add3A_94 : i32
    %dma_start3A_96 = arith.constant 9216 : i32
    %dma_start3A_97 = tpu.memref_slice %arg6[%dma_start3A_96] : memref<13312xi32, #tpu.memory_space<vmem>> -> memref<1024xi32, #tpu.memory_space<vmem>>
    %dma_start3A_98 = tpu.memref_slice %arg2[%add3A_95] : memref<425984xi32, #tpu.memory_space<hbm>> -> memref<1024xi32, #tpu.memory_space<hbm>>
    %dma_start3A_99 = arith.constant 9216 : i32
    %dma_start3A_100 = tpu.memref_slice %arg6[%dma_start3A_99] : memref<13312xi32, #tpu.memory_space<vmem>> -> memref<1024xi32, #tpu.memory_space<vmem>>
    %dma_start3A_101 = tpu.memref_slice %arg2[%add3A_95] : memref<425984xi32, #tpu.memory_space<hbm>> -> memref<1024xi32, #tpu.memory_space<hbm>>
    tpu.enqueue_dma source(%dma_start3A_101 : memref<1024xi32, #tpu.memory_space<hbm>>) target(%dma_start3A_100 : memref<1024xi32, #tpu.memory_space<vmem>>) target_semaphore(%arg10 : memref<!tpu.dma_semaphore, #tpu.memory_space<semaphore_mem>>)
    %mul3A_102 = arith.constant 26 : i32
    %mul3A_103 = arith.muli %mul3A_2, %mul3A_102 : i32
    %add3A_104 = arith.constant 10240 : i32
    %add3A_105 = arith.addi %mul3A_103, %add3A_104 : i32
    %dma_start3A_106 = arith.constant 10240 : i32
    %dma_start3A_107 = tpu.memref_slice %arg6[%dma_start3A_106] : memref<13312xi32, #tpu.memory_space<vmem>> -> memref<1024xi32, #tpu.memory_space<vmem>>
    %dma_start3A_108 = tpu.memref_slice %arg2[%add3A_105] : memref<425984xi32, #tpu.memory_space<hbm>> -> memref<1024xi32, #tpu.memory_space<hbm>>
    %dma_start3A_109 = arith.constant 10240 : i32
    %dma_start3A_110 = tpu.memref_slice %arg6[%dma_start3A_109] : memref<13312xi32, #tpu.memory_space<vmem>> -> memref<1024xi32, #tpu.memory_space<vmem>>
    %dma_start3A_111 = tpu.memref_slice %arg2[%add3A_105] : memref<425984xi32, #tpu.memory_space<hbm>> -> memref<1024xi32, #tpu.memory_space<hbm>>
    tpu.enqueue_dma source(%dma_start3A_111 : memref<1024xi32, #tpu.memory_space<hbm>>) target(%dma_start3A_110 : memref<1024xi32, #tpu.memory_space<vmem>>) target_semaphore(%arg10 : memref<!tpu.dma_semaphore, #tpu.memory_space<semaphore_mem>>)
    %mul3A_112 = arith.constant 26 : i32
    %mul3A_113 = arith.muli %mul3A_2, %mul3A_112 : i32
    %add3A_114 = arith.constant 11264 : i32
    %add3A_115 = arith.addi %mul3A_113, %add3A_114 : i32
    %dma_start3A_116 = arith.constant 11264 : i32
    %dma_start3A_117 = tpu.memref_slice %arg6[%dma_start3A_116] : memref<13312xi32, #tpu.memory_space<vmem>> -> memref<1024xi32, #tpu.memory_space<vmem>>
    %dma_start3A_118 = tpu.memref_slice %arg2[%add3A_115] : memref<425984xi32, #tpu.memory_space<hbm>> -> memref<1024xi32, #tpu.memory_space<hbm>>
    %dma_start3A_119 = arith.constant 11264 : i32
    %dma_start3A_120 = tpu.memref_slice %arg6[%dma_start3A_119] : memref<13312xi32, #tpu.memory_space<vmem>> -> memref<1024xi32, #tpu.memory_space<vmem>>
    %dma_start3A_121 = tpu.memref_slice %arg2[%add3A_115] : memref<425984xi32, #tpu.memory_space<hbm>> -> memref<1024xi32, #tpu.memory_space<hbm>>
    tpu.enqueue_dma source(%dma_start3A_121 : memref<1024xi32, #tpu.memory_space<hbm>>) target(%dma_start3A_120 : memref<1024xi32, #tpu.memory_space<vmem>>) target_semaphore(%arg10 : memref<!tpu.dma_semaphore, #tpu.memory_space<semaphore_mem>>)
    %mul3A_122 = arith.constant 26 : i32
    %mul3A_123 = arith.muli %mul3A_2, %mul3A_122 : i32
    %add3A_124 = arith.constant 12288 : i32
    %add3A_125 = arith.addi %mul3A_123, %add3A_124 : i32
    %dma_start3A_126 = arith.constant 12288 : i32
    %dma_start3A_127 = tpu.memref_slice %arg6[%dma_start3A_126] : memref<13312xi32, #tpu.memory_space<vmem>> -> memref<1024xi32, #tpu.memory_space<vmem>>
    %dma_start3A_128 = tpu.memref_slice %arg2[%add3A_125] : memref<425984xi32, #tpu.memory_space<hbm>> -> memref<1024xi32, #tpu.memory_space<hbm>>
    %dma_start3A_129 = arith.constant 12288 : i32
    %dma_start3A_130 = tpu.memref_slice %arg6[%dma_start3A_129] : memref<13312xi32, #tpu.memory_space<vmem>> -> memref<1024xi32, #tpu.memory_space<vmem>>
    %dma_start3A_131 = tpu.memref_slice %arg2[%add3A_125] : memref<425984xi32, #tpu.memory_space<hbm>> -> memref<1024xi32, #tpu.memory_space<hbm>>
    tpu.enqueue_dma source(%dma_start3A_131 : memref<1024xi32, #tpu.memory_space<hbm>>) target(%dma_start3A_130 : memref<1024xi32, #tpu.memory_space<vmem>>) target_semaphore(%arg10 : memref<!tpu.dma_semaphore, #tpu.memory_space<semaphore_mem>>)
    "tpu.region"() ({
      %run_scoped3A = tpu.sem_alloc : memref<!tpu.dma_semaphore, #tpu.memory_space<semaphore_mem>>
      tpu.enqueue_dma source(%arg4 : memref<1x1xf32, #tpu.memory_space<hbm>>) target(%arg9 : memref<1x1xf32, #tpu.memory_space<vmem>>) target_semaphore(%run_scoped3A : memref<!tpu.dma_semaphore, #tpu.memory_space<semaphore_mem>>)
      tpu.wait_dma2 semaphore(%run_scoped3A : memref<!tpu.dma_semaphore, #tpu.memory_space<semaphore_mem>>) src(%arg4 : memref<1x1xf32, #tpu.memory_space<hbm>>) dst(%arg9 : memref<1x1xf32, #tpu.memory_space<vmem>>)
      tpu.yield
    }) : () -> ()
    %dma_wait3A = arith.constant 0 : i32
    %dma_wait3A_132 = tpu.memref_slice %arg6[%dma_wait3A] : memref<13312xi32, #tpu.memory_space<vmem>> -> memref<1024xi32, #tpu.memory_space<vmem>>
    %dma_wait3A_133 = tpu.memref_slice %arg2[%add3A_6] : memref<425984xi32, #tpu.memory_space<hbm>> -> memref<1024xi32, #tpu.memory_space<hbm>>
    %dma_wait3A_134 = arith.constant 0 : i32
    %dma_wait3A_135 = tpu.memref_slice %arg6[%dma_wait3A_134] : memref<13312xi32, #tpu.memory_space<vmem>> -> memref<1024xi32, #tpu.memory_space<vmem>>
    %dma_wait3A_136 = tpu.memref_slice %arg2[%add3A_6] : memref<425984xi32, #tpu.memory_space<hbm>> -> memref<1024xi32, #tpu.memory_space<hbm>>
    tpu.wait_dma2 semaphore(%arg10 : memref<!tpu.dma_semaphore, #tpu.memory_space<semaphore_mem>>) src(%dma_wait3A_136 : memref<1024xi32, #tpu.memory_space<hbm>>) dst(%dma_wait3A_135 : memref<1024xi32, #tpu.memory_space<vmem>>)
    %dma_start3A_137 = arith.constant 0 : i32
    %dma_start3A_138 = tpu.memref_slice %arg7[%dma_start3A_137] : memref<13312xf32, #tpu.memory_space<vmem>> -> memref<1024xf32, #tpu.memory_space<vmem>>
    %dma_start3A_139 = arith.constant 0 : i32
    %dma_start3A_140 = tpu.memref_slice %arg6[%dma_start3A_139] : memref<13312xi32, #tpu.memory_space<vmem>> -> memref<1024xi32, #tpu.memory_space<vmem>>
    %dma_start3A_141 = arith.constant 0 : i32
    %dma_start3A_142 = tpu.memref_slice %arg3[%dma_start3A_141] : memref<2600960xf32, #tpu.memory_space<hbm>> -> memref<2600960xf32, #tpu.memory_space<hbm>>
    tpu.enqueue_indirect_dma source(%dma_start3A_142 : memref<2600960xf32, #tpu.memory_space<hbm>>) target(%dma_start3A_138 : memref<1024xf32, #tpu.memory_space<vmem>>) offsets(%dma_start3A_140 : memref<1024xi32, #tpu.memory_space<vmem>>) semaphore(%arg11 : memref<!tpu.dma_semaphore, #tpu.memory_space<semaphore_mem>>)
    %dma_wait3A_143 = arith.constant 1024 : i32
    %dma_wait3A_144 = tpu.memref_slice %arg6[%dma_wait3A_143] : memref<13312xi32, #tpu.memory_space<vmem>> -> memref<1024xi32, #tpu.memory_space<vmem>>
    %dma_wait3A_145 = tpu.memref_slice %arg2[%add3A_15] : memref<425984xi32, #tpu.memory_space<hbm>> -> memref<1024xi32, #tpu.memory_space<hbm>>
    %dma_wait3A_146 = arith.constant 1024 : i32
    %dma_wait3A_147 = tpu.memref_slice %arg6[%dma_wait3A_146] : memref<13312xi32, #tpu.memory_space<vmem>> -> memref<1024xi32, #tpu.memory_space<vmem>>
    %dma_wait3A_148 = tpu.memref_slice %arg2[%add3A_15] : memref<425984xi32, #tpu.memory_space<hbm>> -> memref<1024xi32, #tpu.memory_space<hbm>>
    tpu.wait_dma2 semaphore(%arg10 : memref<!tpu.dma_semaphore, #tpu.memory_space<semaphore_mem>>) src(%dma_wait3A_148 : memref<1024xi32, #tpu.memory_space<hbm>>) dst(%dma_wait3A_147 : memref<1024xi32, #tpu.memory_space<vmem>>)
    %dma_start3A_149 = arith.constant 1024 : i32
    %dma_start3A_150 = tpu.memref_slice %arg7[%dma_start3A_149] : memref<13312xf32, #tpu.memory_space<vmem>> -> memref<1024xf32, #tpu.memory_space<vmem>>
    %dma_start3A_151 = arith.constant 1024 : i32
    %dma_start3A_152 = tpu.memref_slice %arg6[%dma_start3A_151] : memref<13312xi32, #tpu.memory_space<vmem>> -> memref<1024xi32, #tpu.memory_space<vmem>>
    %dma_start3A_153 = arith.constant 0 : i32
    %dma_start3A_154 = tpu.memref_slice %arg3[%dma_start3A_153] : memref<2600960xf32, #tpu.memory_space<hbm>> -> memref<2600960xf32, #tpu.memory_space<hbm>>
    tpu.enqueue_indirect_dma source(%dma_start3A_154 : memref<2600960xf32, #tpu.memory_space<hbm>>) target(%dma_start3A_150 : memref<1024xf32, #tpu.memory_space<vmem>>) offsets(%dma_start3A_152 : memref<1024xi32, #tpu.memory_space<vmem>>) semaphore(%arg12 : memref<!tpu.dma_semaphore, #tpu.memory_space<semaphore_mem>>)
    %dma_wait3A_155 = arith.constant 2048 : i32
    %dma_wait3A_156 = tpu.memref_slice %arg6[%dma_wait3A_155] : memref<13312xi32, #tpu.memory_space<vmem>> -> memref<1024xi32, #tpu.memory_space<vmem>>
    %dma_wait3A_157 = tpu.memref_slice %arg2[%add3A_25] : memref<425984xi32, #tpu.memory_space<hbm>> -> memref<1024xi32, #tpu.memory_space<hbm>>
    %dma_wait3A_158 = arith.constant 2048 : i32
    %dma_wait3A_159 = tpu.memref_slice %arg6[%dma_wait3A_158] : memref<13312xi32, #tpu.memory_space<vmem>> -> memref<1024xi32, #tpu.memory_space<vmem>>
    %dma_wait3A_160 = tpu.memref_slice %arg2[%add3A_25] : memref<425984xi32, #tpu.memory_space<hbm>> -> memref<1024xi32, #tpu.memory_space<hbm>>
    tpu.wait_dma2 semaphore(%arg10 : memref<!tpu.dma_semaphore, #tpu.memory_space<semaphore_mem>>) src(%dma_wait3A_160 : memref<1024xi32, #tpu.memory_space<hbm>>) dst(%dma_wait3A_159 : memref<1024xi32, #tpu.memory_space<vmem>>)
    %dma_start3A_161 = arith.constant 2048 : i32
    %dma_start3A_162 = tpu.memref_slice %arg7[%dma_start3A_161] : memref<13312xf32, #tpu.memory_space<vmem>> -> memref<1024xf32, #tpu.memory_space<vmem>>
    %dma_start3A_163 = arith.constant 2048 : i32
    %dma_start3A_164 = tpu.memref_slice %arg6[%dma_start3A_163] : memref<13312xi32, #tpu.memory_space<vmem>> -> memref<1024xi32, #tpu.memory_space<vmem>>
    %dma_start3A_165 = arith.constant 0 : i32
    %dma_start3A_166 = tpu.memref_slice %arg3[%dma_start3A_165] : memref<2600960xf32, #tpu.memory_space<hbm>> -> memref<2600960xf32, #tpu.memory_space<hbm>>
    tpu.enqueue_indirect_dma source(%dma_start3A_166 : memref<2600960xf32, #tpu.memory_space<hbm>>) target(%dma_start3A_162 : memref<1024xf32, #tpu.memory_space<vmem>>) offsets(%dma_start3A_164 : memref<1024xi32, #tpu.memory_space<vmem>>) semaphore(%arg13 : memref<!tpu.dma_semaphore, #tpu.memory_space<semaphore_mem>>)
    %dma_wait3A_167 = arith.constant 3072 : i32
    %dma_wait3A_168 = tpu.memref_slice %arg6[%dma_wait3A_167] : memref<13312xi32, #tpu.memory_space<vmem>> -> memref<1024xi32, #tpu.memory_space<vmem>>
    %dma_wait3A_169 = tpu.memref_slice %arg2[%add3A_35] : memref<425984xi32, #tpu.memory_space<hbm>> -> memref<1024xi32, #tpu.memory_space<hbm>>
    %dma_wait3A_170 = arith.constant 3072 : i32
    %dma_wait3A_171 = tpu.memref_slice %arg6[%dma_wait3A_170] : memref<13312xi32, #tpu.memory_space<vmem>> -> memref<1024xi32, #tpu.memory_space<vmem>>
    %dma_wait3A_172 = tpu.memref_slice %arg2[%add3A_35] : memref<425984xi32, #tpu.memory_space<hbm>> -> memref<1024xi32, #tpu.memory_space<hbm>>
    tpu.wait_dma2 semaphore(%arg10 : memref<!tpu.dma_semaphore, #tpu.memory_space<semaphore_mem>>) src(%dma_wait3A_172 : memref<1024xi32, #tpu.memory_space<hbm>>) dst(%dma_wait3A_171 : memref<1024xi32, #tpu.memory_space<vmem>>)
    %dma_start3A_173 = arith.constant 3072 : i32
    %dma_start3A_174 = tpu.memref_slice %arg7[%dma_start3A_173] : memref<13312xf32, #tpu.memory_space<vmem>> -> memref<1024xf32, #tpu.memory_space<vmem>>
    %dma_start3A_175 = arith.constant 3072 : i32
    %dma_start3A_176 = tpu.memref_slice %arg6[%dma_start3A_175] : memref<13312xi32, #tpu.memory_space<vmem>> -> memref<1024xi32, #tpu.memory_space<vmem>>
    %dma_start3A_177 = arith.constant 0 : i32
    %dma_start3A_178 = tpu.memref_slice %arg3[%dma_start3A_177] : memref<2600960xf32, #tpu.memory_space<hbm>> -> memref<2600960xf32, #tpu.memory_space<hbm>>
    tpu.enqueue_indirect_dma source(%dma_start3A_178 : memref<2600960xf32, #tpu.memory_space<hbm>>) target(%dma_start3A_174 : memref<1024xf32, #tpu.memory_space<vmem>>) offsets(%dma_start3A_176 : memref<1024xi32, #tpu.memory_space<vmem>>) semaphore(%arg14 : memref<!tpu.dma_semaphore, #tpu.memory_space<semaphore_mem>>)
    %dma_wait3A_179 = arith.constant 4096 : i32
    %dma_wait3A_180 = tpu.memref_slice %arg6[%dma_wait3A_179] : memref<13312xi32, #tpu.memory_space<vmem>> -> memref<1024xi32, #tpu.memory_space<vmem>>
    %dma_wait3A_181 = tpu.memref_slice %arg2[%add3A_45] : memref<425984xi32, #tpu.memory_space<hbm>> -> memref<1024xi32, #tpu.memory_space<hbm>>
    %dma_wait3A_182 = arith.constant 4096 : i32
    %dma_wait3A_183 = tpu.memref_slice %arg6[%dma_wait3A_182] : memref<13312xi32, #tpu.memory_space<vmem>> -> memref<1024xi32, #tpu.memory_space<vmem>>
    %dma_wait3A_184 = tpu.memref_slice %arg2[%add3A_45] : memref<425984xi32, #tpu.memory_space<hbm>> -> memref<1024xi32, #tpu.memory_space<hbm>>
    tpu.wait_dma2 semaphore(%arg10 : memref<!tpu.dma_semaphore, #tpu.memory_space<semaphore_mem>>) src(%dma_wait3A_184 : memref<1024xi32, #tpu.memory_space<hbm>>) dst(%dma_wait3A_183 : memref<1024xi32, #tpu.memory_space<vmem>>)
    %dma_start3A_185 = arith.constant 4096 : i32
    %dma_start3A_186 = tpu.memref_slice %arg7[%dma_start3A_185] : memref<13312xf32, #tpu.memory_space<vmem>> -> memref<1024xf32, #tpu.memory_space<vmem>>
    %dma_start3A_187 = arith.constant 4096 : i32
    %dma_start3A_188 = tpu.memref_slice %arg6[%dma_start3A_187] : memref<13312xi32, #tpu.memory_space<vmem>> -> memref<1024xi32, #tpu.memory_space<vmem>>
    %dma_start3A_189 = arith.constant 0 : i32
    %dma_start3A_190 = tpu.memref_slice %arg3[%dma_start3A_189] : memref<2600960xf32, #tpu.memory_space<hbm>> -> memref<2600960xf32, #tpu.memory_space<hbm>>
    tpu.enqueue_indirect_dma source(%dma_start3A_190 : memref<2600960xf32, #tpu.memory_space<hbm>>) target(%dma_start3A_186 : memref<1024xf32, #tpu.memory_space<vmem>>) offsets(%dma_start3A_188 : memref<1024xi32, #tpu.memory_space<vmem>>) semaphore(%arg15 : memref<!tpu.dma_semaphore, #tpu.memory_space<semaphore_mem>>)
    %dma_wait3A_191 = arith.constant 5120 : i32
    %dma_wait3A_192 = tpu.memref_slice %arg6[%dma_wait3A_191] : memref<13312xi32, #tpu.memory_space<vmem>> -> memref<1024xi32, #tpu.memory_space<vmem>>
    %dma_wait3A_193 = tpu.memref_slice %arg2[%add3A_55] : memref<425984xi32, #tpu.memory_space<hbm>> -> memref<1024xi32, #tpu.memory_space<hbm>>
    %dma_wait3A_194 = arith.constant 5120 : i32
    %dma_wait3A_195 = tpu.memref_slice %arg6[%dma_wait3A_194] : memref<13312xi32, #tpu.memory_space<vmem>> -> memref<1024xi32, #tpu.memory_space<vmem>>
    %dma_wait3A_196 = tpu.memref_slice %arg2[%add3A_55] : memref<425984xi32, #tpu.memory_space<hbm>> -> memref<1024xi32, #tpu.memory_space<hbm>>
    tpu.wait_dma2 semaphore(%arg10 : memref<!tpu.dma_semaphore, #tpu.memory_space<semaphore_mem>>) src(%dma_wait3A_196 : memref<1024xi32, #tpu.memory_space<hbm>>) dst(%dma_wait3A_195 : memref<1024xi32, #tpu.memory_space<vmem>>)
    %dma_start3A_197 = arith.constant 5120 : i32
    %dma_start3A_198 = tpu.memref_slice %arg7[%dma_start3A_197] : memref<13312xf32, #tpu.memory_space<vmem>> -> memref<1024xf32, #tpu.memory_space<vmem>>
    %dma_start3A_199 = arith.constant 5120 : i32
    %dma_start3A_200 = tpu.memref_slice %arg6[%dma_start3A_199] : memref<13312xi32, #tpu.memory_space<vmem>> -> memref<1024xi32, #tpu.memory_space<vmem>>
    %dma_start3A_201 = arith.constant 0 : i32
    %dma_start3A_202 = tpu.memref_slice %arg3[%dma_start3A_201] : memref<2600960xf32, #tpu.memory_space<hbm>> -> memref<2600960xf32, #tpu.memory_space<hbm>>
    tpu.enqueue_indirect_dma source(%dma_start3A_202 : memref<2600960xf32, #tpu.memory_space<hbm>>) target(%dma_start3A_198 : memref<1024xf32, #tpu.memory_space<vmem>>) offsets(%dma_start3A_200 : memref<1024xi32, #tpu.memory_space<vmem>>) semaphore(%arg16 : memref<!tpu.dma_semaphore, #tpu.memory_space<semaphore_mem>>)
    %dma_wait3A_203 = arith.constant 6144 : i32
    %dma_wait3A_204 = tpu.memref_slice %arg6[%dma_wait3A_203] : memref<13312xi32, #tpu.memory_space<vmem>> -> memref<1024xi32, #tpu.memory_space<vmem>>
    %dma_wait3A_205 = tpu.memref_slice %arg2[%add3A_65] : memref<425984xi32, #tpu.memory_space<hbm>> -> memref<1024xi32, #tpu.memory_space<hbm>>
    %dma_wait3A_206 = arith.constant 6144 : i32
    %dma_wait3A_207 = tpu.memref_slice %arg6[%dma_wait3A_206] : memref<13312xi32, #tpu.memory_space<vmem>> -> memref<1024xi32, #tpu.memory_space<vmem>>
    %dma_wait3A_208 = tpu.memref_slice %arg2[%add3A_65] : memref<425984xi32, #tpu.memory_space<hbm>> -> memref<1024xi32, #tpu.memory_space<hbm>>
    tpu.wait_dma2 semaphore(%arg10 : memref<!tpu.dma_semaphore, #tpu.memory_space<semaphore_mem>>) src(%dma_wait3A_208 : memref<1024xi32, #tpu.memory_space<hbm>>) dst(%dma_wait3A_207 : memref<1024xi32, #tpu.memory_space<vmem>>)
    %dma_start3A_209 = arith.constant 6144 : i32
    %dma_start3A_210 = tpu.memref_slice %arg7[%dma_start3A_209] : memref<13312xf32, #tpu.memory_space<vmem>> -> memref<1024xf32, #tpu.memory_space<vmem>>
    %dma_start3A_211 = arith.constant 6144 : i32
    %dma_start3A_212 = tpu.memref_slice %arg6[%dma_start3A_211] : memref<13312xi32, #tpu.memory_space<vmem>> -> memref<1024xi32, #tpu.memory_space<vmem>>
    %dma_start3A_213 = arith.constant 0 : i32
    %dma_start3A_214 = tpu.memref_slice %arg3[%dma_start3A_213] : memref<2600960xf32, #tpu.memory_space<hbm>> -> memref<2600960xf32, #tpu.memory_space<hbm>>
    tpu.enqueue_indirect_dma source(%dma_start3A_214 : memref<2600960xf32, #tpu.memory_space<hbm>>) target(%dma_start3A_210 : memref<1024xf32, #tpu.memory_space<vmem>>) offsets(%dma_start3A_212 : memref<1024xi32, #tpu.memory_space<vmem>>) semaphore(%arg17 : memref<!tpu.dma_semaphore, #tpu.memory_space<semaphore_mem>>)
    %dma_wait3A_215 = arith.constant 7168 : i32
    %dma_wait3A_216 = tpu.memref_slice %arg6[%dma_wait3A_215] : memref<13312xi32, #tpu.memory_space<vmem>> -> memref<1024xi32, #tpu.memory_space<vmem>>
    %dma_wait3A_217 = tpu.memref_slice %arg2[%add3A_75] : memref<425984xi32, #tpu.memory_space<hbm>> -> memref<1024xi32, #tpu.memory_space<hbm>>
    %dma_wait3A_218 = arith.constant 7168 : i32
    %dma_wait3A_219 = tpu.memref_slice %arg6[%dma_wait3A_218] : memref<13312xi32, #tpu.memory_space<vmem>> -> memref<1024xi32, #tpu.memory_space<vmem>>
    %dma_wait3A_220 = tpu.memref_slice %arg2[%add3A_75] : memref<425984xi32, #tpu.memory_space<hbm>> -> memref<1024xi32, #tpu.memory_space<hbm>>
    tpu.wait_dma2 semaphore(%arg10 : memref<!tpu.dma_semaphore, #tpu.memory_space<semaphore_mem>>) src(%dma_wait3A_220 : memref<1024xi32, #tpu.memory_space<hbm>>) dst(%dma_wait3A_219 : memref<1024xi32, #tpu.memory_space<vmem>>)
    %dma_start3A_221 = arith.constant 7168 : i32
    %dma_start3A_222 = tpu.memref_slice %arg7[%dma_start3A_221] : memref<13312xf32, #tpu.memory_space<vmem>> -> memref<1024xf32, #tpu.memory_space<vmem>>
    %dma_start3A_223 = arith.constant 7168 : i32
    %dma_start3A_224 = tpu.memref_slice %arg6[%dma_start3A_223] : memref<13312xi32, #tpu.memory_space<vmem>> -> memref<1024xi32, #tpu.memory_space<vmem>>
    %dma_start3A_225 = arith.constant 0 : i32
    %dma_start3A_226 = tpu.memref_slice %arg3[%dma_start3A_225] : memref<2600960xf32, #tpu.memory_space<hbm>> -> memref<2600960xf32, #tpu.memory_space<hbm>>
    tpu.enqueue_indirect_dma source(%dma_start3A_226 : memref<2600960xf32, #tpu.memory_space<hbm>>) target(%dma_start3A_222 : memref<1024xf32, #tpu.memory_space<vmem>>) offsets(%dma_start3A_224 : memref<1024xi32, #tpu.memory_space<vmem>>) semaphore(%arg18 : memref<!tpu.dma_semaphore, #tpu.memory_space<semaphore_mem>>)
    %dma_wait3A_227 = arith.constant 8192 : i32
    %dma_wait3A_228 = tpu.memref_slice %arg6[%dma_wait3A_227] : memref<13312xi32, #tpu.memory_space<vmem>> -> memref<1024xi32, #tpu.memory_space<vmem>>
    %dma_wait3A_229 = tpu.memref_slice %arg2[%add3A_85] : memref<425984xi32, #tpu.memory_space<hbm>> -> memref<1024xi32, #tpu.memory_space<hbm>>
    %dma_wait3A_230 = arith.constant 8192 : i32
    %dma_wait3A_231 = tpu.memref_slice %arg6[%dma_wait3A_230] : memref<13312xi32, #tpu.memory_space<vmem>> -> memref<1024xi32, #tpu.memory_space<vmem>>
    %dma_wait3A_232 = tpu.memref_slice %arg2[%add3A_85] : memref<425984xi32, #tpu.memory_space<hbm>> -> memref<1024xi32, #tpu.memory_space<hbm>>
    tpu.wait_dma2 semaphore(%arg10 : memref<!tpu.dma_semaphore, #tpu.memory_space<semaphore_mem>>) src(%dma_wait3A_232 : memref<1024xi32, #tpu.memory_space<hbm>>) dst(%dma_wait3A_231 : memref<1024xi32, #tpu.memory_space<vmem>>)
    %dma_start3A_233 = arith.constant 8192 : i32
    %dma_start3A_234 = tpu.memref_slice %arg7[%dma_start3A_233] : memref<13312xf32, #tpu.memory_space<vmem>> -> memref<1024xf32, #tpu.memory_space<vmem>>
    %dma_start3A_235 = arith.constant 8192 : i32
    %dma_start3A_236 = tpu.memref_slice %arg6[%dma_start3A_235] : memref<13312xi32, #tpu.memory_space<vmem>> -> memref<1024xi32, #tpu.memory_space<vmem>>
    %dma_start3A_237 = arith.constant 0 : i32
    %dma_start3A_238 = tpu.memref_slice %arg3[%dma_start3A_237] : memref<2600960xf32, #tpu.memory_space<hbm>> -> memref<2600960xf32, #tpu.memory_space<hbm>>
    tpu.enqueue_indirect_dma source(%dma_start3A_238 : memref<2600960xf32, #tpu.memory_space<hbm>>) target(%dma_start3A_234 : memref<1024xf32, #tpu.memory_space<vmem>>) offsets(%dma_start3A_236 : memref<1024xi32, #tpu.memory_space<vmem>>) semaphore(%arg19 : memref<!tpu.dma_semaphore, #tpu.memory_space<semaphore_mem>>)
    %dma_wait3A_239 = arith.constant 9216 : i32
    %dma_wait3A_240 = tpu.memref_slice %arg6[%dma_wait3A_239] : memref<13312xi32, #tpu.memory_space<vmem>> -> memref<1024xi32, #tpu.memory_space<vmem>>
    %dma_wait3A_241 = tpu.memref_slice %arg2[%add3A_95] : memref<425984xi32, #tpu.memory_space<hbm>> -> memref<1024xi32, #tpu.memory_space<hbm>>
    %dma_wait3A_242 = arith.constant 9216 : i32
    %dma_wait3A_243 = tpu.memref_slice %arg6[%dma_wait3A_242] : memref<13312xi32, #tpu.memory_space<vmem>> -> memref<1024xi32, #tpu.memory_space<vmem>>
    %dma_wait3A_244 = tpu.memref_slice %arg2[%add3A_95] : memref<425984xi32, #tpu.memory_space<hbm>> -> memref<1024xi32, #tpu.memory_space<hbm>>
    tpu.wait_dma2 semaphore(%arg10 : memref<!tpu.dma_semaphore, #tpu.memory_space<semaphore_mem>>) src(%dma_wait3A_244 : memref<1024xi32, #tpu.memory_space<hbm>>) dst(%dma_wait3A_243 : memref<1024xi32, #tpu.memory_space<vmem>>)
    %dma_start3A_245 = arith.constant 9216 : i32
    %dma_start3A_246 = tpu.memref_slice %arg7[%dma_start3A_245] : memref<13312xf32, #tpu.memory_space<vmem>> -> memref<1024xf32, #tpu.memory_space<vmem>>
    %dma_start3A_247 = arith.constant 9216 : i32
    %dma_start3A_248 = tpu.memref_slice %arg6[%dma_start3A_247] : memref<13312xi32, #tpu.memory_space<vmem>> -> memref<1024xi32, #tpu.memory_space<vmem>>
    %dma_start3A_249 = arith.constant 0 : i32
    %dma_start3A_250 = tpu.memref_slice %arg3[%dma_start3A_249] : memref<2600960xf32, #tpu.memory_space<hbm>> -> memref<2600960xf32, #tpu.memory_space<hbm>>
    tpu.enqueue_indirect_dma source(%dma_start3A_250 : memref<2600960xf32, #tpu.memory_space<hbm>>) target(%dma_start3A_246 : memref<1024xf32, #tpu.memory_space<vmem>>) offsets(%dma_start3A_248 : memref<1024xi32, #tpu.memory_space<vmem>>) semaphore(%arg20 : memref<!tpu.dma_semaphore, #tpu.memory_space<semaphore_mem>>)
    %dma_wait3A_251 = arith.constant 10240 : i32
    %dma_wait3A_252 = tpu.memref_slice %arg6[%dma_wait3A_251] : memref<13312xi32, #tpu.memory_space<vmem>> -> memref<1024xi32, #tpu.memory_space<vmem>>
    %dma_wait3A_253 = tpu.memref_slice %arg2[%add3A_105] : memref<425984xi32, #tpu.memory_space<hbm>> -> memref<1024xi32, #tpu.memory_space<hbm>>
    %dma_wait3A_254 = arith.constant 10240 : i32
    %dma_wait3A_255 = tpu.memref_slice %arg6[%dma_wait3A_254] : memref<13312xi32, #tpu.memory_space<vmem>> -> memref<1024xi32, #tpu.memory_space<vmem>>
    %dma_wait3A_256 = tpu.memref_slice %arg2[%add3A_105] : memref<425984xi32, #tpu.memory_space<hbm>> -> memref<1024xi32, #tpu.memory_space<hbm>>
    tpu.wait_dma2 semaphore(%arg10 : memref<!tpu.dma_semaphore, #tpu.memory_space<semaphore_mem>>) src(%dma_wait3A_256 : memref<1024xi32, #tpu.memory_space<hbm>>) dst(%dma_wait3A_255 : memref<1024xi32, #tpu.memory_space<vmem>>)
    %dma_start3A_257 = arith.constant 10240 : i32
    %dma_start3A_258 = tpu.memref_slice %arg7[%dma_start3A_257] : memref<13312xf32, #tpu.memory_space<vmem>> -> memref<1024xf32, #tpu.memory_space<vmem>>
    %dma_start3A_259 = arith.constant 10240 : i32
    %dma_start3A_260 = tpu.memref_slice %arg6[%dma_start3A_259] : memref<13312xi32, #tpu.memory_space<vmem>> -> memref<1024xi32, #tpu.memory_space<vmem>>
    %dma_start3A_261 = arith.constant 0 : i32
    %dma_start3A_262 = tpu.memref_slice %arg3[%dma_start3A_261] : memref<2600960xf32, #tpu.memory_space<hbm>> -> memref<2600960xf32, #tpu.memory_space<hbm>>
    tpu.enqueue_indirect_dma source(%dma_start3A_262 : memref<2600960xf32, #tpu.memory_space<hbm>>) target(%dma_start3A_258 : memref<1024xf32, #tpu.memory_space<vmem>>) offsets(%dma_start3A_260 : memref<1024xi32, #tpu.memory_space<vmem>>) semaphore(%arg21 : memref<!tpu.dma_semaphore, #tpu.memory_space<semaphore_mem>>)
    %dma_wait3A_263 = arith.constant 11264 : i32
    %dma_wait3A_264 = tpu.memref_slice %arg6[%dma_wait3A_263] : memref<13312xi32, #tpu.memory_space<vmem>> -> memref<1024xi32, #tpu.memory_space<vmem>>
    %dma_wait3A_265 = tpu.memref_slice %arg2[%add3A_115] : memref<425984xi32, #tpu.memory_space<hbm>> -> memref<1024xi32, #tpu.memory_space<hbm>>
    %dma_wait3A_266 = arith.constant 11264 : i32
    %dma_wait3A_267 = tpu.memref_slice %arg6[%dma_wait3A_266] : memref<13312xi32, #tpu.memory_space<vmem>> -> memref<1024xi32, #tpu.memory_space<vmem>>
    %dma_wait3A_268 = tpu.memref_slice %arg2[%add3A_115] : memref<425984xi32, #tpu.memory_space<hbm>> -> memref<1024xi32, #tpu.memory_space<hbm>>
    tpu.wait_dma2 semaphore(%arg10 : memref<!tpu.dma_semaphore, #tpu.memory_space<semaphore_mem>>) src(%dma_wait3A_268 : memref<1024xi32, #tpu.memory_space<hbm>>) dst(%dma_wait3A_267 : memref<1024xi32, #tpu.memory_space<vmem>>)
    %dma_start3A_269 = arith.constant 11264 : i32
    %dma_start3A_270 = tpu.memref_slice %arg7[%dma_start3A_269] : memref<13312xf32, #tpu.memory_space<vmem>> -> memref<1024xf32, #tpu.memory_space<vmem>>
    %dma_start3A_271 = arith.constant 11264 : i32
    %dma_start3A_272 = tpu.memref_slice %arg6[%dma_start3A_271] : memref<13312xi32, #tpu.memory_space<vmem>> -> memref<1024xi32, #tpu.memory_space<vmem>>
    %dma_start3A_273 = arith.constant 0 : i32
    %dma_start3A_274 = tpu.memref_slice %arg3[%dma_start3A_273] : memref<2600960xf32, #tpu.memory_space<hbm>> -> memref<2600960xf32, #tpu.memory_space<hbm>>
    tpu.enqueue_indirect_dma source(%dma_start3A_274 : memref<2600960xf32, #tpu.memory_space<hbm>>) target(%dma_start3A_270 : memref<1024xf32, #tpu.memory_space<vmem>>) offsets(%dma_start3A_272 : memref<1024xi32, #tpu.memory_space<vmem>>) semaphore(%arg22 : memref<!tpu.dma_semaphore, #tpu.memory_space<semaphore_mem>>)
    %dma_wait3A_275 = arith.constant 12288 : i32
    %dma_wait3A_276 = tpu.memref_slice %arg6[%dma_wait3A_275] : memref<13312xi32, #tpu.memory_space<vmem>> -> memref<1024xi32, #tpu.memory_space<vmem>>
    %dma_wait3A_277 = tpu.memref_slice %arg2[%add3A_125] : memref<425984xi32, #tpu.memory_space<hbm>> -> memref<1024xi32, #tpu.memory_space<hbm>>
    %dma_wait3A_278 = arith.constant 12288 : i32
    %dma_wait3A_279 = tpu.memref_slice %arg6[%dma_wait3A_278] : memref<13312xi32, #tpu.memory_space<vmem>> -> memref<1024xi32, #tpu.memory_space<vmem>>
    %dma_wait3A_280 = tpu.memref_slice %arg2[%add3A_125] : memref<425984xi32, #tpu.memory_space<hbm>> -> memref<1024xi32, #tpu.memory_space<hbm>>
    tpu.wait_dma2 semaphore(%arg10 : memref<!tpu.dma_semaphore, #tpu.memory_space<semaphore_mem>>) src(%dma_wait3A_280 : memref<1024xi32, #tpu.memory_space<hbm>>) dst(%dma_wait3A_279 : memref<1024xi32, #tpu.memory_space<vmem>>)
    %dma_start3A_281 = arith.constant 12288 : i32
    %dma_start3A_282 = tpu.memref_slice %arg7[%dma_start3A_281] : memref<13312xf32, #tpu.memory_space<vmem>> -> memref<1024xf32, #tpu.memory_space<vmem>>
    %dma_start3A_283 = arith.constant 12288 : i32
    %dma_start3A_284 = tpu.memref_slice %arg6[%dma_start3A_283] : memref<13312xi32, #tpu.memory_space<vmem>> -> memref<1024xi32, #tpu.memory_space<vmem>>
    %dma_start3A_285 = arith.constant 0 : i32
    %dma_start3A_286 = tpu.memref_slice %arg3[%dma_start3A_285] : memref<2600960xf32, #tpu.memory_space<hbm>> -> memref<2600960xf32, #tpu.memory_space<hbm>>
    tpu.enqueue_indirect_dma source(%dma_start3A_286 : memref<2600960xf32, #tpu.memory_space<hbm>>) target(%dma_start3A_282 : memref<1024xf32, #tpu.memory_space<vmem>>) offsets(%dma_start3A_284 : memref<1024xi32, #tpu.memory_space<vmem>>) semaphore(%arg23 : memref<!tpu.dma_semaphore, #tpu.memory_space<semaphore_mem>>)
    %iota3A = tpu.iota {dimensions = array<i32: 0>} : vector<16xi32>
    %mul3A_287 = arith.constant 0 : i32
    %mul3A_288 = vector.broadcast %mul3A_287 : i32 to vector<16xi32>
    %mul3A_289 = arith.muli %iota3A, %mul3A_288 : vector<16xi32>
    %gather3A = tpu.vector_load_idx %arg9[%mul3A_289, %mul3A_289] : memref<1x1xf32, #tpu.memory_space<vmem>>[vector<16xi32>, vector<16xi32>], vector<16xf32>,
    %dma_wait3A_290 = arith.constant 0 : i32
    %dma_wait3A_291 = tpu.memref_slice %arg7[%dma_wait3A_290] : memref<13312xf32, #tpu.memory_space<vmem>> -> memref<1024xf32, #tpu.memory_space<vmem>>
    %dma_wait3A_292 = arith.constant 0 : i32
    %dma_wait3A_293 = tpu.memref_slice %arg6[%dma_wait3A_292] : memref<13312xi32, #tpu.memory_space<vmem>> -> memref<1024xi32, #tpu.memory_space<vmem>>
    %dma_wait3A_294 = arith.constant 0 : i32
    %dma_wait3A_295 = tpu.memref_slice %arg3[%dma_wait3A_294] : memref<2600960xf32, #tpu.memory_space<hbm>> -> memref<2600960xf32, #tpu.memory_space<hbm>>
    tpu.wait_indirect_dma semaphore(%arg11 : memref<!tpu.dma_semaphore, #tpu.memory_space<semaphore_mem>>) src(%dma_wait3A_295 : memref<2600960xf32, #tpu.memory_space<hbm>>) dst(%dma_wait3A_291 : memref<1024xf32, #tpu.memory_space<vmem>>)
    %scan3A = arith.constant 0 : i32
    %scan3A_296 = arith.constant 0 : i32
    %scan3A_297 = arith.constant 32 : i32
    %scan3A_298 = arith.addi %scan3A_296, %scan3A_297 : i32
    %scan3A_299 = arith.constant 1 : i32
    scf.for %scan3A_445 = %scan3A_296 to %scan3A_298 step %scan3A_299  : i32 {
      %mul3A_446 = arith.constant 16 : i32
      %mul3A_447 = arith.muli %scan3A_445, %mul3A_446 : i32
      %get3A = arith.index_cast %mul3A_447 : i32 to index
      %get3A_448 = tpu.vector_load %arg7[%get3A] {strides = array<i32>} : memref<13312xf32, #tpu.memory_space<vmem>>, vector<16xf32>,
      %add3A_449 = arith.addf %gather3A, %get3A_448 : vector<16xf32>
      %mul3A_450 = arith.constant 16 : i32
      %mul3A_451 = arith.muli %scan3A_445, %mul3A_450 : i32
      %add3A_452 = arith.constant 512 : i32
      %add3A_453 = arith.addi %add3A_452, %mul3A_451 : i32
      %get3A_454 = arith.index_cast %add3A_453 : i32 to index
      %get3A_455 = tpu.vector_load %arg7[%get3A_454] {strides = array<i32>} : memref<13312xf32, #tpu.memory_space<vmem>>, vector<16xf32>,
      %add3A_456 = arith.addf %add3A_449, %get3A_455 : vector<16xf32>
      %mul3A_457 = arith.constant 16 : i32
      %mul3A_458 = arith.muli %scan3A_445, %mul3A_457 : i32
      %swap3A = arith.index_cast %mul3A_458 : i32 to index
      %swap3A_459 = tpu.vector_load %arg8[%swap3A] {strides = array<i32>} : memref<512xf32, #tpu.memory_space<vmem>>, vector<16xf32>,
      tpu.vector_store %arg8[%swap3A], %add3A_456 {strides = array<i32>} : memref<512xf32, #tpu.memory_space<vmem>>, vector<16xf32>,
    }
    %scan3A_300 = arith.constant 32 : i32
    %dma_wait3A_301 = arith.constant 1024 : i32
    %dma_wait3A_302 = tpu.memref_slice %arg7[%dma_wait3A_301] : memref<13312xf32, #tpu.memory_space<vmem>> -> memref<1024xf32, #tpu.memory_space<vmem>>
    %dma_wait3A_303 = arith.constant 1024 : i32
    %dma_wait3A_304 = tpu.memref_slice %arg6[%dma_wait3A_303] : memref<13312xi32, #tpu.memory_space<vmem>> -> memref<1024xi32, #tpu.memory_space<vmem>>
    %dma_wait3A_305 = arith.constant 0 : i32
    %dma_wait3A_306 = tpu.memref_slice %arg3[%dma_wait3A_305] : memref<2600960xf32, #tpu.memory_space<hbm>> -> memref<2600960xf32, #tpu.memory_space<hbm>>
    tpu.wait_indirect_dma semaphore(%arg12 : memref<!tpu.dma_semaphore, #tpu.memory_space<semaphore_mem>>) src(%dma_wait3A_306 : memref<2600960xf32, #tpu.memory_space<hbm>>) dst(%dma_wait3A_302 : memref<1024xf32, #tpu.memory_space<vmem>>)
    %scan3A_307 = arith.constant 0 : i32
    %scan3A_308 = arith.constant 0 : i32
    %scan3A_309 = arith.constant 32 : i32
    %scan3A_310 = arith.addi %scan3A_308, %scan3A_309 : i32
    %scan3A_311 = arith.constant 1 : i32
    scf.for %scan3A_445 = %scan3A_308 to %scan3A_310 step %scan3A_311  : i32 {
      %mul3A_446 = arith.constant 16 : i32
      %mul3A_447 = arith.muli %scan3A_445, %mul3A_446 : i32
      %get3A = arith.index_cast %mul3A_447 : i32 to index
      %get3A_448 = tpu.vector_load %arg8[%get3A] {strides = array<i32>} : memref<512xf32, #tpu.memory_space<vmem>>, vector<16xf32>,
      %mul3A_449 = arith.constant 16 : i32
      %mul3A_450 = arith.muli %scan3A_445, %mul3A_449 : i32
      %add3A_451 = arith.constant 1024 : i32
      %add3A_452 = arith.addi %add3A_451, %mul3A_450 : i32
      %get3A_453 = arith.index_cast %add3A_452 : i32 to index
      %get3A_454 = tpu.vector_load %arg7[%get3A_453] {strides = array<i32>} : memref<13312xf32, #tpu.memory_space<vmem>>, vector<16xf32>,
      %add3A_455 = arith.addf %get3A_448, %get3A_454 : vector<16xf32>
      %mul3A_456 = arith.constant 16 : i32
      %mul3A_457 = arith.muli %scan3A_445, %mul3A_456 : i32
      %add3A_458 = arith.constant 1536 : i32
      %add3A_459 = arith.addi %add3A_458, %mul3A_457 : i32
      %get3A_460 = arith.index_cast %add3A_459 : i32 to index
      %get3A_461 = tpu.vector_load %arg7[%get3A_460] {strides = array<i32>} : memref<13312xf32, #tpu.memory_space<vmem>>, vector<16xf32>,
      %add3A_462 = arith.addf %add3A_455, %get3A_461 : vector<16xf32>
      %mul3A_463 = arith.constant 16 : i32
      %mul3A_464 = arith.muli %scan3A_445, %mul3A_463 : i32
      %swap3A = arith.index_cast %mul3A_464 : i32 to index
      %swap3A_465 = tpu.vector_load %arg8[%swap3A] {strides = array<i32>} : memref<512xf32, #tpu.memory_space<vmem>>, vector<16xf32>,
      tpu.vector_store %arg8[%swap3A], %add3A_462 {strides = array<i32>} : memref<512xf32, #tpu.memory_space<vmem>>, vector<16xf32>,
    }
    %scan3A_312 = arith.constant 32 : i32
    %dma_wait3A_313 = arith.constant 2048 : i32
    %dma_wait3A_314 = tpu.memref_slice %arg7[%dma_wait3A_313] : memref<13312xf32, #tpu.memory_space<vmem>> -> memref<1024xf32, #tpu.memory_space<vmem>>
    %dma_wait3A_315 = arith.constant 2048 : i32
    %dma_wait3A_316 = tpu.memref_slice %arg6[%dma_wait3A_315] : memref<13312xi32, #tpu.memory_space<vmem>> -> memref<1024xi32, #tpu.memory_space<vmem>>
    %dma_wait3A_317 = arith.constant 0 : i32
    %dma_wait3A_318 = tpu.memref_slice %arg3[%dma_wait3A_317] : memref<2600960xf32, #tpu.memory_space<hbm>> -> memref<2600960xf32, #tpu.memory_space<hbm>>
    tpu.wait_indirect_dma semaphore(%arg13 : memref<!tpu.dma_semaphore, #tpu.memory_space<semaphore_mem>>) src(%dma_wait3A_318 : memref<2600960xf32, #tpu.memory_space<hbm>>) dst(%dma_wait3A_314 : memref<1024xf32, #tpu.memory_space<vmem>>)
    %scan3A_319 = arith.constant 0 : i32
    %scan3A_320 = arith.constant 0 : i32
    %scan3A_321 = arith.constant 32 : i32
    %scan3A_322 = arith.addi %scan3A_320, %scan3A_321 : i32
    %scan3A_323 = arith.constant 1 : i32
    scf.for %scan3A_445 = %scan3A_320 to %scan3A_322 step %scan3A_323  : i32 {
      %mul3A_446 = arith.constant 16 : i32
      %mul3A_447 = arith.muli %scan3A_445, %mul3A_446 : i32
      %get3A = arith.index_cast %mul3A_447 : i32 to index
      %get3A_448 = tpu.vector_load %arg8[%get3A] {strides = array<i32>} : memref<512xf32, #tpu.memory_space<vmem>>, vector<16xf32>,
      %mul3A_449 = arith.constant 16 : i32
      %mul3A_450 = arith.muli %scan3A_445, %mul3A_449 : i32
      %add3A_451 = arith.constant 2048 : i32
      %add3A_452 = arith.addi %add3A_451, %mul3A_450 : i32
      %get3A_453 = arith.index_cast %add3A_452 : i32 to index
      %get3A_454 = tpu.vector_load %arg7[%get3A_453] {strides = array<i32>} : memref<13312xf32, #tpu.memory_space<vmem>>, vector<16xf32>,
      %add3A_455 = arith.addf %get3A_448, %get3A_454 : vector<16xf32>
      %mul3A_456 = arith.constant 16 : i32
      %mul3A_457 = arith.muli %scan3A_445, %mul3A_456 : i32
      %add3A_458 = arith.constant 2560 : i32
      %add3A_459 = arith.addi %add3A_458, %mul3A_457 : i32
      %get3A_460 = arith.index_cast %add3A_459 : i32 to index
      %get3A_461 = tpu.vector_load %arg7[%get3A_460] {strides = array<i32>} : memref<13312xf32, #tpu.memory_space<vmem>>, vector<16xf32>,
      %add3A_462 = arith.addf %add3A_455, %get3A_461 : vector<16xf32>
      %mul3A_463 = arith.constant 16 : i32
      %mul3A_464 = arith.muli %scan3A_445, %mul3A_463 : i32
      %swap3A = arith.index_cast %mul3A_464 : i32 to index
      %swap3A_465 = tpu.vector_load %arg8[%swap3A] {strides = array<i32>} : memref<512xf32, #tpu.memory_space<vmem>>, vector<16xf32>,
      tpu.vector_store %arg8[%swap3A], %add3A_462 {strides = array<i32>} : memref<512xf32, #tpu.memory_space<vmem>>, vector<16xf32>,
    }
    %scan3A_324 = arith.constant 32 : i32
    %dma_wait3A_325 = arith.constant 3072 : i32
    %dma_wait3A_326 = tpu.memref_slice %arg7[%dma_wait3A_325] : memref<13312xf32, #tpu.memory_space<vmem>> -> memref<1024xf32, #tpu.memory_space<vmem>>
    %dma_wait3A_327 = arith.constant 3072 : i32
    %dma_wait3A_328 = tpu.memref_slice %arg6[%dma_wait3A_327] : memref<13312xi32, #tpu.memory_space<vmem>> -> memref<1024xi32, #tpu.memory_space<vmem>>
    %dma_wait3A_329 = arith.constant 0 : i32
    %dma_wait3A_330 = tpu.memref_slice %arg3[%dma_wait3A_329] : memref<2600960xf32, #tpu.memory_space<hbm>> -> memref<2600960xf32, #tpu.memory_space<hbm>>
    tpu.wait_indirect_dma semaphore(%arg14 : memref<!tpu.dma_semaphore, #tpu.memory_space<semaphore_mem>>) src(%dma_wait3A_330 : memref<2600960xf32, #tpu.memory_space<hbm>>) dst(%dma_wait3A_326 : memref<1024xf32, #tpu.memory_space<vmem>>)
    %scan3A_331 = arith.constant 0 : i32
    %scan3A_332 = arith.constant 0 : i32
    %scan3A_333 = arith.constant 32 : i32
    %scan3A_334 = arith.addi %scan3A_332, %scan3A_333 : i32
    %scan3A_335 = arith.constant 1 : i32
    scf.for %scan3A_445 = %scan3A_332 to %scan3A_334 step %scan3A_335  : i32 {
      %mul3A_446 = arith.constant 16 : i32
      %mul3A_447 = arith.muli %scan3A_445, %mul3A_446 : i32
      %get3A = arith.index_cast %mul3A_447 : i32 to index
      %get3A_448 = tpu.vector_load %arg8[%get3A] {strides = array<i32>} : memref<512xf32, #tpu.memory_space<vmem>>, vector<16xf32>,
      %mul3A_449 = arith.constant 16 : i32
      %mul3A_450 = arith.muli %scan3A_445, %mul3A_449 : i32
      %add3A_451 = arith.constant 3072 : i32
      %add3A_452 = arith.addi %add3A_451, %mul3A_450 : i32
      %get3A_453 = arith.index_cast %add3A_452 : i32 to index
      %get3A_454 = tpu.vector_load %arg7[%get3A_453] {strides = array<i32>} : memref<13312xf32, #tpu.memory_space<vmem>>, vector<16xf32>,
      %add3A_455 = arith.addf %get3A_448, %get3A_454 : vector<16xf32>
      %mul3A_456 = arith.constant 16 : i32
      %mul3A_457 = arith.muli %scan3A_445, %mul3A_456 : i32
      %add3A_458 = arith.constant 3584 : i32
      %add3A_459 = arith.addi %add3A_458, %mul3A_457 : i32
      %get3A_460 = arith.index_cast %add3A_459 : i32 to index
      %get3A_461 = tpu.vector_load %arg7[%get3A_460] {strides = array<i32>} : memref<13312xf32, #tpu.memory_space<vmem>>, vector<16xf32>,
      %add3A_462 = arith.addf %add3A_455, %get3A_461 : vector<16xf32>
      %mul3A_463 = arith.constant 16 : i32
      %mul3A_464 = arith.muli %scan3A_445, %mul3A_463 : i32
      %swap3A = arith.index_cast %mul3A_464 : i32 to index
      %swap3A_465 = tpu.vector_load %arg8[%swap3A] {strides = array<i32>} : memref<512xf32, #tpu.memory_space<vmem>>, vector<16xf32>,
      tpu.vector_store %arg8[%swap3A], %add3A_462 {strides = array<i32>} : memref<512xf32, #tpu.memory_space<vmem>>, vector<16xf32>,
    }
    %scan3A_336 = arith.constant 32 : i32
    %dma_wait3A_337 = arith.constant 4096 : i32
    %dma_wait3A_338 = tpu.memref_slice %arg7[%dma_wait3A_337] : memref<13312xf32, #tpu.memory_space<vmem>> -> memref<1024xf32, #tpu.memory_space<vmem>>
    %dma_wait3A_339 = arith.constant 4096 : i32
    %dma_wait3A_340 = tpu.memref_slice %arg6[%dma_wait3A_339] : memref<13312xi32, #tpu.memory_space<vmem>> -> memref<1024xi32, #tpu.memory_space<vmem>>
    %dma_wait3A_341 = arith.constant 0 : i32
    %dma_wait3A_342 = tpu.memref_slice %arg3[%dma_wait3A_341] : memref<2600960xf32, #tpu.memory_space<hbm>> -> memref<2600960xf32, #tpu.memory_space<hbm>>
    tpu.wait_indirect_dma semaphore(%arg15 : memref<!tpu.dma_semaphore, #tpu.memory_space<semaphore_mem>>) src(%dma_wait3A_342 : memref<2600960xf32, #tpu.memory_space<hbm>>) dst(%dma_wait3A_338 : memref<1024xf32, #tpu.memory_space<vmem>>)
    %scan3A_343 = arith.constant 0 : i32
    %scan3A_344 = arith.constant 0 : i32
    %scan3A_345 = arith.constant 32 : i32
    %scan3A_346 = arith.addi %scan3A_344, %scan3A_345 : i32
    %scan3A_347 = arith.constant 1 : i32
    scf.for %scan3A_445 = %scan3A_344 to %scan3A_346 step %scan3A_347  : i32 {
      %mul3A_446 = arith.constant 16 : i32
      %mul3A_447 = arith.muli %scan3A_445, %mul3A_446 : i32
      %get3A = arith.index_cast %mul3A_447 : i32 to index
      %get3A_448 = tpu.vector_load %arg8[%get3A] {strides = array<i32>} : memref<512xf32, #tpu.memory_space<vmem>>, vector<16xf32>,
      %mul3A_449 = arith.constant 16 : i32
      %mul3A_450 = arith.muli %scan3A_445, %mul3A_449 : i32
      %add3A_451 = arith.constant 4096 : i32
      %add3A_452 = arith.addi %add3A_451, %mul3A_450 : i32
      %get3A_453 = arith.index_cast %add3A_452 : i32 to index
      %get3A_454 = tpu.vector_load %arg7[%get3A_453] {strides = array<i32>} : memref<13312xf32, #tpu.memory_space<vmem>>, vector<16xf32>,
      %add3A_455 = arith.addf %get3A_448, %get3A_454 : vector<16xf32>
      %mul3A_456 = arith.constant 16 : i32
      %mul3A_457 = arith.muli %scan3A_445, %mul3A_456 : i32
      %add3A_458 = arith.constant 4608 : i32
      %add3A_459 = arith.addi %add3A_458, %mul3A_457 : i32
      %get3A_460 = arith.index_cast %add3A_459 : i32 to index
      %get3A_461 = tpu.vector_load %arg7[%get3A_460] {strides = array<i32>} : memref<13312xf32, #tpu.memory_space<vmem>>, vector<16xf32>,
      %add3A_462 = arith.addf %add3A_455, %get3A_461 : vector<16xf32>
      %mul3A_463 = arith.constant 16 : i32
      %mul3A_464 = arith.muli %scan3A_445, %mul3A_463 : i32
      %swap3A = arith.index_cast %mul3A_464 : i32 to index
      %swap3A_465 = tpu.vector_load %arg8[%swap3A] {strides = array<i32>} : memref<512xf32, #tpu.memory_space<vmem>>, vector<16xf32>,
      tpu.vector_store %arg8[%swap3A], %add3A_462 {strides = array<i32>} : memref<512xf32, #tpu.memory_space<vmem>>, vector<16xf32>,
    }
    %scan3A_348 = arith.constant 32 : i32
    %dma_wait3A_349 = arith.constant 5120 : i32
    %dma_wait3A_350 = tpu.memref_slice %arg7[%dma_wait3A_349] : memref<13312xf32, #tpu.memory_space<vmem>> -> memref<1024xf32, #tpu.memory_space<vmem>>
    %dma_wait3A_351 = arith.constant 5120 : i32
    %dma_wait3A_352 = tpu.memref_slice %arg6[%dma_wait3A_351] : memref<13312xi32, #tpu.memory_space<vmem>> -> memref<1024xi32, #tpu.memory_space<vmem>>
    %dma_wait3A_353 = arith.constant 0 : i32
    %dma_wait3A_354 = tpu.memref_slice %arg3[%dma_wait3A_353] : memref<2600960xf32, #tpu.memory_space<hbm>> -> memref<2600960xf32, #tpu.memory_space<hbm>>
    tpu.wait_indirect_dma semaphore(%arg16 : memref<!tpu.dma_semaphore, #tpu.memory_space<semaphore_mem>>) src(%dma_wait3A_354 : memref<2600960xf32, #tpu.memory_space<hbm>>) dst(%dma_wait3A_350 : memref<1024xf32, #tpu.memory_space<vmem>>)
    %scan3A_355 = arith.constant 0 : i32
    %scan3A_356 = arith.constant 0 : i32
    %scan3A_357 = arith.constant 32 : i32
    %scan3A_358 = arith.addi %scan3A_356, %scan3A_357 : i32
    %scan3A_359 = arith.constant 1 : i32
    scf.for %scan3A_445 = %scan3A_356 to %scan3A_358 step %scan3A_359  : i32 {
      %mul3A_446 = arith.constant 16 : i32
      %mul3A_447 = arith.muli %scan3A_445, %mul3A_446 : i32
      %get3A = arith.index_cast %mul3A_447 : i32 to index
      %get3A_448 = tpu.vector_load %arg8[%get3A] {strides = array<i32>} : memref<512xf32, #tpu.memory_space<vmem>>, vector<16xf32>,
      %mul3A_449 = arith.constant 16 : i32
      %mul3A_450 = arith.muli %scan3A_445, %mul3A_449 : i32
      %add3A_451 = arith.constant 5120 : i32
      %add3A_452 = arith.addi %add3A_451, %mul3A_450 : i32
      %get3A_453 = arith.index_cast %add3A_452 : i32 to index
      %get3A_454 = tpu.vector_load %arg7[%get3A_453] {strides = array<i32>} : memref<13312xf32, #tpu.memory_space<vmem>>, vector<16xf32>,
      %add3A_455 = arith.addf %get3A_448, %get3A_454 : vector<16xf32>
      %mul3A_456 = arith.constant 16 : i32
      %mul3A_457 = arith.muli %scan3A_445, %mul3A_456 : i32
      %add3A_458 = arith.constant 5632 : i32
      %add3A_459 = arith.addi %add3A_458, %mul3A_457 : i32
      %get3A_460 = arith.index_cast %add3A_459 : i32 to index
      %get3A_461 = tpu.vector_load %arg7[%get3A_460] {strides = array<i32>} : memref<13312xf32, #tpu.memory_space<vmem>>, vector<16xf32>,
      %add3A_462 = arith.addf %add3A_455, %get3A_461 : vector<16xf32>
      %mul3A_463 = arith.constant 16 : i32
      %mul3A_464 = arith.muli %scan3A_445, %mul3A_463 : i32
      %swap3A = arith.index_cast %mul3A_464 : i32 to index
      %swap3A_465 = tpu.vector_load %arg8[%swap3A] {strides = array<i32>} : memref<512xf32, #tpu.memory_space<vmem>>, vector<16xf32>,
      tpu.vector_store %arg8[%swap3A], %add3A_462 {strides = array<i32>} : memref<512xf32, #tpu.memory_space<vmem>>, vector<16xf32>,
    }
    %scan3A_360 = arith.constant 32 : i32
    %dma_wait3A_361 = arith.constant 6144 : i32
    %dma_wait3A_362 = tpu.memref_slice %arg7[%dma_wait3A_361] : memref<13312xf32, #tpu.memory_space<vmem>> -> memref<1024xf32, #tpu.memory_space<vmem>>
    %dma_wait3A_363 = arith.constant 6144 : i32
    %dma_wait3A_364 = tpu.memref_slice %arg6[%dma_wait3A_363] : memref<13312xi32, #tpu.memory_space<vmem>> -> memref<1024xi32, #tpu.memory_space<vmem>>
    %dma_wait3A_365 = arith.constant 0 : i32
    %dma_wait3A_366 = tpu.memref_slice %arg3[%dma_wait3A_365] : memref<2600960xf32, #tpu.memory_space<hbm>> -> memref<2600960xf32, #tpu.memory_space<hbm>>
    tpu.wait_indirect_dma semaphore(%arg17 : memref<!tpu.dma_semaphore, #tpu.memory_space<semaphore_mem>>) src(%dma_wait3A_366 : memref<2600960xf32, #tpu.memory_space<hbm>>) dst(%dma_wait3A_362 : memref<1024xf32, #tpu.memory_space<vmem>>)
    %scan3A_367 = arith.constant 0 : i32
    %scan3A_368 = arith.constant 0 : i32
    %scan3A_369 = arith.constant 32 : i32
    %scan3A_370 = arith.addi %scan3A_368, %scan3A_369 : i32
    %scan3A_371 = arith.constant 1 : i32
    scf.for %scan3A_445 = %scan3A_368 to %scan3A_370 step %scan3A_371  : i32 {
      %mul3A_446 = arith.constant 16 : i32
      %mul3A_447 = arith.muli %scan3A_445, %mul3A_446 : i32
      %get3A = arith.index_cast %mul3A_447 : i32 to index
      %get3A_448 = tpu.vector_load %arg8[%get3A] {strides = array<i32>} : memref<512xf32, #tpu.memory_space<vmem>>, vector<16xf32>,
      %mul3A_449 = arith.constant 16 : i32
      %mul3A_450 = arith.muli %scan3A_445, %mul3A_449 : i32
      %add3A_451 = arith.constant 6144 : i32
      %add3A_452 = arith.addi %add3A_451, %mul3A_450 : i32
      %get3A_453 = arith.index_cast %add3A_452 : i32 to index
      %get3A_454 = tpu.vector_load %arg7[%get3A_453] {strides = array<i32>} : memref<13312xf32, #tpu.memory_space<vmem>>, vector<16xf32>,
      %add3A_455 = arith.addf %get3A_448, %get3A_454 : vector<16xf32>
      %mul3A_456 = arith.constant 16 : i32
      %mul3A_457 = arith.muli %scan3A_445, %mul3A_456 : i32
      %add3A_458 = arith.constant 6656 : i32
      %add3A_459 = arith.addi %add3A_458, %mul3A_457 : i32
      %get3A_460 = arith.index_cast %add3A_459 : i32 to index
      %get3A_461 = tpu.vector_load %arg7[%get3A_460] {strides = array<i32>} : memref<13312xf32, #tpu.memory_space<vmem>>, vector<16xf32>,
      %add3A_462 = arith.addf %add3A_455, %get3A_461 : vector<16xf32>
      %mul3A_463 = arith.constant 16 : i32
      %mul3A_464 = arith.muli %scan3A_445, %mul3A_463 : i32
      %swap3A = arith.index_cast %mul3A_464 : i32 to index
      %swap3A_465 = tpu.vector_load %arg8[%swap3A] {strides = array<i32>} : memref<512xf32, #tpu.memory_space<vmem>>, vector<16xf32>,
      tpu.vector_store %arg8[%swap3A], %add3A_462 {strides = array<i32>} : memref<512xf32, #tpu.memory_space<vmem>>, vector<16xf32>,
    }
    %scan3A_372 = arith.constant 32 : i32
    %dma_wait3A_373 = arith.constant 7168 : i32
    %dma_wait3A_374 = tpu.memref_slice %arg7[%dma_wait3A_373] : memref<13312xf32, #tpu.memory_space<vmem>> -> memref<1024xf32, #tpu.memory_space<vmem>>
    %dma_wait3A_375 = arith.constant 7168 : i32
    %dma_wait3A_376 = tpu.memref_slice %arg6[%dma_wait3A_375] : memref<13312xi32, #tpu.memory_space<vmem>> -> memref<1024xi32, #tpu.memory_space<vmem>>
    %dma_wait3A_377 = arith.constant 0 : i32
    %dma_wait3A_378 = tpu.memref_slice %arg3[%dma_wait3A_377] : memref<2600960xf32, #tpu.memory_space<hbm>> -> memref<2600960xf32, #tpu.memory_space<hbm>>
    tpu.wait_indirect_dma semaphore(%arg18 : memref<!tpu.dma_semaphore, #tpu.memory_space<semaphore_mem>>) src(%dma_wait3A_378 : memref<2600960xf32, #tpu.memory_space<hbm>>) dst(%dma_wait3A_374 : memref<1024xf32, #tpu.memory_space<vmem>>)
    %scan3A_379 = arith.constant 0 : i32
    %scan3A_380 = arith.constant 0 : i32
    %scan3A_381 = arith.constant 32 : i32
    %scan3A_382 = arith.addi %scan3A_380, %scan3A_381 : i32
    %scan3A_383 = arith.constant 1 : i32
    scf.for %scan3A_445 = %scan3A_380 to %scan3A_382 step %scan3A_383  : i32 {
      %mul3A_446 = arith.constant 16 : i32
      %mul3A_447 = arith.muli %scan3A_445, %mul3A_446 : i32
      %get3A = arith.index_cast %mul3A_447 : i32 to index
      %get3A_448 = tpu.vector_load %arg8[%get3A] {strides = array<i32>} : memref<512xf32, #tpu.memory_space<vmem>>, vector<16xf32>,
      %mul3A_449 = arith.constant 16 : i32
      %mul3A_450 = arith.muli %scan3A_445, %mul3A_449 : i32
      %add3A_451 = arith.constant 7168 : i32
      %add3A_452 = arith.addi %add3A_451, %mul3A_450 : i32
      %get3A_453 = arith.index_cast %add3A_452 : i32 to index
      %get3A_454 = tpu.vector_load %arg7[%get3A_453] {strides = array<i32>} : memref<13312xf32, #tpu.memory_space<vmem>>, vector<16xf32>,
      %add3A_455 = arith.addf %get3A_448, %get3A_454 : vector<16xf32>
      %mul3A_456 = arith.constant 16 : i32
      %mul3A_457 = arith.muli %scan3A_445, %mul3A_456 : i32
      %add3A_458 = arith.constant 7680 : i32
      %add3A_459 = arith.addi %add3A_458, %mul3A_457 : i32
      %get3A_460 = arith.index_cast %add3A_459 : i32 to index
      %get3A_461 = tpu.vector_load %arg7[%get3A_460] {strides = array<i32>} : memref<13312xf32, #tpu.memory_space<vmem>>, vector<16xf32>,
      %add3A_462 = arith.addf %add3A_455, %get3A_461 : vector<16xf32>
      %mul3A_463 = arith.constant 16 : i32
      %mul3A_464 = arith.muli %scan3A_445, %mul3A_463 : i32
      %swap3A = arith.index_cast %mul3A_464 : i32 to index
      %swap3A_465 = tpu.vector_load %arg8[%swap3A] {strides = array<i32>} : memref<512xf32, #tpu.memory_space<vmem>>, vector<16xf32>,
      tpu.vector_store %arg8[%swap3A], %add3A_462 {strides = array<i32>} : memref<512xf32, #tpu.memory_space<vmem>>, vector<16xf32>,
    }
    %scan3A_384 = arith.constant 32 : i32
    %dma_wait3A_385 = arith.constant 8192 : i32
    %dma_wait3A_386 = tpu.memref_slice %arg7[%dma_wait3A_385] : memref<13312xf32, #tpu.memory_space<vmem>> -> memref<1024xf32, #tpu.memory_space<vmem>>
    %dma_wait3A_387 = arith.constant 8192 : i32
    %dma_wait3A_388 = tpu.memref_slice %arg6[%dma_wait3A_387] : memref<13312xi32, #tpu.memory_space<vmem>> -> memref<1024xi32, #tpu.memory_space<vmem>>
    %dma_wait3A_389 = arith.constant 0 : i32
    %dma_wait3A_390 = tpu.memref_slice %arg3[%dma_wait3A_389] : memref<2600960xf32, #tpu.memory_space<hbm>> -> memref<2600960xf32, #tpu.memory_space<hbm>>
    tpu.wait_indirect_dma semaphore(%arg19 : memref<!tpu.dma_semaphore, #tpu.memory_space<semaphore_mem>>) src(%dma_wait3A_390 : memref<2600960xf32, #tpu.memory_space<hbm>>) dst(%dma_wait3A_386 : memref<1024xf32, #tpu.memory_space<vmem>>)
    %scan3A_391 = arith.constant 0 : i32
    %scan3A_392 = arith.constant 0 : i32
    %scan3A_393 = arith.constant 32 : i32
    %scan3A_394 = arith.addi %scan3A_392, %scan3A_393 : i32
    %scan3A_395 = arith.constant 1 : i32
    scf.for %scan3A_445 = %scan3A_392 to %scan3A_394 step %scan3A_395  : i32 {
      %mul3A_446 = arith.constant 16 : i32
      %mul3A_447 = arith.muli %scan3A_445, %mul3A_446 : i32
      %get3A = arith.index_cast %mul3A_447 : i32 to index
      %get3A_448 = tpu.vector_load %arg8[%get3A] {strides = array<i32>} : memref<512xf32, #tpu.memory_space<vmem>>, vector<16xf32>,
      %mul3A_449 = arith.constant 16 : i32
      %mul3A_450 = arith.muli %scan3A_445, %mul3A_449 : i32
      %add3A_451 = arith.constant 8192 : i32
      %add3A_452 = arith.addi %add3A_451, %mul3A_450 : i32
      %get3A_453 = arith.index_cast %add3A_452 : i32 to index
      %get3A_454 = tpu.vector_load %arg7[%get3A_453] {strides = array<i32>} : memref<13312xf32, #tpu.memory_space<vmem>>, vector<16xf32>,
      %add3A_455 = arith.addf %get3A_448, %get3A_454 : vector<16xf32>
      %mul3A_456 = arith.constant 16 : i32
      %mul3A_457 = arith.muli %scan3A_445, %mul3A_456 : i32
      %add3A_458 = arith.constant 8704 : i32
      %add3A_459 = arith.addi %add3A_458, %mul3A_457 : i32
      %get3A_460 = arith.index_cast %add3A_459 : i32 to index
      %get3A_461 = tpu.vector_load %arg7[%get3A_460] {strides = array<i32>} : memref<13312xf32, #tpu.memory_space<vmem>>, vector<16xf32>,
      %add3A_462 = arith.addf %add3A_455, %get3A_461 : vector<16xf32>
      %mul3A_463 = arith.constant 16 : i32
      %mul3A_464 = arith.muli %scan3A_445, %mul3A_463 : i32
      %swap3A = arith.index_cast %mul3A_464 : i32 to index
      %swap3A_465 = tpu.vector_load %arg8[%swap3A] {strides = array<i32>} : memref<512xf32, #tpu.memory_space<vmem>>, vector<16xf32>,
      tpu.vector_store %arg8[%swap3A], %add3A_462 {strides = array<i32>} : memref<512xf32, #tpu.memory_space<vmem>>, vector<16xf32>,
    }
    %scan3A_396 = arith.constant 32 : i32
    %dma_wait3A_397 = arith.constant 9216 : i32
    %dma_wait3A_398 = tpu.memref_slice %arg7[%dma_wait3A_397] : memref<13312xf32, #tpu.memory_space<vmem>> -> memref<1024xf32, #tpu.memory_space<vmem>>
    %dma_wait3A_399 = arith.constant 9216 : i32
    %dma_wait3A_400 = tpu.memref_slice %arg6[%dma_wait3A_399] : memref<13312xi32, #tpu.memory_space<vmem>> -> memref<1024xi32, #tpu.memory_space<vmem>>
    %dma_wait3A_401 = arith.constant 0 : i32
    %dma_wait3A_402 = tpu.memref_slice %arg3[%dma_wait3A_401] : memref<2600960xf32, #tpu.memory_space<hbm>> -> memref<2600960xf32, #tpu.memory_space<hbm>>
    tpu.wait_indirect_dma semaphore(%arg20 : memref<!tpu.dma_semaphore, #tpu.memory_space<semaphore_mem>>) src(%dma_wait3A_402 : memref<2600960xf32, #tpu.memory_space<hbm>>) dst(%dma_wait3A_398 : memref<1024xf32, #tpu.memory_space<vmem>>)
    %scan3A_403 = arith.constant 0 : i32
    %scan3A_404 = arith.constant 0 : i32
    %scan3A_405 = arith.constant 32 : i32
    %scan3A_406 = arith.addi %scan3A_404, %scan3A_405 : i32
    %scan3A_407 = arith.constant 1 : i32
    scf.for %scan3A_445 = %scan3A_404 to %scan3A_406 step %scan3A_407  : i32 {
      %mul3A_446 = arith.constant 16 : i32
      %mul3A_447 = arith.muli %scan3A_445, %mul3A_446 : i32
      %get3A = arith.index_cast %mul3A_447 : i32 to index
      %get3A_448 = tpu.vector_load %arg8[%get3A] {strides = array<i32>} : memref<512xf32, #tpu.memory_space<vmem>>, vector<16xf32>,
      %mul3A_449 = arith.constant 16 : i32
      %mul3A_450 = arith.muli %scan3A_445, %mul3A_449 : i32
      %add3A_451 = arith.constant 9216 : i32
      %add3A_452 = arith.addi %add3A_451, %mul3A_450 : i32
      %get3A_453 = arith.index_cast %add3A_452 : i32 to index
      %get3A_454 = tpu.vector_load %arg7[%get3A_453] {strides = array<i32>} : memref<13312xf32, #tpu.memory_space<vmem>>, vector<16xf32>,
      %add3A_455 = arith.addf %get3A_448, %get3A_454 : vector<16xf32>
      %mul3A_456 = arith.constant 16 : i32
      %mul3A_457 = arith.muli %scan3A_445, %mul3A_456 : i32
      %add3A_458 = arith.constant 9728 : i32
      %add3A_459 = arith.addi %add3A_458, %mul3A_457 : i32
      %get3A_460 = arith.index_cast %add3A_459 : i32 to index
      %get3A_461 = tpu.vector_load %arg7[%get3A_460] {strides = array<i32>} : memref<13312xf32, #tpu.memory_space<vmem>>, vector<16xf32>,
      %add3A_462 = arith.addf %add3A_455, %get3A_461 : vector<16xf32>
      %mul3A_463 = arith.constant 16 : i32
      %mul3A_464 = arith.muli %scan3A_445, %mul3A_463 : i32
      %swap3A = arith.index_cast %mul3A_464 : i32 to index
      %swap3A_465 = tpu.vector_load %arg8[%swap3A] {strides = array<i32>} : memref<512xf32, #tpu.memory_space<vmem>>, vector<16xf32>,
      tpu.vector_store %arg8[%swap3A], %add3A_462 {strides = array<i32>} : memref<512xf32, #tpu.memory_space<vmem>>, vector<16xf32>,
    }
    %scan3A_408 = arith.constant 32 : i32
    %dma_wait3A_409 = arith.constant 10240 : i32
    %dma_wait3A_410 = tpu.memref_slice %arg7[%dma_wait3A_409] : memref<13312xf32, #tpu.memory_space<vmem>> -> memref<1024xf32, #tpu.memory_space<vmem>>
    %dma_wait3A_411 = arith.constant 10240 : i32
    %dma_wait3A_412 = tpu.memref_slice %arg6[%dma_wait3A_411] : memref<13312xi32, #tpu.memory_space<vmem>> -> memref<1024xi32, #tpu.memory_space<vmem>>
    %dma_wait3A_413 = arith.constant 0 : i32
    %dma_wait3A_414 = tpu.memref_slice %arg3[%dma_wait3A_413] : memref<2600960xf32, #tpu.memory_space<hbm>> -> memref<2600960xf32, #tpu.memory_space<hbm>>
    tpu.wait_indirect_dma semaphore(%arg21 : memref<!tpu.dma_semaphore, #tpu.memory_space<semaphore_mem>>) src(%dma_wait3A_414 : memref<2600960xf32, #tpu.memory_space<hbm>>) dst(%dma_wait3A_410 : memref<1024xf32, #tpu.memory_space<vmem>>)
    %scan3A_415 = arith.constant 0 : i32
    %scan3A_416 = arith.constant 0 : i32
    %scan3A_417 = arith.constant 32 : i32
    %scan3A_418 = arith.addi %scan3A_416, %scan3A_417 : i32
    %scan3A_419 = arith.constant 1 : i32
    scf.for %scan3A_445 = %scan3A_416 to %scan3A_418 step %scan3A_419  : i32 {
      %mul3A_446 = arith.constant 16 : i32
      %mul3A_447 = arith.muli %scan3A_445, %mul3A_446 : i32
      %get3A = arith.index_cast %mul3A_447 : i32 to index
      %get3A_448 = tpu.vector_load %arg8[%get3A] {strides = array<i32>} : memref<512xf32, #tpu.memory_space<vmem>>, vector<16xf32>,
      %mul3A_449 = arith.constant 16 : i32
      %mul3A_450 = arith.muli %scan3A_445, %mul3A_449 : i32
      %add3A_451 = arith.constant 10240 : i32
      %add3A_452 = arith.addi %add3A_451, %mul3A_450 : i32
      %get3A_453 = arith.index_cast %add3A_452 : i32 to index
      %get3A_454 = tpu.vector_load %arg7[%get3A_453] {strides = array<i32>} : memref<13312xf32, #tpu.memory_space<vmem>>, vector<16xf32>,
      %add3A_455 = arith.addf %get3A_448, %get3A_454 : vector<16xf32>
      %mul3A_456 = arith.constant 16 : i32
      %mul3A_457 = arith.muli %scan3A_445, %mul3A_456 : i32
      %add3A_458 = arith.constant 10752 : i32
      %add3A_459 = arith.addi %add3A_458, %mul3A_457 : i32
      %get3A_460 = arith.index_cast %add3A_459 : i32 to index
      %get3A_461 = tpu.vector_load %arg7[%get3A_460] {strides = array<i32>} : memref<13312xf32, #tpu.memory_space<vmem>>, vector<16xf32>,
      %add3A_462 = arith.addf %add3A_455, %get3A_461 : vector<16xf32>
      %mul3A_463 = arith.constant 16 : i32
      %mul3A_464 = arith.muli %scan3A_445, %mul3A_463 : i32
      %swap3A = arith.index_cast %mul3A_464 : i32 to index
      %swap3A_465 = tpu.vector_load %arg8[%swap3A] {strides = array<i32>} : memref<512xf32, #tpu.memory_space<vmem>>, vector<16xf32>,
      tpu.vector_store %arg8[%swap3A], %add3A_462 {strides = array<i32>} : memref<512xf32, #tpu.memory_space<vmem>>, vector<16xf32>,
    }
    %scan3A_420 = arith.constant 32 : i32
    %dma_wait3A_421 = arith.constant 11264 : i32
    %dma_wait3A_422 = tpu.memref_slice %arg7[%dma_wait3A_421] : memref<13312xf32, #tpu.memory_space<vmem>> -> memref<1024xf32, #tpu.memory_space<vmem>>
    %dma_wait3A_423 = arith.constant 11264 : i32
    %dma_wait3A_424 = tpu.memref_slice %arg6[%dma_wait3A_423] : memref<13312xi32, #tpu.memory_space<vmem>> -> memref<1024xi32, #tpu.memory_space<vmem>>
    %dma_wait3A_425 = arith.constant 0 : i32
    %dma_wait3A_426 = tpu.memref_slice %arg3[%dma_wait3A_425] : memref<2600960xf32, #tpu.memory_space<hbm>> -> memref<2600960xf32, #tpu.memory_space<hbm>>
    tpu.wait_indirect_dma semaphore(%arg22 : memref<!tpu.dma_semaphore, #tpu.memory_space<semaphore_mem>>) src(%dma_wait3A_426 : memref<2600960xf32, #tpu.memory_space<hbm>>) dst(%dma_wait3A_422 : memref<1024xf32, #tpu.memory_space<vmem>>)
    %scan3A_427 = arith.constant 0 : i32
    %scan3A_428 = arith.constant 0 : i32
    %scan3A_429 = arith.constant 32 : i32
    %scan3A_430 = arith.addi %scan3A_428, %scan3A_429 : i32
    %scan3A_431 = arith.constant 1 : i32
    scf.for %scan3A_445 = %scan3A_428 to %scan3A_430 step %scan3A_431  : i32 {
      %mul3A_446 = arith.constant 16 : i32
      %mul3A_447 = arith.muli %scan3A_445, %mul3A_446 : i32
      %get3A = arith.index_cast %mul3A_447 : i32 to index
      %get3A_448 = tpu.vector_load %arg8[%get3A] {strides = array<i32>} : memref<512xf32, #tpu.memory_space<vmem>>, vector<16xf32>,
      %mul3A_449 = arith.constant 16 : i32
      %mul3A_450 = arith.muli %scan3A_445, %mul3A_449 : i32
      %add3A_451 = arith.constant 11264 : i32
      %add3A_452 = arith.addi %add3A_451, %mul3A_450 : i32
      %get3A_453 = arith.index_cast %add3A_452 : i32 to index
      %get3A_454 = tpu.vector_load %arg7[%get3A_453] {strides = array<i32>} : memref<13312xf32, #tpu.memory_space<vmem>>, vector<16xf32>,
      %add3A_455 = arith.addf %get3A_448, %get3A_454 : vector<16xf32>
      %mul3A_456 = arith.constant 16 : i32
      %mul3A_457 = arith.muli %scan3A_445, %mul3A_456 : i32
      %add3A_458 = arith.constant 11776 : i32
      %add3A_459 = arith.addi %add3A_458, %mul3A_457 : i32
      %get3A_460 = arith.index_cast %add3A_459 : i32 to index
      %get3A_461 = tpu.vector_load %arg7[%get3A_460] {strides = array<i32>} : memref<13312xf32, #tpu.memory_space<vmem>>, vector<16xf32>,
      %add3A_462 = arith.addf %add3A_455, %get3A_461 : vector<16xf32>
      %mul3A_463 = arith.constant 16 : i32
      %mul3A_464 = arith.muli %scan3A_445, %mul3A_463 : i32
      %swap3A = arith.index_cast %mul3A_464 : i32 to index
      %swap3A_465 = tpu.vector_load %arg8[%swap3A] {strides = array<i32>} : memref<512xf32, #tpu.memory_space<vmem>>, vector<16xf32>,
      tpu.vector_store %arg8[%swap3A], %add3A_462 {strides = array<i32>} : memref<512xf32, #tpu.memory_space<vmem>>, vector<16xf32>,
    }
    %scan3A_432 = arith.constant 32 : i32
    %dma_wait3A_433 = arith.constant 12288 : i32
    %dma_wait3A_434 = tpu.memref_slice %arg7[%dma_wait3A_433] : memref<13312xf32, #tpu.memory_space<vmem>> -> memref<1024xf32, #tpu.memory_space<vmem>>
    %dma_wait3A_435 = arith.constant 12288 : i32
    %dma_wait3A_436 = tpu.memref_slice %arg6[%dma_wait3A_435] : memref<13312xi32, #tpu.memory_space<vmem>> -> memref<1024xi32, #tpu.memory_space<vmem>>
    %dma_wait3A_437 = arith.constant 0 : i32
    %dma_wait3A_438 = tpu.memref_slice %arg3[%dma_wait3A_437] : memref<2600960xf32, #tpu.memory_space<hbm>> -> memref<2600960xf32, #tpu.memory_space<hbm>>
    tpu.wait_indirect_dma semaphore(%arg23 : memref<!tpu.dma_semaphore, #tpu.memory_space<semaphore_mem>>) src(%dma_wait3A_438 : memref<2600960xf32, #tpu.memory_space<hbm>>) dst(%dma_wait3A_434 : memref<1024xf32, #tpu.memory_space<vmem>>)
    %scan3A_439 = arith.constant 0 : i32
    %scan3A_440 = arith.constant 0 : i32
    %scan3A_441 = arith.constant 32 : i32
    %scan3A_442 = arith.addi %scan3A_440, %scan3A_441 : i32
    %scan3A_443 = arith.constant 1 : i32
    scf.for %scan3A_445 = %scan3A_440 to %scan3A_442 step %scan3A_443  : i32 {
      %mul3A_446 = arith.constant 16 : i32
      %mul3A_447 = arith.muli %scan3A_445, %mul3A_446 : i32
      %get3A = arith.index_cast %mul3A_447 : i32 to index
      %get3A_448 = tpu.vector_load %arg8[%get3A] {strides = array<i32>} : memref<512xf32, #tpu.memory_space<vmem>>, vector<16xf32>,
      %mul3A_449 = arith.constant 16 : i32
      %mul3A_450 = arith.muli %scan3A_445, %mul3A_449 : i32
      %add3A_451 = arith.constant 12288 : i32
      %add3A_452 = arith.addi %add3A_451, %mul3A_450 : i32
      %get3A_453 = arith.index_cast %add3A_452 : i32 to index
      %get3A_454 = tpu.vector_load %arg7[%get3A_453] {strides = array<i32>} : memref<13312xf32, #tpu.memory_space<vmem>>, vector<16xf32>,
      %add3A_455 = arith.addf %get3A_448, %get3A_454 : vector<16xf32>
      %mul3A_456 = arith.constant 16 : i32
      %mul3A_457 = arith.muli %scan3A_445, %mul3A_456 : i32
      %add3A_458 = arith.constant 12800 : i32
      %add3A_459 = arith.addi %add3A_458, %mul3A_457 : i32
      %get3A_460 = arith.index_cast %add3A_459 : i32 to index
      %get3A_461 = tpu.vector_load %arg7[%get3A_460] {strides = array<i32>} : memref<13312xf32, #tpu.memory_space<vmem>>, vector<16xf32>,
      %add3A_462 = arith.addf %add3A_455, %get3A_461 : vector<16xf32>
      %mul3A_463 = arith.constant 16 : i32
      %mul3A_464 = arith.muli %scan3A_445, %mul3A_463 : i32
      %swap3A = arith.index_cast %mul3A_464 : i32 to index
      %swap3A_465 = tpu.vector_load %arg8[%swap3A] {strides = array<i32>} : memref<512xf32, #tpu.memory_space<vmem>>, vector<16xf32>,
      tpu.vector_store %arg8[%swap3A], %add3A_462 {strides = array<i32>} : memref<512xf32, #tpu.memory_space<vmem>>, vector<16xf32>,
    }
    %scan3A_444 = arith.constant 32 : i32
    "tpu.region"() ({
      %run_scoped3A = tpu.sem_alloc : memref<!tpu.dma_semaphore, #tpu.memory_space<semaphore_mem>>
      %dma_start3A_445 = tpu.memref_slice %arg5[%mul3A_2] : memref<16384xf32, #tpu.memory_space<hbm>> -> memref<512xf32, #tpu.memory_space<hbm>>
      %dma_start3A_446 = tpu.memref_slice %arg5[%mul3A_2] : memref<16384xf32, #tpu.memory_space<hbm>> -> memref<512xf32, #tpu.memory_space<hbm>>
      tpu.enqueue_dma source(%arg8 : memref<512xf32, #tpu.memory_space<vmem>>) target(%dma_start3A_446 : memref<512xf32, #tpu.memory_space<hbm>>) target_semaphore(%run_scoped3A : memref<!tpu.dma_semaphore, #tpu.memory_space<semaphore_mem>>)
      %dma_wait3A_447 = tpu.memref_slice %arg5[%mul3A_2] : memref<16384xf32, #tpu.memory_space<hbm>> -> memref<512xf32, #tpu.memory_space<hbm>>
      %dma_wait3A_448 = tpu.memref_slice %arg5[%mul3A_2] : memref<16384xf32, #tpu.memory_space<hbm>> -> memref<512xf32, #tpu.memory_space<hbm>>
      tpu.wait_dma2 semaphore(%run_scoped3A : memref<!tpu.dma_semaphore, #tpu.memory_space<semaphore_mem>>) src(%arg8 : memref<512xf32, #tpu.memory_space<vmem>>) dst(%dma_wait3A_448 : memref<512xf32, #tpu.memory_space<hbm>>)
      tpu.yield
    }) : () -> ()
    return
  }
}

</mosaic_0001>

<sc_bundles>
// kernel: kernel.4.cloned.1.call-start
scs
__scs_entry_jumppad:
0x0: {  	(pc) =	sbr.rel $0x88, $3  }
0x1: {  	(tag) =	ssettag $0x0;
	lr =	simm.s32 $0x1  }
0x2: {  	[smem:$0x3F9E] =	sst lr;
	_ =	strace $0xD0000000  }
0x3: {  	_ = 	snop  }
0x4: {  	_ = 	snop  }
0x5: {  	_ = 	snop  }
0x6: {  	_ = 	snop  }
0x7: {  	_ = 	snop  }
__scs_overlays_trampoline_lowered:
0x8: {  	[smem:$0x3FAD] =	sst s0  }
0x9: {  	[smem:$0x3FAE] =	sst s1  }
0xa: {  	[smem:$0x3FAF] =	sst s2  }
0xb: {  	[smem:$0x3FB0] =	sst s3  }
0xc: {  	[smem:$0x3FB1] =	sst s4  }
0xd: {  	[smem:$0x3FB2] =	sst s5  }
0xe: {  	[smem:$0x3FB3] =	sst s6  }
0xf: {  	[smem:$0x3FB4] =	sst s7  }
0x10: {  	[smem:$0x3FB5] =	sst s8  }
0x11: {  	[smem:$0x3FB6] =	sst s9;
	s0 =	simm.s32 @!p0 $0x0  }
0x12: {  	s1 =	sld [smem:$0x3F9C];
	s0 =	simm.s32 @p0 $0x1  }
0x13: {  	[smem:$0x3FB7] =	sst s0;
	s0 =	simm.s32 @!p1 $0x0  }
0x14: {  	s2 =	sld [smem:$0x3F9B];
	s0 =	simm.s32 @p1 $0x1  }
0x15: {  	[smem:$0x3FB8] =	sst s0;
	s0 =	simm.s32 @!p2 $0x0  }
0x16: {  	s3 =	sld [smem:$0x3FDB];
	s0 =	simm.s32 @p2 $0x1  }
0x17: {  	s4 =	simm.s32 $0x1BF5;
	[smem:$0x3FBA] =	sst s0  }
0x18: {  	s0 =	sld [smem:$0x3F9D];
	_ =	swait.ge [sflag:s4], $0x0  }
0x19: {  	s7 =	sld [smem:$0x3F9E]  }
0x1a: {  	s8 =	sadd.s32 $0xFFFFE003, lr  }
0x1b: {  	s9 =	sadd.s32 $0xFFFFFEF7, lr;
	s5 =	simm.s32 $0xFFFFFFFF;
	p2 =	slt.u32 s8, $0xFFFFF086  }
0x1c: {  	p1 =	slt.u32 s9, $0xF7A;
	s5 =	simm.s32 @!p2 $0x0  }
0x1d: {  	s5 =	simm.s32 @p1 $0x1;
	p0 =	seq.s32 s7, s2  }
0x1e: {  	s7 =	smul.u32 @!p0 $0xF7A, s2;
	p2 =	seq.s32 @!p0 s5, $0x0  }
0x1f: {  	s9 =	smul.u32 $0xF7A, s1;
	s8 =	simm.s32 @!p0 $0x1BF5;
	p2 =	por !p2, p0  }
0x20: {  	[sflag:s8] =	ssyncset.s32 @!p0 $0xFFFFF086;
	s6 =	sadd.s32 @!p0 s3, s7;
	s7 =	simm.s32 @!p0 $0x108  }
0x21: {  	s3 =	sadd.s32 s3, s9;
	s6 =	sadd.s32 @!p0 $0x88, s6;
	s7 =	simm.s32 @p2 $0x1082  }
0x22: {  	[simem:s7], [sflag:s8] =	dma.local @!p0 [hbm:s6], $0xF7A  }
0x23: {  	s9 =	sor.u32 $0xD0000000, s2;
	s6 =	simm.s32 $0x108;
	_ =	swait.ge @!p0 [sflag:s8], $0x0  }
0x24: {  	s3 =	sadd.s32 $0x88, s3;
	s6 =	simm.s32 @!p1 $0x1082;
	[sflag:s4] =	ssyncset.s32 $0xFFFFF086  }
0x25: {  	[simem:s6], [sflag:s4] =	dma.local [hbm:s3], $0xF7A  }
0x26: {  	[smem:$0x3F9E] =	sst s1;
	(tag) =	ssettag s2;
	_ =	strace s9  }
0x27: {  	s1 =	sld [smem:$0x3FAE]  }
0x28: {  	s2 =	sld [smem:$0x3FAF]  }
0x29: {  	s4 =	sld [smem:$0x3FB1]  }
0x2a: {  	p0 =	seq.s32 s5, $0x0;
	s5 =	sld [smem:$0x3FB2]  }
0x2b: {  	s6 =	sld [smem:$0x3FB3]  }
0x2c: {  	s7 =	sld [smem:$0x3FB4]  }
0x2d: {  	s3 =	simm.s32 $0x108;
	s8 =	sld [smem:$0x3FB5]  }
0x2e: {  	s3 =	simm.s32 @!p0 $0x1082;
	s9 =	sld [smem:$0x3FB6]  }
0x2f: {  	lr =	sadd.s32 s0, s3;
	s0 =	sld [smem:$0x3FAD]  }
0x30: {  	s3 =	sld [smem:$0x3FB0]  }
0x31: {  	[smem:$0x3FB9] =	sst s10  }
0x32: {  	s10 =	sld [smem:$0x3FB7];
	_ =	sdelay $0x3  }
0x33: {  	p0 =	seq.s32 s10, $0x1;
	s10 =	sld [smem:$0x3FB9];
	_ =	sdelay $0x3  }
0x34: {  	[smem:$0x3FB9] =	sst s10  }
0x35: {  	s10 =	sld [smem:$0x3FB8];
	_ =	sdelay $0x3  }
0x36: {  	p1 =	seq.s32 s10, $0x1;
	s10 =	sld [smem:$0x3FB9];
	_ =	sdelay $0x3  }
0x37: {  	[smem:$0x3FB9] =	sst s10  }
0x38: {  	s10 =	sld [smem:$0x3FBA]  }
0x39: {  	_ = 	snop;
	(pc) =	sbr.ind lr, $3  }
0x3a: {  	_ = 	snop  }
0x3b: {  	_ = 	snop  }
0x3c: {  	p2 =	seq.s32 s10, $0x1;
	s10 =	sld [smem:$0x3FB9]  }
0x3d: {  	_ =	shalt  }
0x3e: {  	_ =	shalt  }
0x3f: {  	_ =	shalt  }
0x40: {  	_ =	shalt  }
0x41: {  	_ =	shalt  }
0x42: {  	_ =	shalt  }
0x43: {  	_ =	shalt  }
0x44: {  	_ =	shalt  }
0x45: {  	_ =	shalt  }
0x46: {  	_ =	shalt  }
0x47: {  	_ =	shalt  }
0x48: {  	_ =	shalt  }
0x49: {  	_ =	shalt  }
0x4a: {  	_ =	shalt  }
0x4b: {  	_ =	shalt  }
0x4c: {  	_ =	shalt  }
0x4d: {  	_ =	shalt  }
0x4e: {  	_ =	shalt  }
0x4f: {  	_ =	shalt  }
0x50: {  	_ =	shalt  }
0x51: {  	_ =	shalt  }
0x52: {  	_ =	shalt  }
0x53: {  	_ =	shalt  }
0x54: {  	_ =	shalt  }
0x55: {  	_ =	shalt  }
0x56: {  	_ =	shalt  }
0x57: {  	_ =	shalt  }
0x58: {  	_ =	shalt  }
0x59: {  	_ =	shalt  }
0x5a: {  	_ =	shalt  }
0x5b: {  	_ =	shalt  }
0x5c: {  	_ =	shalt  }
0x5d: {  	_ =	shalt  }
0x5e: {  	_ =	shalt  }
0x5f: {  	_ =	shalt  }
0x60: {  	_ =	shalt  }
0x61: {  	_ =	shalt  }
0x62: {  	_ =	shalt  }
0x63: {  	_ =	shalt  }
0x64: {  	_ =	shalt  }
0x65: {  	_ =	shalt  }
0x66: {  	_ =	shalt  }
0x67: {  	_ =	shalt  }
0x68: {  	_ =	shalt  }
0x69: {  	_ =	shalt  }
0x6a: {  	_ =	shalt  }
0x6b: {  	_ =	shalt  }
0x6c: {  	_ =	shalt  }
0x6d: {  	_ =	shalt  }
0x6e: {  	_ =	shalt  }
0x6f: {  	_ =	shalt  }
0x70: {  	_ =	shalt  }
0x71: {  	_ =	shalt  }
0x72: {  	_ =	shalt  }
0x73: {  	_ =	shalt  }
0x74: {  	_ =	shalt  }
0x75: {  	_ =	shalt  }
0x76: {  	_ =	shalt  }
0x77: {  	_ =	shalt  }
0x78: {  	_ =	shalt  }
0x79: {  	_ =	shalt  }
0x7a: {  	_ =	shalt  }
0x7b: {  	_ =	shalt  }
0x7c: {  	_ =	shalt  }
0x7d: {  	_ =	shalt  }
0x7e: {  	_ =	shalt  }
0x7f: {  	_ =	shalt  }
0x80: {  	_ =	shalt  }
0x81: {  	_ =	shalt  }
0x82: {  	_ =	shalt  }
0x83: {  	_ =	shalt  }
0x84: {  	_ =	shalt  }
0x85: {  	_ =	shalt  }
0x86: {  	_ =	shalt  }
0x87: {  	_ =	shalt  }
.Lfunc_end0:
.L_simem_size_0:
called_computation_lowered:
.L_overlay_start_0:
0x88: {  	s2 =	sld [smem:$0x3FD9]  }
0x89: {  	s3 =	sld [smem:$0x3FFE];
	_ =	sdelay $0x1  }
0x8a: {  	s1 =	srdreg.scid  }
0x8b: {  	s0 =	sand.u32 $0x1, s1  }
0x8c: {  	s17 =	sshll.u32 s0, $0xA;
	s2 =	sadd.s32 s3, s2  }
0x8d: {  	s2 =	sadd.s32 s2, s17  }
0x8e: {  	[smem:$0x3FC5] =	sst s2  }
0x8f: {  	_ = 	snop  }
0x90: {  	s2 =	sld [smem:$0x3FC9];
	(tm) =	ssettm $0x1  }
0x91: {  	s18 =	sld [smem:$0x3FFB];
	_ =	sdelay $0x3  }
0x92: {  	_ =	strace s18  }
0x93: {  	s3 =	sld [smem:$0x3FFC];
	_ =	sdelay $0x3  }
0x94: {  	_ =	strace s3  }
0x95: {  	s3 =	sld [smem:$0x3FFD];
	_ =	sdelay $0x3  }
0x96: {  	_ =	strace s3  }
0x97: {  	_ =	strace $0x8FFFFFFF  }
0x98: {  	s19 =	sld [smem:$0x3FDB];
	_ =	sdelay $0x1  }
0x99: {  	s4 =	simm.s32 $_scs_section_size  }
0x9a: {  	s5 =	simm.s32 $_size__tile_overlayer_lowered;
	s6 =	simm.s32 $_tile_overlayer_lowered  }
0x9b: {  	s22 =	simm.s32 $0x1BFF;
	s21 =	sshll.u32 s6, $0x1;
	s3 =	sadd.s32 s4, s19  }
0x9c: {  	s7 =	simm.s32 $0x0;
	s20 =	sshll.u32 s5, $0x1;
	s5 =	sadd.s32 s21, s3  }
0x9d: {  	[timem:s7], [sflag:s22] =	dma.local [hbm:s5], s20  }
0x9e: {  	_ =	swait.ge [sflag:s22], s20  }
0x9f: {  	s4 =	ssub.s32 $0x0, s20;
	[sflag:s22] =	ssyncset.done $0x0  }
0xa0: {  	[sflag:s22] =	ssyncadd.s32 s4;
	_ =	sdelay $0x1  }
0xa1: {  	s23 =	simm.s32 $0x1B8B  }
0xa2: {  	_ =	swait.ge [sflag:s23], $0x1  }
0xa3: {  	[sflag:s23] =	ssyncset.done $0x0  }
0xa4: {  	s25 =	simm.s32 $0x1B8E;
	s24 =	sld [smem:$0x3FFE];
	[sflag:s23] =	ssyncadd.s32 $0xFFFFFFFF  }
0xa5: {  	s26 =	simm.s32 $execute0_lowered;
	[smem:$0x3FD2] =	sst s25  }
0xa6: {  	s5 =	sshll.u32 s26, $0x1;
	_ =	strace $0x80000046;
	[dreg:$0x1] =	wrdreg $0xFFFFFFFF  }
0xa7: {  	s28 =	simm.s32 $_size_execute0_lowered;
	s3 =	sadd.s32 s3, s5;
	[dreg:$0x0] =	wrdreg $0x0  }
0xa8: {  	s5 =	sshll.u32 s28, $0x1;
	[dreg:$0x2] =	wrdreg s3  }
0xa9: {  	[dreg:$0x3] =	wrdreg s5  }
0xaa: {  	[dreg:$0x4] =	wrdreg $0xC0  }
0xab: {  	_ =	task [dreg:s7], $0x5FFFF  }
0xac: {  	[dreg:$0x1] =	wrdreg $0xFFFFFFFF  }
0xad: {  	[dreg:$0x0] =	wrdreg $0x60  }
0xae: {  	[dreg:$0x2] =	wrdreg s2  }
0xaf: {  	[dreg:$0x3] =	wrdreg s24  }
0xb0: {  	[dreg:$0x4] =	wrdreg $0x9  }
0xb1: {  	_ =	task.clear_ibuf [dreg:s7], $0x5FFFF;
	_ =	strace $0x90000046  }
0xb2: {  	s29 =	simm.s32 $0x9;
	_ =	strace $0x80000048  }
0xb3: {  	_ =	swait.ge [sflag:s29], $0x1  }
0xb4: {  	[sflag:s29] =	ssyncadd.s32 $0xFFFFFFFF  }
0xb5: {  	_ =	strace $0x90000048  }
0xb6: {  	_ =	sfence  }
0xb7: {  	s30 =	sld [smem:$0x0];
	_ =	sdelay $0x2  }
0xb8: {  	s31 =	sshll.u32 s1, $0xD;
	s1 =	sshrl.u32 s1, $0x2  }
0xb9: {  	s3 =	sand.u32 $0x4000, s31;
	s1 =	sadd.s32 s1, s30  }
0xba: {  	s0 =	sor.u32 s3, s0;
	s1 =	sshll.u32 s1, $0x11  }
0xbb: {  	s0 =	sor.u32 s1, s0  }
0xbc: {  	s0 =	sadd.s32 $0x8F2B, s0  }
0xbd: {  	[sflag:s0] =	ssyncadd.remote.s32 $0x1  }
0xbe: {  	_ =	sfence.sel $0xFFFF  }
0xbf: {  	[dreg:$0x0] =	wrdreg $0xFFFFFFFF;
	(pc) =	sbr.abs _section_cstart, $3  }
0xc0: {  	[dreg:$0x1] =	wrdreg $0xFFFFFFFF  }
0xc1: {  	_ =	task.clear_ibuf [dreg:s7], $0x2FFFF;
	_ =	strace $0x9FFFFFFF  }
0xc2: {  	(tm) =	ssettm $0x7FFFFFFF  }
0xc3: {  	_ =	shalt  }
tec
execute0_lowered:
.L_overlay_start_1:
0x0: {  	(tag) =	ssettag $0x1  }
0x1: {  	s1 =	srdreg.scid;
	s2 =	stileid.u32  }
0x2: {  	s0 =	rddreg [dreg:$0x0];
	s1 =	sand.u32 $0x1, s1;
	s4 =	sshll.u32 s2, $0x1  }
0x3: {  	s3 =	rddreg [dreg:$0x1];
	s2 =	simm.s32 $0x0;
	s4 =	sor.u32 s1, s4  }
0x4: {  	[smem:$0x7FF] =	sst s2;
	s1 =	ssub.s32 $0x2, s1;
	s5 =	smul.u32 $0x680, s4  }
0x5: {  	_ =	strace $0x80000047;
	s4 =	sshll.u32 s4, $0x9;
	s6 =	sshrl.u32 s1, $0x1  }
0x6: {  	s10 =	ssub.s32 s1, s6;
	s1 =	simm.s32 $0x80;
	s6 =	simm.s32 $0x0  }
0x7: {  	s5 =	sadd.s32 s5, s3;
	s3 =	sadd.s32 s0, s4;
	s0 =	simm.s32 $0x400  }
0x8: {  	s4 =	simm.s32 $0x1;
	s20 =	sadd.s32 $0x10, s3;
	s21 =	sadd.s32 $0x20, s3  }
0x9: {  	s22 =	sadd.s32 $0x30, s3;
	s23 =	sadd.s32 $0x40, s3;
	s24 =	sadd.s32 $0x50, s3  }
0xa: {  	s25 =	sadd.s32 $0x60, s3;
	s26 =	sadd.s32 $0x70, s3;
	s11 =	sadd.s32 $0x4000, s3  }
0xb: {  	s12 =	sadd.s32 $0x4010, s3;
	s13 =	sadd.s32 $0x4020, s3;
	[dreg:$0x3] =	wrdreg s20  }
0xc: {  	s14 =	sadd.s32 $0x4030, s3;
	s15 =	sadd.s32 $0x4040, s3;
	[dreg:$0x4] =	wrdreg s21  }
0xd: {  	s16 =	sadd.s32 $0x4050, s3;
	s17 =	sadd.s32 $0x4060, s3;
	[dreg:$0x5] =	wrdreg s22  }
0xe: {  	s18 =	sadd.s32 $0x4070, s3;
	s19 =	sadd.s32 $0x8000, s3;
	[dreg:$0x6] =	wrdreg s23  }
0xf: {  	s28 =	sadd.s32 $0x8060, s3;
	s29 =	sadd.s32 $0x8070, s3;
	[dreg:$0x7] =	wrdreg s24  }
0x10: {  	s30 =	sadd.s32 $0xC000, s3;
	s31 =	sadd.s32 $0xC010, s3;
	[dreg:$0x8] =	wrdreg s25  }
0x11: {  	[dreg:$0x9] =	wrdreg s26;
	s20 =	sadd.s32 $0x8010, s3;
	s21 =	sadd.s32 $0x8020, s3  }
0x12: {  	s22 =	sadd.s32 $0x8030, s3;
	s23 =	sadd.s32 $0x8040, s3;
	s24 =	sadd.s32 $0xA00, s5  }
0x13: {  	s25 =	smax.u32 s10, $0x1;
	s26 =	sadd.s32 $0x8050, s3;
	s5 =	simm.s32 $0x2  }
.LBB2_1:
0x14: {  	[tilespmem:s2], [sflag:$0x1] =	stream.strided.gather [hbm4b:s3+s1], $0x200, s0, s1, $0x38;
	[tilespmem:$0x3400] =	vst v63  }
0x15: {  	s7 =	rddreg [dreg:$0x3];
	s8 =	simm.s32 $0x200  }
0x16: {  	[tilespmem:s8], [sflag:$0x1] =	stream.strided.gather [hbm4b:s7+s1], $0x200, s0, s1, $0x38;
	[tilespmem:$0x3400] =	vst v63  }
0x17: {  	s8 =	rddreg [dreg:$0x4]  }
0x18: {  	[tilespmem:s0], [sflag:$0x1] =	stream.strided.gather [hbm4b:s8+s1], $0x200, s0, s1, $0x38;
	[tilespmem:$0x3400] =	vst v63  }
0x19: {  	s9 =	rddreg [dreg:$0x5];
	s10 =	simm.s32 $0x600  }
0x1a: {  	[tilespmem:s10], [sflag:$0x1] =	stream.strided.gather [hbm4b:s9+s1], $0x200, s0, s1, $0x38;
	[tilespmem:$0x3400] =	vst v63  }
0x1b: {  	s9 =	rddreg [dreg:$0x6];
	s10 =	simm.s32 $0x800  }
0x1c: {  	[tilespmem:s10], [sflag:$0x1] =	stream.strided.gather [hbm4b:s9+s1], $0x200, s0, s1, $0x38;
	[tilespmem:$0x3400] =	vst v63  }
0x1d: {  	s9 =	rddreg [dreg:$0x7];
	s10 =	simm.s32 $0xA00  }
0x1e: {  	[tilespmem:s10], [sflag:$0x1] =	stream.strided.gather [hbm4b:s9+s1], $0x200, s0, s1, $0x38;
	[tilespmem:$0x3400] =	vst v63  }
0x1f: {  	s9 =	rddreg [dreg:$0x8];
	s10 =	simm.s32 $0xC00  }
0x20: {  	[tilespmem:s10], [sflag:$0x1] =	stream.strided.gather [hbm4b:s9+s1], $0x200, s0, s1, $0x38;
	[tilespmem:$0x3400] =	vst v63  }
0x21: {  	s9 =	rddreg [dreg:$0x9];
	s10 =	simm.s32 $0xE00  }
0x22: {  	[tilespmem:s10], [sflag:$0x1] =	stream.strided.gather [hbm4b:s9+s1], $0x200, s0, s1, $0x38;
	[tilespmem:$0x3400] =	vst v63  }
0x23: {  	s8 =	simm.s32 $0x1000  }
0x24: {  	[tilespmem:s8], [sflag:$0x1] =	stream.strided.gather [hbm4b:s11+s1], $0x200, s0, s1, $0x38;
	[tilespmem:$0x3400] =	vst v63  }
0x25: {  	s9 =	simm.s32 $0x1200  }
0x26: {  	[tilespmem:s9], [sflag:$0x1] =	stream.strided.gather [hbm4b:s12+s1], $0x200, s0, s1, $0x38;
	[tilespmem:$0x3400] =	vst v63  }
0x27: {  	s10 =	simm.s32 $0x1400  }
0x28: {  	[tilespmem:s10], [sflag:$0x1] =	stream.strided.gather [hbm4b:s13+s1], $0x200, s0, s1, $0x38;
	[tilespmem:$0x3400] =	vst v63  }
0x29: {  	s8 =	simm.s32 $0x1600  }
0x2a: {  	[tilespmem:s8], [sflag:$0x1] =	stream.strided.gather [hbm4b:s14+s1], $0x200, s0, s1, $0x38;
	[tilespmem:$0x3400] =	vst v63  }
0x2b: {  	s9 =	simm.s32 $0x1800  }
0x2c: {  	[tilespmem:s9], [sflag:$0x1] =	stream.strided.gather [hbm4b:s15+s1], $0x200, s0, s1, $0x38;
	[tilespmem:$0x3400] =	vst v63  }
0x2d: {  	s10 =	simm.s32 $0x1A00  }
0x2e: {  	[tilespmem:s10], [sflag:$0x1] =	stream.strided.gather [hbm4b:s16+s1], $0x200, s0, s1, $0x38;
	[tilespmem:$0x3400] =	vst v63  }
0x2f: {  	s8 =	simm.s32 $0x1C00  }
0x30: {  	[tilespmem:s8], [sflag:$0x1] =	stream.strided.gather [hbm4b:s17+s1], $0x200, s0, s1, $0x38;
	[tilespmem:$0x3400] =	vst v63  }
0x31: {  	s9 =	simm.s32 $0x1E00  }
0x32: {  	[tilespmem:s9], [sflag:$0x1] =	stream.strided.gather [hbm4b:s18+s1], $0x200, s0, s1, $0x38;
	[tilespmem:$0x3400] =	vst v63  }
0x33: {  	s10 =	simm.s32 $0x2000  }
0x34: {  	[tilespmem:s10], [sflag:$0x1] =	stream.strided.gather [hbm4b:s19+s1], $0x200, s0, s1, $0x38;
	[tilespmem:$0x3400] =	vst v63  }
0x35: {  	s8 =	simm.s32 $0x2200  }
0x36: {  	[tilespmem:s8], [sflag:$0x1] =	stream.strided.gather [hbm4b:s20+s1], $0x200, s0, s1, $0x38;
	[tilespmem:$0x3400] =	vst v63  }
0x37: {  	s9 =	simm.s32 $0x2400  }
0x38: {  	[tilespmem:s9], [sflag:$0x1] =	stream.strided.gather [hbm4b:s21+s1], $0x200, s0, s1, $0x38;
	[tilespmem:$0x3400] =	vst v63  }
0x39: {  	s10 =	simm.s32 $0x2600  }
0x3a: {  	[tilespmem:s10], [sflag:$0x1] =	stream.strided.gather [hbm4b:s22+s1], $0x200, s0, s1, $0x38;
	[tilespmem:$0x3400] =	vst v63  }
0x3b: {  	s8 =	simm.s32 $0x2800  }
0x3c: {  	[tilespmem:s8], [sflag:$0x1] =	stream.strided.gather [hbm4b:s23+s1], $0x200, s0, s1, $0x38;
	[tilespmem:$0x3400] =	vst v63  }
0x3d: {  	s9 =	simm.s32 $0x2A00  }
0x3e: {  	[tilespmem:s9], [sflag:$0x1] =	stream.strided.gather [hbm4b:s26+s1], $0x200, s0, s1, $0x38;
	[tilespmem:$0x3400] =	vst v63  }
0x3f: {  	s10 =	simm.s32 $0x2C00  }
0x40: {  	[tilespmem:s10], [sflag:$0x1] =	stream.strided.gather [hbm4b:s28+s1], $0x200, s0, s1, $0x38;
	[tilespmem:$0x3400] =	vst v63  }
0x41: {  	s8 =	simm.s32 $0x2E00  }
0x42: {  	[tilespmem:s8], [sflag:$0x1] =	stream.strided.gather [hbm4b:s29+s1], $0x200, s0, s1, $0x38;
	[tilespmem:$0x3400] =	vst v63  }
0x43: {  	s9 =	simm.s32 $0x3000  }
0x44: {  	[tilespmem:s9], [sflag:$0x1] =	stream.strided.gather [hbm4b:s30+s1], $0x200, s0, s1, $0x38;
	[tilespmem:$0x3400] =	vst v63  }
0x45: {  	s10 =	simm.s32 $0x3200  }
0x46: {  	[tilespmem:s10], [sflag:$0x1] =	stream.strided.gather [hbm4b:s31+s1], $0x200, s0, s1, $0x38;
	[tilespmem:$0x3400] =	vst v63  }
0x47: {  	_ =	swait.ge [sflag:s4], $0x200  }
0x48: {  	[sflag:s4] =	ssyncset.done $0x0  }
0x49: {  	[sflag:s4] =	ssyncadd.s32 $0xFFFFFE00  }
0x4a: {  	_ =	swait.ge [sflag:s4], $0x200  }
0x4b: {  	[sflag:s4] =	ssyncset.done $0x0  }
0x4c: {  	[sflag:s4] =	ssyncadd.s32 $0xFFFFFE00  }
0x4d: {  	_ =	swait.ge [sflag:s4], $0x200  }
0x4e: {  	[sflag:s4] =	ssyncset.done $0x0  }
0x4f: {  	[sflag:s4] =	ssyncadd.s32 $0xFFFFFE00  }
0x50: {  	_ =	swait.ge [sflag:s4], $0x200  }
0x51: {  	[sflag:s4] =	ssyncset.done $0x0  }
0x52: {  	[sflag:s4] =	ssyncadd.s32 $0xFFFFFE00  }
0x53: {  	_ =	swait.ge [sflag:s4], $0x200  }
0x54: {  	[sflag:s4] =	ssyncset.done $0x0  }
0x55: {  	[sflag:s4] =	ssyncadd.s32 $0xFFFFFE00  }
0x56: {  	_ =	swait.ge [sflag:s4], $0x200  }
0x57: {  	[sflag:s4] =	ssyncset.done $0x0  }
0x58: {  	[sflag:s4] =	ssyncadd.s32 $0xFFFFFE00  }
0x59: {  	_ =	swait.ge [sflag:s4], $0x200  }
0x5a: {  	[sflag:s4] =	ssyncset.done $0x0  }
0x5b: {  	[sflag:s4] =	ssyncadd.s32 $0xFFFFFE00  }
0x5c: {  	_ =	swait.ge [sflag:s4], $0x200  }
0x5d: {  	[sflag:s4] =	ssyncset.done $0x0  }
0x5e: {  	[sflag:s4] =	ssyncadd.s32 $0xFFFFFE00  }
0x5f: {  	_ =	swait.ge [sflag:s4], $0x200  }
0x60: {  	[sflag:s4] =	ssyncset.done $0x0  }
0x61: {  	[sflag:s4] =	ssyncadd.s32 $0xFFFFFE00  }
0x62: {  	_ =	swait.ge [sflag:s4], $0x200  }
0x63: {  	[sflag:s4] =	ssyncset.done $0x0  }
0x64: {  	[sflag:s4] =	ssyncadd.s32 $0xFFFFFE00  }
0x65: {  	_ =	swait.ge [sflag:s4], $0x200  }
0x66: {  	[sflag:s4] =	ssyncset.done $0x0  }
0x67: {  	[sflag:s4] =	ssyncadd.s32 $0xFFFFFE00  }
0x68: {  	_ =	swait.ge [sflag:s4], $0x200  }
0x69: {  	[sflag:s4] =	ssyncset.done $0x0  }
0x6a: {  	[sflag:s4] =	ssyncadd.s32 $0xFFFFFE00  }
0x6b: {  	_ =	swait.ge [sflag:s4], $0x200  }
0x6c: {  	[sflag:s4] =	ssyncset.done $0x0  }
0x6d: {  	[sflag:s4] =	ssyncadd.s32 $0xFFFFFE00  }
0x6e: {  	_ =	swait.ge [sflag:s4], $0x200  }
0x6f: {  	[sflag:s4] =	ssyncset.done $0x0  }
0x70: {  	[sflag:s4] =	ssyncadd.s32 $0xFFFFFE00  }
0x71: {  	_ =	swait.ge [sflag:s4], $0x200  }
0x72: {  	[sflag:s4] =	ssyncset.done $0x0  }
0x73: {  	[sflag:s4] =	ssyncadd.s32 $0xFFFFFE00  }
0x74: {  	_ =	swait.ge [sflag:s4], $0x200  }
0x75: {  	[sflag:s4] =	ssyncset.done $0x0  }
0x76: {  	[sflag:s4] =	ssyncadd.s32 $0xFFFFFE00  }
0x77: {  	_ =	swait.ge [sflag:s4], $0x200  }
0x78: {  	[sflag:s4] =	ssyncset.done $0x0  }
0x79: {  	[sflag:s4] =	ssyncadd.s32 $0xFFFFFE00  }
0x7a: {  	_ =	swait.ge [sflag:s4], $0x200  }
0x7b: {  	[sflag:s4] =	ssyncset.done $0x0  }
0x7c: {  	[sflag:s4] =	ssyncadd.s32 $0xFFFFFE00  }
0x7d: {  	_ =	swait.ge [sflag:s4], $0x200  }
0x7e: {  	[sflag:s4] =	ssyncset.done $0x0  }
0x7f: {  	[sflag:s4] =	ssyncadd.s32 $0xFFFFFE00  }
0x80: {  	_ =	swait.ge [sflag:s4], $0x200  }
0x81: {  	[sflag:s4] =	ssyncset.done $0x0  }
0x82: {  	[sflag:s4] =	ssyncadd.s32 $0xFFFFFE00  }
0x83: {  	_ =	swait.ge [sflag:s4], $0x200  }
0x84: {  	[sflag:s4] =	ssyncset.done $0x0  }
0x85: {  	[sflag:s4] =	ssyncadd.s32 $0xFFFFFE00  }
0x86: {  	_ =	swait.ge [sflag:s4], $0x200  }
0x87: {  	[sflag:s4] =	ssyncset.done $0x0  }
0x88: {  	[sflag:s4] =	ssyncadd.s32 $0xFFFFFE00  }
0x89: {  	_ =	swait.ge [sflag:s4], $0x200  }
0x8a: {  	[sflag:s4] =	ssyncset.done $0x0  }
0x8b: {  	[sflag:s4] =	ssyncadd.s32 $0xFFFFFE00  }
0x8c: {  	_ =	swait.ge [sflag:s4], $0x200  }
0x8d: {  	[sflag:s4] =	ssyncset.done $0x0  }
0x8e: {  	[sflag:s4] =	ssyncadd.s32 $0xFFFFFE00  }
0x8f: {  	_ =	swait.ge [sflag:s4], $0x200  }
0x90: {  	[sflag:s4] =	ssyncset.done $0x0  }
0x91: {  	[sflag:s4] =	ssyncadd.s32 $0xFFFFFE00  }
0x92: {  	_ =	swait.ge [sflag:s4], $0x200  }
0x93: {  	[sflag:s4] =	ssyncset.done $0x0  }
0x94: {  	[sflag:s4] =	ssyncadd.s32 $0xFFFFFE00  }
0x95: {  	s7 =	simm.s32 $0x0;
	s8 =	simm.s32 $0x1;
	s9 =	simm.s32 $0x0;
	v0 =	vld [tilespmem:s2+$0x0]  }
.LBB2_2:
0x96: {  	p0 =	sne.s32 s8, $0x33F;
	s10 =	sshrl.u32 s9, $0x5  }
0x97: {  	s9 =	smov.u32 s8;
	s10 =	smul.u32 $0x186A0, s10  }
.Ltmp0:
0x98: {  	(pc) =	sbr.rel @p0 .LBB2_2-.Ltmp0, $4  }
0x99: {  	_ = 	snop  }
0x9a: {  	v0 =	vadd.s32 s10, v0  }
0x9b: {  	[tilespmem:s7+$0x0] =	vst v0;
	s7 =	sadd.s32 $0x10, s7  }
0x9c: {  	s8 =	sadd.s32 $0x1, s8;
	v0 =	vld [tilespmem:s7+$0x0]  }
0x9d: {  	_ = 	snop  }
0x9e: {  	s8 =	sshrl.u32 s9, $0x5  }
0x9f: {  	s8 =	smul.u32 $0x186A0, s8  }
0xa0: {  	s6 =	sadd.s32 $0x1, s6  }
0xa1: {  	p0 =	sne.s32 s6, s25;
	v0 =	vadd.s32 s8, v0  }
.Ltmp1:
0xa2: {  	[tilespmem:s7+$0x0] =	vst v0;
	(pc) =	sbr.rel @p0 .LBB2_1-.Ltmp1, $4  }
0xa3: {  	[hbm4b:s24+s2] =	stream.linear.scatter [tilespmem:s2], [sflag:$0x2], $0x3400, $0x38;
	[tilespmem:$0x3400] =	vst v63  }
0xa4: {  	_ =	swait.ge [sflag:s5], $0x3400  }
0xa5: {  	[sflag:s5] =	ssyncset.done $0x0  }
0xa6: {  	[sflag:s5] =	ssyncadd.s32 $0xFFFFCC00  }
0xa7: {  	_ =	sfence.sel $0x180000  }
0xa8: {  	[bflag:$0x0] =	sbarrier.arrive $0xFFFF  }
0xa9: {  	_ =	strace $0x90000047  }
0xaa: {  	s0 =	stileid.u32;
	[bflag:$0x2] =	sbarrier.arrive $0xFFFF  }
0xab: {  	p0 =	sne.s32 s0, $0x0;
	s0 =	rddreg [dreg:$0x2]  }
0xac: {  	s0 =	sadd.s32 @!p0 $0x100000, s0  }
0xad: {  	[sflag:s0] =	ssyncadd.tile.s32 @!p0 $0x1;
	_ =	shalt  }
.Lfunc_end2:
_tile_overlayer_lowered:
.L_overlay_start_2:
0xae: {  	(tag) =	ssettag $0x2  }
0xaf: {  	s0 =	rddreg [dreg:$0x0];
	s2 =	stileid.u32  }
0xb0: {  	s1 =	rddreg [dreg:$0x1];
	p0 =	sne.s32 s2, $0x0  }
0xb1: {  	s3 =	rddreg [dreg:$0x2];
	[bflag:$0x3] =	sbarrier.arrive $0xFFFF;
	s2 =	simm.s32 @!p0 $0x1C02  }
0xb2: {  	[timem:s3], [sflag:s2] =	dma.local @!p0 [hbm:s0], s1  }
0xb3: {  	s0 =	simm.s32 @!p0 $0x2  }
0xb4: {  	_ =	swait.ge @!p0 [sflag:s0], s1  }
0xb5: {  	s1 =	ssub.s32 @!p0 $0x0, s1;
	[sflag:s0] =	ssyncset.done @!p0 $0x0  }
0xb6: {  	[sflag:s0] =	ssyncadd.s32 @!p0 s1  }
0xb7: {  	[bflag:$0x3] =	sbarrier.arrive $0xFFFF  }
0xb8: {  	_ =	shalt  }

// kernel: kernel.7.cloned.1.call-start
scs
__scs_entry_jumppad:
0x0: {  	(pc) =	sbr.rel $0x88, $3  }
0x1: {  	(tag) =	ssettag $0x0;
	lr =	simm.s32 $0x1  }
0x2: {  	[smem:$0x3F9E] =	sst lr;
	_ =	strace $0xD0000000  }
0x3: {  	_ = 	snop  }
0x4: {  	_ = 	snop  }
0x5: {  	_ = 	snop  }
0x6: {  	_ = 	snop  }
0x7: {  	_ = 	snop  }
__scs_overlays_trampoline_lowered:
0x8: {  	[smem:$0x3FAD] =	sst s0  }
0x9: {  	[smem:$0x3FAE] =	sst s1  }
0xa: {  	[smem:$0x3FAF] =	sst s2  }
0xb: {  	[smem:$0x3FB0] =	sst s3  }
0xc: {  	[smem:$0x3FB1] =	sst s4  }
0xd: {  	[smem:$0x3FB2] =	sst s5  }
0xe: {  	[smem:$0x3FB3] =	sst s6  }
0xf: {  	[smem:$0x3FB4] =	sst s7  }
0x10: {  	[smem:$0x3FB5] =	sst s8  }
0x11: {  	[smem:$0x3FB6] =	sst s9;
	s0 =	simm.s32 @!p0 $0x0  }
0x12: {  	s1 =	sld [smem:$0x3F9C];
	s0 =	simm.s32 @p0 $0x1  }
0x13: {  	[smem:$0x3FB7] =	sst s0;
	s0 =	simm.s32 @!p1 $0x0  }
0x14: {  	s2 =	sld [smem:$0x3F9B];
	s0 =	simm.s32 @p1 $0x1  }
0x15: {  	[smem:$0x3FB8] =	sst s0;
	s0 =	simm.s32 @!p2 $0x0  }
0x16: {  	s3 =	sld [smem:$0x3FDB];
	s0 =	simm.s32 @p2 $0x1  }
0x17: {  	s4 =	simm.s32 $0x1BF5;
	[smem:$0x3FBA] =	sst s0  }
0x18: {  	s0 =	sld [smem:$0x3F9D];
	_ =	swait.ge [sflag:s4], $0x0  }
0x19: {  	s7 =	sld [smem:$0x3F9E]  }
0x1a: {  	s8 =	sadd.s32 $0xFFFFE003, lr  }
0x1b: {  	s9 =	sadd.s32 $0xFFFFFEF7, lr;
	s5 =	simm.s32 $0xFFFFFFFF;
	p2 =	slt.u32 s8, $0xFFFFF086  }
0x1c: {  	p1 =	slt.u32 s9, $0xF7A;
	s5 =	simm.s32 @!p2 $0x0  }
0x1d: {  	s5 =	simm.s32 @p1 $0x1;
	p0 =	seq.s32 s7, s2  }
0x1e: {  	s7 =	smul.u32 @!p0 $0xF7A, s2;
	p2 =	seq.s32 @!p0 s5, $0x0  }
0x1f: {  	s9 =	smul.u32 $0xF7A, s1;
	s8 =	simm.s32 @!p0 $0x1BF5;
	p2 =	por !p2, p0  }
0x20: {  	[sflag:s8] =	ssyncset.s32 @!p0 $0xFFFFF086;
	s6 =	sadd.s32 @!p0 s3, s7;
	s7 =	simm.s32 @!p0 $0x108  }
0x21: {  	s3 =	sadd.s32 s3, s9;
	s6 =	sadd.s32 @!p0 $0x88, s6;
	s7 =	simm.s32 @p2 $0x1082  }
0x22: {  	[simem:s7], [sflag:s8] =	dma.local @!p0 [hbm:s6], $0xF7A  }
0x23: {  	s9 =	sor.u32 $0xD0000000, s2;
	s6 =	simm.s32 $0x108;
	_ =	swait.ge @!p0 [sflag:s8], $0x0  }
0x24: {  	s3 =	sadd.s32 $0x88, s3;
	s6 =	simm.s32 @!p1 $0x1082;
	[sflag:s4] =	ssyncset.s32 $0xFFFFF086  }
0x25: {  	[simem:s6], [sflag:s4] =	dma.local [hbm:s3], $0xF7A  }
0x26: {  	[smem:$0x3F9E] =	sst s1;
	(tag) =	ssettag s2;
	_ =	strace s9  }
0x27: {  	s1 =	sld [smem:$0x3FAE]  }
0x28: {  	s2 =	sld [smem:$0x3FAF]  }
0x29: {  	s4 =	sld [smem:$0x3FB1]  }
0x2a: {  	p0 =	seq.s32 s5, $0x0;
	s5 =	sld [smem:$0x3FB2]  }
0x2b: {  	s6 =	sld [smem:$0x3FB3]  }
0x2c: {  	s7 =	sld [smem:$0x3FB4]  }
0x2d: {  	s3 =	simm.s32 $0x108;
	s8 =	sld [smem:$0x3FB5]  }
0x2e: {  	s3 =	simm.s32 @!p0 $0x1082;
	s9 =	sld [smem:$0x3FB6]  }
0x2f: {  	lr =	sadd.s32 s0, s3;
	s0 =	sld [smem:$0x3FAD]  }
0x30: {  	s3 =	sld [smem:$0x3FB0]  }
0x31: {  	[smem:$0x3FB9] =	sst s10  }
0x32: {  	s10 =	sld [smem:$0x3FB7];
	_ =	sdelay $0x3  }
0x33: {  	p0 =	seq.s32 s10, $0x1;
	s10 =	sld [smem:$0x3FB9];
	_ =	sdelay $0x3  }
0x34: {  	[smem:$0x3FB9] =	sst s10  }
0x35: {  	s10 =	sld [smem:$0x3FB8];
	_ =	sdelay $0x3  }
0x36: {  	p1 =	seq.s32 s10, $0x1;
	s10 =	sld [smem:$0x3FB9];
	_ =	sdelay $0x3  }
0x37: {  	[smem:$0x3FB9] =	sst s10  }
0x38: {  	s10 =	sld [smem:$0x3FBA]  }
0x39: {  	_ = 	snop;
	(pc) =	sbr.ind lr, $3  }
0x3a: {  	_ = 	snop  }
0x3b: {  	_ = 	snop  }
0x3c: {  	p2 =	seq.s32 s10, $0x1;
	s10 =	sld [smem:$0x3FB9]  }
0x3d: {  	_ =	shalt  }
0x3e: {  	_ =	shalt  }
0x3f: {  	_ =	shalt  }
0x40: {  	_ =	shalt  }
0x41: {  	_ =	shalt  }
0x42: {  	_ =	shalt  }
0x43: {  	_ =	shalt  }
0x44: {  	_ =	shalt  }
0x45: {  	_ =	shalt  }
0x46: {  	_ =	shalt  }
0x47: {  	_ =	shalt  }
0x48: {  	_ =	shalt  }
0x49: {  	_ =	shalt  }
0x4a: {  	_ =	shalt  }
0x4b: {  	_ =	shalt  }
0x4c: {  	_ =	shalt  }
0x4d: {  	_ =	shalt  }
0x4e: {  	_ =	shalt  }
0x4f: {  	_ =	shalt  }
0x50: {  	_ =	shalt  }
0x51: {  	_ =	shalt  }
0x52: {  	_ =	shalt  }
0x53: {  	_ =	shalt  }
0x54: {  	_ =	shalt  }
0x55: {  	_ =	shalt  }
0x56: {  	_ =	shalt  }
0x57: {  	_ =	shalt  }
0x58: {  	_ =	shalt  }
0x59: {  	_ =	shalt  }
0x5a: {  	_ =	shalt  }
0x5b: {  	_ =	shalt  }
0x5c: {  	_ =	shalt  }
0x5d: {  	_ =	shalt  }
0x5e: {  	_ =	shalt  }
0x5f: {  	_ =	shalt  }
0x60: {  	_ =	shalt  }
0x61: {  	_ =	shalt  }
0x62: {  	_ =	shalt  }
0x63: {  	_ =	shalt  }
0x64: {  	_ =	shalt  }
0x65: {  	_ =	shalt  }
0x66: {  	_ =	shalt  }
0x67: {  	_ =	shalt  }
0x68: {  	_ =	shalt  }
0x69: {  	_ =	shalt  }
0x6a: {  	_ =	shalt  }
0x6b: {  	_ =	shalt  }
0x6c: {  	_ =	shalt  }
0x6d: {  	_ =	shalt  }
0x6e: {  	_ =	shalt  }
0x6f: {  	_ =	shalt  }
0x70: {  	_ =	shalt  }
0x71: {  	_ =	shalt  }
0x72: {  	_ =	shalt  }
0x73: {  	_ =	shalt  }
0x74: {  	_ =	shalt  }
0x75: {  	_ =	shalt  }
0x76: {  	_ =	shalt  }
0x77: {  	_ =	shalt  }
0x78: {  	_ =	shalt  }
0x79: {  	_ =	shalt  }
0x7a: {  	_ =	shalt  }
0x7b: {  	_ =	shalt  }
0x7c: {  	_ =	shalt  }
0x7d: {  	_ =	shalt  }
0x7e: {  	_ =	shalt  }
0x7f: {  	_ =	shalt  }
0x80: {  	_ =	shalt  }
0x81: {  	_ =	shalt  }
0x82: {  	_ =	shalt  }
0x83: {  	_ =	shalt  }
0x84: {  	_ =	shalt  }
0x85: {  	_ =	shalt  }
0x86: {  	_ =	shalt  }
0x87: {  	_ =	shalt  }
.Lfunc_end0:
.L_simem_size_0:
called_computation.1_lowered:
.L_overlay_start_0:
0x88: {  	s2 =	sld [smem:$0x3FD9]  }
0x89: {  	s3 =	sld [smem:$0x3FFE];
	_ =	sdelay $0x1  }
0x8a: {  	s1 =	srdreg.scid  }
0x8b: {  	s0 =	sand.u32 $0x1, s1  }
0x8c: {  	s17 =	sshll.u32 s0, $0xA;
	s2 =	sadd.s32 s3, s2  }
0x8d: {  	s2 =	sadd.s32 s2, s17  }
0x8e: {  	[smem:$0x3FC5] =	sst s2  }
0x8f: {  	_ = 	snop  }
0x90: {  	s2 =	sld [smem:$0x3FC7]  }
0x91: {  	s18 =	sld [smem:$0x3FD0];
	(tm) =	ssettm $0x1  }
0x92: {  	s4 =	sld [smem:$0x3FFB];
	_ =	sdelay $0x3  }
0x93: {  	_ =	strace s4  }
0x94: {  	s4 =	sld [smem:$0x3FFC];
	_ =	sdelay $0x3  }
0x95: {  	_ =	strace s4  }
0x96: {  	s4 =	sld [smem:$0x3FFD];
	_ =	sdelay $0x3  }
0x97: {  	_ =	strace s4  }
0x98: {  	_ =	strace $0x8FFFFFFF  }
0x99: {  	s19 =	sld [smem:$0x3FDB];
	_ =	sdelay $0x1  }
0x9a: {  	s5 =	simm.s32 $_scs_section_size  }
0x9b: {  	s6 =	simm.s32 $_size__tile_overlayer_lowered;
	s7 =	simm.s32 $_tile_overlayer_lowered  }
0x9c: {  	s22 =	simm.s32 $0x1BFF;
	s21 =	sshll.u32 s7, $0x1;
	s4 =	sadd.s32 s5, s19  }
0x9d: {  	s8 =	simm.s32 $0x0;
	s20 =	sshll.u32 s6, $0x1;
	s6 =	sadd.s32 s21, s4  }
0x9e: {  	[timem:s8], [sflag:s22] =	dma.local [hbm:s6], s20  }
0x9f: {  	_ =	swait.ge [sflag:s22], s20  }
0xa0: {  	s5 =	ssub.s32 $0x0, s20;
	[sflag:s22] =	ssyncset.done $0x0  }
0xa1: {  	[sflag:s22] =	ssyncadd.s32 s5;
	_ =	sdelay $0x1  }
0xa2: {  	s23 =	simm.s32 $0x1B8B  }
0xa3: {  	_ =	swait.ge [sflag:s23], $0x1  }
0xa4: {  	[sflag:s23] =	ssyncset.done $0x0  }
0xa5: {  	s25 =	simm.s32 $0x1B8E;
	s24 =	sld [smem:$0x3FFE];
	[sflag:s23] =	ssyncadd.s32 $0xFFFFFFFF  }
0xa6: {  	s26 =	simm.s32 $execute0_lowered;
	[smem:$0x3FD2] =	sst s25  }
0xa7: {  	s6 =	sshll.u32 s26, $0x1;
	_ =	strace $0x80000049;
	[dreg:$0x1] =	wrdreg $0xFFFFFFFF  }
0xa8: {  	s28 =	simm.s32 $_size_execute0_lowered;
	s4 =	sadd.s32 s4, s6;
	[dreg:$0x0] =	wrdreg $0x0  }
0xa9: {  	s6 =	sshll.u32 s28, $0x1;
	[dreg:$0x2] =	wrdreg s4  }
0xaa: {  	[dreg:$0x3] =	wrdreg s6  }
0xab: {  	[dreg:$0x4] =	wrdreg $0xC0  }
0xac: {  	_ =	task [dreg:s8], $0x5FFFF  }
0xad: {  	[dreg:$0x1] =	wrdreg $0xFFFFFFFF  }
0xae: {  	[dreg:$0x0] =	wrdreg $0x60  }
0xaf: {  	[dreg:$0x2] =	wrdreg s24  }
0xb0: {  	[dreg:$0x3] =	wrdreg s2  }
0xb1: {  	[dreg:$0x4] =	wrdreg s18  }
0xb2: {  	[dreg:$0x5] =	wrdreg $0x9  }
0xb3: {  	_ =	task.clear_ibuf [dreg:s8], $0x6FFFF;
	_ =	strace $0x90000049  }
0xb4: {  	s29 =	simm.s32 $0x9;
	_ =	strace $0x8000004B  }
0xb5: {  	_ =	swait.ge [sflag:s29], $0x1  }
0xb6: {  	[sflag:s29] =	ssyncadd.s32 $0xFFFFFFFF  }
0xb7: {  	_ =	strace $0x9000004B  }
0xb8: {  	_ =	sfence  }
0xb9: {  	s30 =	sld [smem:$0x0];
	_ =	sdelay $0x2  }
0xba: {  	s31 =	sshll.u32 s1, $0xD;
	s1 =	sshrl.u32 s1, $0x2  }
0xbb: {  	s3 =	sand.u32 $0x4000, s31;
	s1 =	sadd.s32 s1, s30  }
0xbc: {  	s0 =	sor.u32 s3, s0;
	s1 =	sshll.u32 s1, $0x11  }
0xbd: {  	s0 =	sor.u32 s1, s0  }
0xbe: {  	s0 =	sadd.s32 $0x8F2B, s0  }
0xbf: {  	[sflag:s0] =	ssyncadd.remote.s32 $0x1  }
0xc0: {  	_ =	sfence.sel $0xFFFF  }
0xc1: {  	[dreg:$0x0] =	wrdreg $0xFFFFFFFF;
	(pc) =	sbr.abs _section_cstart, $3  }
0xc2: {  	[dreg:$0x1] =	wrdreg $0xFFFFFFFF  }
0xc3: {  	_ =	task.clear_ibuf [dreg:s8], $0x2FFFF;
	_ =	strace $0x9FFFFFFF  }
0xc4: {  	(tm) =	ssettm $0x7FFFFFFF  }
0xc5: {  	_ =	shalt  }
tec
execute0_lowered:
.L_overlay_start_1:
0x0: {  	(tag) =	ssettag $0x1  }
0x1: {  	s0 =	srdreg.scid;
	s2 =	stileid.u32  }
0x2: {  	s1 =	rddreg [dreg:$0x0];
	s0 =	sand.u32 $0x1, s0;
	s2 =	sshll.u32 s2, $0x1  }
0x3: {  	s5 =	rddreg [dreg:$0x2];
	s2 =	sor.u32 s0, s2  }
0x4: {  	s3 =	simm.s32 $0x0;
	s0 =	ssub.s32 $0x2, s0;
	s4 =	smul.u32 $0x3400, s2  }
0x5: {  	[smem:$0x7FF] =	sst s3;
	s7 =	sshrl.u32 s0, $0x1  }
0x6: {  	_ =	strace $0x8000004A;
	s0 =	ssub.s32 s0, s7;
	s4 =	sshrl.u32 s4, $0x3  }
0x7: {  	s26 =	sshll.u32 s2, $0x6;
	s0 =	smax.u32 s0, $0x1;
	s6 =	sadd.s32 s4, s1  }
0x8: {  	s4 =	sadd.s32 $0xDA00, s1;
	s1 =	sadd.s32 s5, s26;
	[dreg:$0x12] =	wrdreg s0  }
0x9: {  	s14 =	sadd.s32 $0xA00, s6;
	[dreg:$0x11] =	wrdreg s1  }
0xa: {  	s15 =	sadd.s32 $0xA80, s6;
	[dreg:$0x4] =	wrdreg s14  }
0xb: {  	s16 =	sadd.s32 $0xB00, s6;
	[dreg:$0x5] =	wrdreg s15  }
0xc: {  	s8 =	simm.s32 $0x4;
	s17 =	sadd.s32 $0xB80, s6;
	[dreg:$0x6] =	wrdreg s16  }
0xd: {  	s9 =	simm.s32 $0x5;
	s18 =	sadd.s32 $0xC00, s6;
	[dreg:$0x7] =	wrdreg s17  }
0xe: {  	s10 =	simm.s32 $0x6;
	s19 =	sadd.s32 $0xC80, s6;
	[dreg:$0x8] =	wrdreg s18  }
0xf: {  	s11 =	simm.s32 $0x7;
	s20 =	sadd.s32 $0xD00, s6;
	[dreg:$0x9] =	wrdreg s19  }
0x10: {  	s12 =	simm.s32 $0x8;
	s21 =	sadd.s32 $0xD80, s6;
	[dreg:$0xa] =	wrdreg s20  }
0x11: {  	s13 =	simm.s32 $0xA;
	s22 =	sadd.s32 $0xE00, s6;
	[dreg:$0xb] =	wrdreg s21  }
0x12: {  	s29 =	simm.s32 $0x1800;
	s23 =	sadd.s32 $0xE80, s6;
	[dreg:$0xc] =	wrdreg s22  }
0x13: {  	s30 =	simm.s32 $0x2000;
	s24 =	sadd.s32 $0xF00, s6;
	[dreg:$0xd] =	wrdreg s23  }
0x14: {  	s31 =	simm.s32 $0x2400;
	s25 =	sadd.s32 $0xF80, s6;
	[dreg:$0xe] =	wrdreg s24  }
0x15: {  	s2 =	simm.s32 $0xF;
	s28 =	sadd.s32 $0x1000, s6;
	[dreg:$0xf] =	wrdreg s25  }
0x16: {  	s5 =	simm.s32 $0x1;
	s6 =	simm.s32 $0x6A00;
	[dreg:$0x10] =	wrdreg s28  }
0x17: {  	s20 =	simm.s32 $0x400;
	s21 =	simm.s32 $0x9;
	s22 =	simm.s32 $0xB  }
0x18: {  	s14 =	simm.s32 $0xC;
	s23 =	simm.s32 $0xD;
	s15 =	simm.s32 $0xE  }
0x19: {  	s16 =	simm.s32 $0x0;
	s19 =	simm.s32 $0x1C00;
	s24 =	simm.s32 $0x3000  }
.LBB2_1:
0x1a: {  	s17 =	rddreg [dreg:$0x4]  }
0x1b: {  	[tilespmem:s3], [sflag:$0x1] =	stream.linear.gather [hbm4b:s17+s3], $0x400, $0x38;
	[tilespmem:$0x6A80] =	vst v63  }
0x1c: {  	s18 =	rddreg [dreg:$0x5]  }
0x1d: {  	[tilespmem:s20], [sflag:$0x1] =	stream.linear.gather [hbm4b:s18+s3], $0x400, $0x38;
	[tilespmem:$0x6A80] =	vst v63  }
0x1e: {  	s25 =	rddreg [dreg:$0x6];
	s18 =	simm.s32 $0x800  }
0x1f: {  	[tilespmem:s18], [sflag:$0x1] =	stream.linear.gather [hbm4b:s25+s3], $0x400, $0x38;
	[tilespmem:$0x6A80] =	vst v63  }
0x20: {  	s26 =	rddreg [dreg:$0x7];
	s25 =	simm.s32 $0xC00  }
0x21: {  	[tilespmem:s25], [sflag:$0x1] =	stream.linear.gather [hbm4b:s26+s3], $0x400, $0x38;
	[tilespmem:$0x6A80] =	vst v63  }
0x22: {  	s0 =	rddreg [dreg:$0x8];
	s26 =	simm.s32 $0x1000  }
0x23: {  	[tilespmem:s26], [sflag:$0x1] =	stream.linear.gather [hbm4b:s0+s3], $0x400, $0x38;
	[tilespmem:$0x6A80] =	vst v63  }
0x24: {  	s1 =	rddreg [dreg:$0x9];
	s28 =	simm.s32 $0x1400  }
0x25: {  	[tilespmem:s28], [sflag:$0x1] =	stream.linear.gather [hbm4b:s1+s3], $0x400, $0x38;
	[tilespmem:$0x6A80] =	vst v63  }
0x26: {  	s7 =	rddreg [dreg:$0xa]  }
0x27: {  	[tilespmem:s29], [sflag:$0x1] =	stream.linear.gather [hbm4b:s7+s3], $0x400, $0x38;
	[tilespmem:$0x6A80] =	vst v63  }
0x28: {  	s0 =	rddreg [dreg:$0xb]  }
0x29: {  	[tilespmem:s19], [sflag:$0x1] =	stream.linear.gather [hbm4b:s0+s3], $0x400, $0x38;
	[tilespmem:$0x6A80] =	vst v63  }
0x2a: {  	s1 =	rddreg [dreg:$0xc]  }
0x2b: {  	[tilespmem:s30], [sflag:$0x1] =	stream.linear.gather [hbm4b:s1+s3], $0x400, $0x38;
	[tilespmem:$0x6A80] =	vst v63  }
0x2c: {  	s7 =	rddreg [dreg:$0xd]  }
0x2d: {  	[tilespmem:s31], [sflag:$0x1] =	stream.linear.gather [hbm4b:s7+s3], $0x400, $0x38;
	[tilespmem:$0x6A80] =	vst v63  }
0x2e: {  	s0 =	rddreg [dreg:$0xe];
	s1 =	simm.s32 $0x2800  }
0x2f: {  	[tilespmem:s1], [sflag:$0x1] =	stream.linear.gather [hbm4b:s0+s3], $0x400, $0x38;
	[tilespmem:$0x6A80] =	vst v63  }
0x30: {  	s7 =	rddreg [dreg:$0xf];
	s0 =	simm.s32 $0x2C00  }
0x31: {  	[tilespmem:s0], [sflag:$0x1] =	stream.linear.gather [hbm4b:s7+s3], $0x400, $0x38;
	[tilespmem:$0x6A80] =	vst v63  }
0x32: {  	s7 =	rddreg [dreg:$0x10]  }
0x33: {  	[tilespmem:s24], [sflag:$0x1] =	stream.linear.gather [hbm4b:s7+s3], $0x400, $0x38;
	[tilespmem:$0x6A80] =	vst v63  }
0x34: {  	s7 =	rddreg [dreg:$0x1]  }
0x35: {  	[tilespmem:s6], [sflag:$0xF] =	stream.linear.gather [hbm4b:s7+s3], $0x80, $0x38;
	[tilespmem:$0x6A80] =	vst v63  }
0x36: {  	_ =	swait.ge [sflag:s2], $0x80  }
0x37: {  	[sflag:s2] =	ssyncset.done $0x0  }
0x38: {  	[sflag:s2] =	ssyncadd.s32 $0xFFFFFF80  }
0x39: {  	_ =	swait.ge [sflag:s5], $0x400  }
0x3a: {  	[sflag:s5] =	ssyncset.done $0x0  }
0x3b: {  	s17 =	simm.s32 $0x3400;
	[sflag:s5] =	ssyncadd.s32 $0xFFFFFC00  }
0x3c: {  	[tilespmem:s17], [sflag:$0x2] =	stream.indirect.gather [hbm4b:s4+s20], $0x1, s3, s20, $0xb8;
	[tilespmem:$0x6A80] =	vst v63  }
0x3d: {  	_ =	swait.ge [sflag:s5], $0x400  }
0x3e: {  	[sflag:s5] =	ssyncset.done $0x0  }
0x3f: {  	s7 =	simm.s32 $0x3800;
	[sflag:s5] =	ssyncadd.s32 $0xFFFFFC00  }
0x40: {  	[tilespmem:s7], [sflag:$0x3] =	stream.indirect.gather [hbm4b:s4+s20], $0x1, s20, s20, $0xb8;
	[tilespmem:$0x6A80] =	vst v63  }
0x41: {  	_ =	swait.ge [sflag:s5], $0x400  }
0x42: {  	[sflag:s5] =	ssyncset.done $0x0  }
0x43: {  	s7 =	simm.s32 $0x3C00;
	[sflag:s5] =	ssyncadd.s32 $0xFFFFFC00  }
0x44: {  	[tilespmem:s7], [sflag:$0x4] =	stream.indirect.gather [hbm4b:s4+s20], $0x1, s18, s20, $0xb8;
	[tilespmem:$0x6A80] =	vst v63  }
0x45: {  	_ =	swait.ge [sflag:s5], $0x400  }
0x46: {  	[sflag:s5] =	ssyncset.done $0x0  }
0x47: {  	s18 =	simm.s32 $0x4000;
	[sflag:s5] =	ssyncadd.s32 $0xFFFFFC00  }
0x48: {  	[tilespmem:s18], [sflag:$0x5] =	stream.indirect.gather [hbm4b:s4+s20], $0x1, s25, s20, $0xb8;
	[tilespmem:$0x6A80] =	vst v63  }
0x49: {  	_ =	swait.ge [sflag:s5], $0x400  }
0x4a: {  	[sflag:s5] =	ssyncset.done $0x0  }
0x4b: {  	s25 =	simm.s32 $0x4400;
	[sflag:s5] =	ssyncadd.s32 $0xFFFFFC00  }
0x4c: {  	[tilespmem:s25], [sflag:$0x6] =	stream.indirect.gather [hbm4b:s4+s20], $0x1, s26, s20, $0xb8;
	[tilespmem:$0x6A80] =	vst v63  }
0x4d: {  	_ =	swait.ge [sflag:s5], $0x400  }
0x4e: {  	[sflag:s5] =	ssyncset.done $0x0  }
0x4f: {  	s18 =	simm.s32 $0x4800;
	[sflag:s5] =	ssyncadd.s32 $0xFFFFFC00  }
0x50: {  	[tilespmem:s18], [sflag:$0x7] =	stream.indirect.gather [hbm4b:s4+s20], $0x1, s28, s20, $0xb8;
	[tilespmem:$0x6A80] =	vst v63  }
0x51: {  	_ =	swait.ge [sflag:s5], $0x400  }
0x52: {  	[sflag:s5] =	ssyncset.done $0x0  }
0x53: {  	s25 =	simm.s32 $0x4C00;
	[sflag:s5] =	ssyncadd.s32 $0xFFFFFC00  }
0x54: {  	[tilespmem:s25], [sflag:$0x8] =	stream.indirect.gather [hbm4b:s4+s20], $0x1, s29, s20, $0xb8;
	[tilespmem:$0x6A80] =	vst v63  }
0x55: {  	_ =	swait.ge [sflag:s5], $0x400  }
0x56: {  	[sflag:s5] =	ssyncset.done $0x0  }
0x57: {  	s26 =	simm.s32 $0x5000;
	[sflag:s5] =	ssyncadd.s32 $0xFFFFFC00  }
0x58: {  	[tilespmem:s26], [sflag:$0x9] =	stream.indirect.gather [hbm4b:s4+s20], $0x1, s19, s20, $0xb8;
	[tilespmem:$0x6A80] =	vst v63  }
0x59: {  	_ =	swait.ge [sflag:s5], $0x400  }
0x5a: {  	[sflag:s5] =	ssyncset.done $0x0  }
0x5b: {  	s18 =	simm.s32 $0x5400;
	[sflag:s5] =	ssyncadd.s32 $0xFFFFFC00  }
0x5c: {  	[tilespmem:s18], [sflag:$0xA] =	stream.indirect.gather [hbm4b:s4+s20], $0x1, s30, s20, $0xb8;
	[tilespmem:$0x6A80] =	vst v63  }
0x5d: {  	_ =	swait.ge [sflag:s5], $0x400  }
0x5e: {  	[sflag:s5] =	ssyncset.done $0x0  }
0x5f: {  	s25 =	simm.s32 $0x5800;
	[sflag:s5] =	ssyncadd.s32 $0xFFFFFC00  }
0x60: {  	[tilespmem:s25], [sflag:$0xB] =	stream.indirect.gather [hbm4b:s4+s20], $0x1, s31, s20, $0xb8;
	[tilespmem:$0x6A80] =	vst v63  }
0x61: {  	_ =	swait.ge [sflag:s5], $0x400  }
0x62: {  	[sflag:s5] =	ssyncset.done $0x0  }
0x63: {  	s26 =	simm.s32 $0x5C00;
	[sflag:s5] =	ssyncadd.s32 $0xFFFFFC00  }
0x64: {  	[tilespmem:s26], [sflag:$0xC] =	stream.indirect.gather [hbm4b:s4+s20], $0x1, s1, s20, $0xb8;
	[tilespmem:$0x6A80] =	vst v63  }
0x65: {  	_ =	swait.ge [sflag:s5], $0x400  }
0x66: {  	[sflag:s5] =	ssyncset.done $0x0  }
0x67: {  	s7 =	simm.s32 $0x6000;
	[sflag:s5] =	ssyncadd.s32 $0xFFFFFC00  }
0x68: {  	[tilespmem:s7], [sflag:$0xD] =	stream.indirect.gather [hbm4b:s4+s20], $0x1, s0, s20, $0xb8;
	[tilespmem:$0x6A80] =	vst v63  }
0x69: {  	_ =	swait.ge [sflag:s5], $0x400  }
0x6a: {  	[sflag:s5] =	ssyncset.done $0x0  }
0x6b: {  	s18 =	simm.s32 $0x6400;
	s25 =	simm.s32 $0x2;
	[sflag:s5] =	ssyncadd.s32 $0xFFFFFC00  }
0x6c: {  	[tilespmem:s18], [sflag:$0xE] =	stream.indirect.gather [hbm4b:s4+s20], $0x1, s24, s20, $0xb8;
	[tilespmem:$0x6A80] =	vst v63  }
0x6d: {  	v0 =	vld.msk [tilespmem:s6+$0x0], $0xffff;
	_ =	swait.ge [sflag:s25], $0x400  }
0x6e: {  	[sflag:s25] =	ssyncset.done $0x0  }
0x6f: {  	[sflag:s25] =	ssyncadd.s32 $0xFFFFFC00  }
0x70: {  	v1 =	vld [tilespmem:s17+$0x0]  }
0x71: {  	s26 =	sand.u32 $0x1F0, s3  }
0x72: {  	v2 =	vld [tilespmem:s26+$0x3600];
	_ =	sdelay $0x2  }
0x73: {  	v1 =	vadd.f32 v1, v0;
	_ =	sdelay $0x1  }
0x74: {  	v1 =	vadd.f32 v2, v1  }
0x75: {  	s1 =	simm.s32 $0x6800  }
0x76: {  	s26 =	simm.s32 $0x3410;
	[tilespmem:s1+$0x0] =	vst v1  }
0x77: {  	s28 =	simm.s32 $0x20;
	s25 =	simm.s32 $0x6800;
	s17 =	simm.s32 $0x10;
	v1 =	vld [tilespmem:s26+$0x0]  }
.LBB2_2:
0x78: {  	p0 =	sne.s32 s28, $0x1F0;
	s18 =	sand.u32 $0x1F0, s17;
	s17 =	smov.u32 s28  }
0x79: {  	v2 =	vld [tilespmem:s18+$0x3600];
	_ =	sdelay $0x2  }
0x7a: {  	v1 =	vadd.f32 v1, v0  }
.Ltmp0:
0x7b: {  	(pc) =	sbr.rel @p0 .LBB2_2-.Ltmp0, $4  }
0x7c: {  	v1 =	vadd.f32 v2, v1  }
0x7d: {  	s25 =	sadd.s32 $0x10, s25  }
0x7e: {  	s26 =	sadd.s32 $0x10, s26;
	[tilespmem:s25+$0x0] =	vst v1  }
0x7f: {  	s28 =	sadd.s32 $0x10, s28;
	v1 =	vld [tilespmem:s26+$0x0]  }
0x80: {  	s17 =	sand.u32 $0x1F0, s17  }
0x81: {  	v2 =	vld [tilespmem:s17+$0x3600];
	_ =	sdelay $0x2  }
0x82: {  	v0 =	vadd.f32 v1, v0;
	_ =	sdelay $0x1  }
0x83: {  	v0 =	vadd.f32 v2, v0  }
0x84: {  	s26 =	sadd.s32 $0x10, s25  }
0x85: {  	s0 =	simm.s32 $0x3;
	[tilespmem:s26+$0x0] =	vst v0  }
0x86: {  	_ =	swait.ge [sflag:s0], $0x400  }
0x87: {  	s28 =	simm.s32 $0x0;
	[sflag:s0] =	ssyncset.done $0x0  }
0x88: {  	s26 =	sand.u32 $0x1F0, s28;
	[sflag:s0] =	ssyncadd.s32 $0xFFFFFC00  }
0x89: {  	s25 =	simm.s32 $0x6800;
	s17 =	simm.s32 $0x10;
	v0 =	vld [tilespmem:s26+$0x3800]  }
.LBB2_4:
0x8a: {  	p0 =	sne.s32 s17, $0x1F0;
	v1 =	vld [tilespmem:s25+$0x0];
	_ =	sdelay $0x1  }
0x8b: {  	v2 =	vld [tilespmem:s26+$0x3A00];
	_ =	sdelay $0x2  }
0x8c: {  	v0 =	vadd.f32 v0, v1  }
.Ltmp1:
0x8d: {  	(pc) =	sbr.rel @p0 .LBB2_4-.Ltmp1, $3  }
0x8e: {  	v0 =	vadd.f32 v2, v0;
	_ =	sdelay $0x1  }
0x8f: {  	s26 =	sand.u32 $0x1F0, s17;
	[tilespmem:s25+$0x0] =	vst v0  }
0x90: {  	s17 =	sadd.s32 $0x10, s17;
	s25 =	sadd.s32 $0x10, s25;
	v0 =	vld [tilespmem:s26+$0x3800]  }
0x91: {  	v1 =	vld [tilespmem:s25+$0x0];
	_ =	sdelay $0x1  }
0x92: {  	v2 =	vld [tilespmem:s26+$0x3A00];
	_ =	sdelay $0x2  }
0x93: {  	v0 =	vadd.f32 v0, v1;
	_ =	sdelay $0x1  }
0x94: {  	v0 =	vadd.f32 v2, v0;
	_ =	sdelay $0x1  }
0x95: {  	[tilespmem:s25+$0x0] =	vst v0  }
0x96: {  	_ =	swait.ge [sflag:s8], $0x400  }
0x97: {  	s17 =	simm.s32 $0x0;
	[sflag:s8] =	ssyncset.done $0x0  }
0x98: {  	s26 =	sand.u32 $0x1F0, s17;
	[sflag:s8] =	ssyncadd.s32 $0xFFFFFC00  }
0x99: {  	s17 =	simm.s32 $0x10;
	s25 =	simm.s32 $0x6800;
	v0 =	vld [tilespmem:s26+$0x3C00]  }
.LBB2_6:
0x9a: {  	p0 =	sne.s32 s17, $0x1F0;
	v1 =	vld [tilespmem:s25+$0x0];
	_ =	sdelay $0x1  }
0x9b: {  	v2 =	vld [tilespmem:s26+$0x3E00];
	_ =	sdelay $0x2  }
0x9c: {  	v0 =	vadd.f32 v0, v1  }
.Ltmp2:
0x9d: {  	(pc) =	sbr.rel @p0 .LBB2_6-.Ltmp2, $3  }
0x9e: {  	v0 =	vadd.f32 v2, v0;
	_ =	sdelay $0x1  }
0x9f: {  	s26 =	sand.u32 $0x1F0, s17;
	[tilespmem:s25+$0x0] =	vst v0  }
0xa0: {  	s17 =	sadd.s32 $0x10, s17;
	s25 =	sadd.s32 $0x10, s25;
	v0 =	vld [tilespmem:s26+$0x3C00]  }
0xa1: {  	v1 =	vld [tilespmem:s25+$0x0];
	_ =	sdelay $0x1  }
0xa2: {  	v2 =	vld [tilespmem:s26+$0x3E00];
	_ =	sdelay $0x2  }
0xa3: {  	v0 =	vadd.f32 v0, v1;
	_ =	sdelay $0x1  }
0xa4: {  	v0 =	vadd.f32 v2, v0;
	_ =	sdelay $0x1  }
0xa5: {  	[tilespmem:s25+$0x0] =	vst v0  }
0xa6: {  	_ =	swait.ge [sflag:s9], $0x400  }
0xa7: {  	s17 =	simm.s32 $0x0;
	[sflag:s9] =	ssyncset.done $0x0  }
0xa8: {  	s26 =	sand.u32 $0x1F0, s17;
	[sflag:s9] =	ssyncadd.s32 $0xFFFFFC00  }
0xa9: {  	s17 =	simm.s32 $0x10;
	s25 =	simm.s32 $0x6800;
	v0 =	vld [tilespmem:s26+$0x4000]  }
.LBB2_8:
0xaa: {  	p0 =	sne.s32 s17, $0x1F0;
	v1 =	vld [tilespmem:s25+$0x0];
	_ =	sdelay $0x1  }
0xab: {  	v2 =	vld [tilespmem:s26+$0x4200];
	_ =	sdelay $0x2  }
0xac: {  	v0 =	vadd.f32 v0, v1  }
.Ltmp3:
0xad: {  	(pc) =	sbr.rel @p0 .LBB2_8-.Ltmp3, $3  }
0xae: {  	v0 =	vadd.f32 v2, v0;
	_ =	sdelay $0x1  }
0xaf: {  	s26 =	sand.u32 $0x1F0, s17;
	[tilespmem:s25+$0x0] =	vst v0  }
0xb0: {  	s17 =	sadd.s32 $0x10, s17;
	s25 =	sadd.s32 $0x10, s25;
	v0 =	vld [tilespmem:s26+$0x4000]  }
0xb1: {  	v1 =	vld [tilespmem:s25+$0x0];
	_ =	sdelay $0x1  }
0xb2: {  	v2 =	vld [tilespmem:s26+$0x4200];
	_ =	sdelay $0x2  }
0xb3: {  	v0 =	vadd.f32 v0, v1;
	_ =	sdelay $0x1  }
0xb4: {  	v0 =	vadd.f32 v2, v0;
	_ =	sdelay $0x1  }
0xb5: {  	[tilespmem:s25+$0x0] =	vst v0  }
0xb6: {  	_ =	swait.ge [sflag:s10], $0x400  }
0xb7: {  	s17 =	simm.s32 $0x0;
	[sflag:s10] =	ssyncset.done $0x0  }
0xb8: {  	s26 =	sand.u32 $0x1F0, s17;
	[sflag:s10] =	ssyncadd.s32 $0xFFFFFC00  }
0xb9: {  	s17 =	simm.s32 $0x10;
	s25 =	simm.s32 $0x6800;
	v0 =	vld [tilespmem:s26+$0x4400]  }
.LBB2_10:
0xba: {  	p0 =	sne.s32 s17, $0x1F0;
	v1 =	vld [tilespmem:s25+$0x0];
	_ =	sdelay $0x1  }
0xbb: {  	v2 =	vld [tilespmem:s26+$0x4600];
	_ =	sdelay $0x2  }
0xbc: {  	v0 =	vadd.f32 v0, v1  }
.Ltmp4:
0xbd: {  	(pc) =	sbr.rel @p0 .LBB2_10-.Ltmp4, $3  }
0xbe: {  	v0 =	vadd.f32 v2, v0;
	_ =	sdelay $0x1  }
0xbf: {  	s26 =	sand.u32 $0x1F0, s17;
	[tilespmem:s25+$0x0] =	vst v0  }
0xc0: {  	s17 =	sadd.s32 $0x10, s17;
	s25 =	sadd.s32 $0x10, s25;
	v0 =	vld [tilespmem:s26+$0x4400]  }
0xc1: {  	v1 =	vld [tilespmem:s25+$0x0];
	_ =	sdelay $0x1  }
0xc2: {  	v2 =	vld [tilespmem:s26+$0x4600];
	_ =	sdelay $0x2  }
0xc3: {  	v0 =	vadd.f32 v0, v1;
	_ =	sdelay $0x1  }
0xc4: {  	v0 =	vadd.f32 v2, v0;
	_ =	sdelay $0x1  }
0xc5: {  	[tilespmem:s25+$0x0] =	vst v0  }
0xc6: {  	_ =	swait.ge [sflag:s11], $0x400  }
0xc7: {  	s17 =	simm.s32 $0x0;
	[sflag:s11] =	ssyncset.done $0x0  }
0xc8: {  	s26 =	sand.u32 $0x1F0, s17;
	[sflag:s11] =	ssyncadd.s32 $0xFFFFFC00  }
0xc9: {  	s17 =	simm.s32 $0x10;
	s25 =	simm.s32 $0x6800;
	v0 =	vld [tilespmem:s26+$0x4800]  }
.LBB2_12:
0xca: {  	p0 =	sne.s32 s17, $0x1F0;
	v1 =	vld [tilespmem:s25+$0x0];
	_ =	sdelay $0x1  }
0xcb: {  	v2 =	vld [tilespmem:s26+$0x4A00];
	_ =	sdelay $0x2  }
0xcc: {  	v0 =	vadd.f32 v0, v1  }
.Ltmp5:
0xcd: {  	(pc) =	sbr.rel @p0 .LBB2_12-.Ltmp5, $3  }
0xce: {  	v0 =	vadd.f32 v2, v0;
	_ =	sdelay $0x1  }
0xcf: {  	s26 =	sand.u32 $0x1F0, s17;
	[tilespmem:s25+$0x0] =	vst v0  }
0xd0: {  	s17 =	sadd.s32 $0x10, s17;
	s25 =	sadd.s32 $0x10, s25;
	v0 =	vld [tilespmem:s26+$0x4800]  }
0xd1: {  	v1 =	vld [tilespmem:s25+$0x0];
	_ =	sdelay $0x1  }
0xd2: {  	v2 =	vld [tilespmem:s26+$0x4A00];
	_ =	sdelay $0x2  }
0xd3: {  	v0 =	vadd.f32 v0, v1;
	_ =	sdelay $0x1  }
0xd4: {  	v0 =	vadd.f32 v2, v0;
	_ =	sdelay $0x1  }
0xd5: {  	[tilespmem:s25+$0x0] =	vst v0  }
0xd6: {  	_ =	swait.ge [sflag:s12], $0x400  }
0xd7: {  	s17 =	simm.s32 $0x0;
	[sflag:s12] =	ssyncset.done $0x0  }
0xd8: {  	s26 =	sand.u32 $0x1F0, s17;
	[sflag:s12] =	ssyncadd.s32 $0xFFFFFC00  }
0xd9: {  	s17 =	simm.s32 $0x10;
	s25 =	simm.s32 $0x6800;
	v0 =	vld [tilespmem:s26+$0x4C00]  }
.LBB2_14:
0xda: {  	p0 =	sne.s32 s17, $0x1F0;
	v1 =	vld [tilespmem:s25+$0x0];
	_ =	sdelay $0x1  }
0xdb: {  	v2 =	vld [tilespmem:s26+$0x4E00];
	_ =	sdelay $0x2  }
0xdc: {  	v0 =	vadd.f32 v0, v1  }
.Ltmp6:
0xdd: {  	(pc) =	sbr.rel @p0 .LBB2_14-.Ltmp6, $3  }
0xde: {  	v0 =	vadd.f32 v2, v0;
	_ =	sdelay $0x1  }
0xdf: {  	s26 =	sand.u32 $0x1F0, s17;
	[tilespmem:s25+$0x0] =	vst v0  }
0xe0: {  	s17 =	sadd.s32 $0x10, s17;
	s25 =	sadd.s32 $0x10, s25;
	v0 =	vld [tilespmem:s26+$0x4C00]  }
0xe1: {  	v1 =	vld [tilespmem:s25+$0x0];
	_ =	sdelay $0x1  }
0xe2: {  	v2 =	vld [tilespmem:s26+$0x4E00];
	_ =	sdelay $0x2  }
0xe3: {  	v0 =	vadd.f32 v0, v1;
	_ =	sdelay $0x1  }
0xe4: {  	v0 =	vadd.f32 v2, v0;
	_ =	sdelay $0x1  }
0xe5: {  	[tilespmem:s25+$0x0] =	vst v0  }
0xe6: {  	_ =	swait.ge [sflag:s21], $0x400  }
0xe7: {  	s17 =	simm.s32 $0x0;
	[sflag:s21] =	ssyncset.done $0x0  }
0xe8: {  	s26 =	sand.u32 $0x1F0, s17;
	[sflag:s21] =	ssyncadd.s32 $0xFFFFFC00  }
0xe9: {  	s17 =	simm.s32 $0x10;
	s25 =	simm.s32 $0x6800;
	v0 =	vld [tilespmem:s26+$0x5000]  }
.LBB2_16:
0xea: {  	p0 =	sne.s32 s17, $0x1F0;
	v1 =	vld [tilespmem:s25+$0x0];
	_ =	sdelay $0x1  }
0xeb: {  	v2 =	vld [tilespmem:s26+$0x5200];
	_ =	sdelay $0x2  }
0xec: {  	v0 =	vadd.f32 v0, v1  }
.Ltmp7:
0xed: {  	(pc) =	sbr.rel @p0 .LBB2_16-.Ltmp7, $3  }
0xee: {  	v0 =	vadd.f32 v2, v0;
	_ =	sdelay $0x1  }
0xef: {  	s26 =	sand.u32 $0x1F0, s17;
	[tilespmem:s25+$0x0] =	vst v0  }
0xf0: {  	s17 =	sadd.s32 $0x10, s17;
	s25 =	sadd.s32 $0x10, s25;
	v0 =	vld [tilespmem:s26+$0x5000]  }
0xf1: {  	v1 =	vld [tilespmem:s25+$0x0];
	_ =	sdelay $0x1  }
0xf2: {  	v2 =	vld [tilespmem:s26+$0x5200];
	_ =	sdelay $0x2  }
0xf3: {  	v0 =	vadd.f32 v0, v1;
	_ =	sdelay $0x1  }
0xf4: {  	v0 =	vadd.f32 v2, v0;
	_ =	sdelay $0x1  }
0xf5: {  	[tilespmem:s25+$0x0] =	vst v0  }
0xf6: {  	_ =	swait.ge [sflag:s13], $0x400  }
0xf7: {  	s17 =	simm.s32 $0x0;
	[sflag:s13] =	ssyncset.done $0x0  }
0xf8: {  	s26 =	sand.u32 $0x1F0, s17;
	[sflag:s13] =	ssyncadd.s32 $0xFFFFFC00  }
0xf9: {  	s17 =	simm.s32 $0x10;
	s25 =	simm.s32 $0x6800;
	v0 =	vld [tilespmem:s26+$0x5400]  }
.LBB2_18:
0xfa: {  	p0 =	sne.s32 s17, $0x1F0;
	v1 =	vld [tilespmem:s25+$0x0];
	_ =	sdelay $0x1  }
0xfb: {  	v2 =	vld [tilespmem:s26+$0x5600];
	_ =	sdelay $0x2  }
0xfc: {  	v0 =	vadd.f32 v0, v1  }
.Ltmp8:
0xfd: {  	(pc) =	sbr.rel @p0 .LBB2_18-.Ltmp8, $3  }
0xfe: {  	v0 =	vadd.f32 v2, v0;
	_ =	sdelay $0x1  }
0xff: {  	s26 =	sand.u32 $0x1F0, s17;
	[tilespmem:s25+$0x0] =	vst v0  }
0x100: {  	s17 =	sadd.s32 $0x10, s17;
	s25 =	sadd.s32 $0x10, s25;
	v0 =	vld [tilespmem:s26+$0x5400]  }
0x101: {  	v1 =	vld [tilespmem:s25+$0x0];
	_ =	sdelay $0x1  }
0x102: {  	v2 =	vld [tilespmem:s26+$0x5600];
	_ =	sdelay $0x2  }
0x103: {  	v0 =	vadd.f32 v0, v1;
	_ =	sdelay $0x1  }
0x104: {  	v0 =	vadd.f32 v2, v0;
	_ =	sdelay $0x1  }
0x105: {  	[tilespmem:s25+$0x0] =	vst v0  }
0x106: {  	_ =	swait.ge [sflag:s22], $0x400  }
0x107: {  	s17 =	simm.s32 $0x0;
	[sflag:s22] =	ssyncset.done $0x0  }
0x108: {  	s26 =	sand.u32 $0x1F0, s17;
	[sflag:s22] =	ssyncadd.s32 $0xFFFFFC00  }
0x109: {  	s17 =	simm.s32 $0x10;
	s25 =	simm.s32 $0x6800;
	v0 =	vld [tilespmem:s26+$0x5800]  }
.LBB2_20:
0x10a: {  	p0 =	sne.s32 s17, $0x1F0;
	v1 =	vld [tilespmem:s25+$0x0];
	_ =	sdelay $0x1  }
0x10b: {  	v2 =	vld [tilespmem:s26+$0x5A00];
	_ =	sdelay $0x2  }
0x10c: {  	v0 =	vadd.f32 v0, v1  }
.Ltmp9:
0x10d: {  	(pc) =	sbr.rel @p0 .LBB2_20-.Ltmp9, $3  }
0x10e: {  	v0 =	vadd.f32 v2, v0;
	_ =	sdelay $0x1  }
0x10f: {  	s26 =	sand.u32 $0x1F0, s17;
	[tilespmem:s25+$0x0] =	vst v0  }
0x110: {  	s17 =	sadd.s32 $0x10, s17;
	s25 =	sadd.s32 $0x10, s25;
	v0 =	vld [tilespmem:s26+$0x5800]  }
0x111: {  	v1 =	vld [tilespmem:s25+$0x0];
	_ =	sdelay $0x1  }
0x112: {  	v2 =	vld [tilespmem:s26+$0x5A00];
	_ =	sdelay $0x2  }
0x113: {  	v0 =	vadd.f32 v0, v1;
	_ =	sdelay $0x1  }
0x114: {  	v0 =	vadd.f32 v2, v0;
	_ =	sdelay $0x1  }
0x115: {  	[tilespmem:s25+$0x0] =	vst v0  }
0x116: {  	_ =	swait.ge [sflag:s14], $0x400  }
0x117: {  	s17 =	simm.s32 $0x0;
	[sflag:s14] =	ssyncset.done $0x0  }
0x118: {  	s26 =	sand.u32 $0x1F0, s17;
	[sflag:s14] =	ssyncadd.s32 $0xFFFFFC00  }
0x119: {  	s17 =	simm.s32 $0x10;
	s25 =	simm.s32 $0x6800;
	v0 =	vld [tilespmem:s26+$0x5C00]  }
.LBB2_22:
0x11a: {  	p0 =	sne.s32 s17, $0x1F0;
	v1 =	vld [tilespmem:s25+$0x0];
	_ =	sdelay $0x1  }
0x11b: {  	v2 =	vld [tilespmem:s26+$0x5E00];
	_ =	sdelay $0x2  }
0x11c: {  	v0 =	vadd.f32 v0, v1  }
.Ltmp10:
0x11d: {  	(pc) =	sbr.rel @p0 .LBB2_22-.Ltmp10, $3  }
0x11e: {  	v0 =	vadd.f32 v2, v0;
	_ =	sdelay $0x1  }
0x11f: {  	s26 =	sand.u32 $0x1F0, s17;
	[tilespmem:s25+$0x0] =	vst v0  }
0x120: {  	s17 =	sadd.s32 $0x10, s17;
	s25 =	sadd.s32 $0x10, s25;
	v0 =	vld [tilespmem:s26+$0x5C00]  }
0x121: {  	v1 =	vld [tilespmem:s25+$0x0];
	_ =	sdelay $0x1  }
0x122: {  	v2 =	vld [tilespmem:s26+$0x5E00];
	_ =	sdelay $0x2  }
0x123: {  	v0 =	vadd.f32 v0, v1;
	_ =	sdelay $0x1  }
0x124: {  	v0 =	vadd.f32 v2, v0;
	_ =	sdelay $0x1  }
0x125: {  	[tilespmem:s25+$0x0] =	vst v0  }
0x126: {  	_ =	swait.ge [sflag:s23], $0x400  }
0x127: {  	s17 =	simm.s32 $0x0;
	[sflag:s23] =	ssyncset.done $0x0  }
0x128: {  	s26 =	sand.u32 $0x1F0, s17;
	[sflag:s23] =	ssyncadd.s32 $0xFFFFFC00  }
0x129: {  	s17 =	simm.s32 $0x10;
	s25 =	simm.s32 $0x6800;
	v0 =	vld [tilespmem:s26+$0x6000]  }
.LBB2_24:
0x12a: {  	p0 =	sne.s32 s17, $0x1F0;
	v1 =	vld [tilespmem:s25+$0x0];
	_ =	sdelay $0x1  }
0x12b: {  	v2 =	vld [tilespmem:s26+$0x6200];
	_ =	sdelay $0x2  }
0x12c: {  	v0 =	vadd.f32 v0, v1  }
.Ltmp11:
0x12d: {  	(pc) =	sbr.rel @p0 .LBB2_24-.Ltmp11, $3  }
0x12e: {  	v0 =	vadd.f32 v2, v0;
	_ =	sdelay $0x1  }
0x12f: {  	s26 =	sand.u32 $0x1F0, s17;
	[tilespmem:s25+$0x0] =	vst v0  }
0x130: {  	s17 =	sadd.s32 $0x10, s17;
	s25 =	sadd.s32 $0x10, s25;
	v0 =	vld [tilespmem:s26+$0x6000]  }
0x131: {  	v1 =	vld [tilespmem:s25+$0x0];
	_ =	sdelay $0x1  }
0x132: {  	v2 =	vld [tilespmem:s26+$0x6200];
	_ =	sdelay $0x2  }
0x133: {  	v0 =	vadd.f32 v0, v1;
	_ =	sdelay $0x1  }
0x134: {  	v0 =	vadd.f32 v2, v0;
	_ =	sdelay $0x1  }
0x135: {  	[tilespmem:s25+$0x0] =	vst v0  }
0x136: {  	_ =	swait.ge [sflag:s15], $0x400  }
0x137: {  	s17 =	simm.s32 $0x0;
	[sflag:s15] =	ssyncset.done $0x0  }
0x138: {  	s26 =	sand.u32 $0x1F0, s17;
	[sflag:s15] =	ssyncadd.s32 $0xFFFFFC00  }
0x139: {  	s17 =	simm.s32 $0x10;
	s25 =	simm.s32 $0x6800;
	v0 =	vld [tilespmem:s26+$0x6400]  }
.LBB2_26:
0x13a: {  	p0 =	sne.s32 s17, $0x1F0;
	v1 =	vld [tilespmem:s25+$0x0];
	_ =	sdelay $0x1  }
0x13b: {  	v2 =	vld [tilespmem:s26+$0x6600];
	_ =	sdelay $0x2  }
0x13c: {  	v0 =	vadd.f32 v0, v1  }
.Ltmp12:
0x13d: {  	(pc) =	sbr.rel @p0 .LBB2_26-.Ltmp12, $3  }
0x13e: {  	v0 =	vadd.f32 v2, v0;
	_ =	sdelay $0x1  }
0x13f: {  	s26 =	sand.u32 $0x1F0, s17;
	[tilespmem:s25+$0x0] =	vst v0  }
0x140: {  	s17 =	sadd.s32 $0x10, s17;
	s25 =	sadd.s32 $0x10, s25;
	v0 =	vld [tilespmem:s26+$0x6400]  }
0x141: {  	v1 =	vld [tilespmem:s25+$0x0];
	_ =	sdelay $0x1  }
0x142: {  	v2 =	vld [tilespmem:s26+$0x6600];
	_ =	sdelay $0x2  }
0x143: {  	v0 =	vadd.f32 v0, v1;
	_ =	sdelay $0x1  }
0x144: {  	v0 =	vadd.f32 v2, v0;
	_ =	sdelay $0x1  }
0x145: {  	s17 =	rddreg [dreg:$0x11];
	[tilespmem:s25+$0x0] =	vst v0  }
0x146: {  	[hbm4b:s17+s3] =	stream.linear.scatter [tilespmem:s1], [sflag:$0xF], $0x200, $0x38;
	[tilespmem:$0x6A80] =	vst v63  }
0x147: {  	_ =	swait.ge [sflag:s2], $0x200  }
0x148: {  	s16 =	sadd.s32 $0x1, s16;
	s28 =	rddreg [dreg:$0x12]  }
0x149: {  	p0 =	sne.s32 s16, s28  }
.Ltmp13:
0x14a: {  	_ = 	snop;
	(pc) =	sbr.rel @p0 .LBB2_1-.Ltmp13, $3  }
0x14b: {  	_ =	sdelay $0x1  }
0x14c: {  	[sflag:s2] =	ssyncset.done $0x0  }
0x14d: {  	[sflag:s2] =	ssyncadd.s32 $0xFFFFFE00  }
0x14e: {  	_ =	sfence.sel $0x180000  }
0x14f: {  	[bflag:$0x0] =	sbarrier.arrive $0xFFFF  }
0x150: {  	_ =	strace $0x9000004A  }
0x151: {  	s0 =	stileid.u32;
	[bflag:$0x2] =	sbarrier.arrive $0xFFFF  }
0x152: {  	p0 =	sne.s32 s0, $0x0;
	s0 =	rddreg [dreg:$0x3]  }
0x153: {  	s0 =	sadd.s32 @!p0 $0x100000, s0  }
0x154: {  	[sflag:s0] =	ssyncadd.tile.s32 @!p0 $0x1;
	_ =	shalt  }
.Lfunc_end2:
_tile_overlayer_lowered:
.L_overlay_start_2:
0x155: {  	(tag) =	ssettag $0x2  }
0x156: {  	s0 =	rddreg [dreg:$0x0];
	s2 =	stileid.u32  }
0x157: {  	s1 =	rddreg [dreg:$0x1];
	p0 =	sne.s32 s2, $0x0  }
0x158: {  	s3 =	rddreg [dreg:$0x2];
	[bflag:$0x3] =	sbarrier.arrive $0xFFFF;
	s2 =	simm.s32 @!p0 $0x1C0F  }
0x159: {  	[timem:s3], [sflag:s2] =	dma.local @!p0 [hbm:s0], s1  }
0x15a: {  	s0 =	simm.s32 @!p0 $0xF  }
0x15b: {  	_ =	swait.ge @!p0 [sflag:s0], s1  }
0x15c: {  	s1 =	ssub.s32 @!p0 $0x0, s1;
	[sflag:s0] =	ssyncset.done @!p0 $0x0  }
0x15d: {  	[sflag:s0] =	ssyncadd.s32 @!p0 s1  }
0x15e: {  	[bflag:$0x3] =	sbarrier.arrive $0xFFFF  }
0x15f: {  	_ =	shalt  }

</sc_bundles>
